<compile_context>
chip_gen: v7x
topology: tpu7x:2x2x1
jax: 0.10.2.dev20260603
libtpu: 0.0.44.dev20260713+nightly
codegen_flags: <defaults>
</compile_context>

<pallas_src>
import functools

import jax
import jax.numpy as jnp
from jax import lax
from jax.experimental import pallas as pl
from jax.experimental.pallas import tpu as pltpu
from jax.experimental.pallas import tpu_sc as plsc

N = 10000
E = 320000
D_IN = 128
D_H = 128
D_OUT = 64

NS = 16
CHUNK = 128
NCH = 162
EP = NS * NCH * CHUNK
ACC_ROWS = 10240
RPS = ACC_ROWS // NS

_MESH = plsc.VectorSubcoreMesh(core_axis_name="c", subcore_axis_name="s")
_SC_PARAMS = pltpu.CompilerParams(use_tc_tiling_on_sc=False)


def _writeback(acc_sh, out_hbm, s):
    @pl.when(s < NS - 1)
    def _():
        pltpu.sync_copy(acc_sh.at[pl.ds(s * RPS, RPS)],
                        out_hbm.at[pl.ds(s * RPS, RPS)])

    @pl.when(s == NS - 1)
    def _():
        pltpu.sync_copy(acc_sh.at[pl.ds((NS - 1) * RPS, N - (NS - 1) * RPS)],
                        out_hbm.at[pl.ds((NS - 1) * RPS, N - (NS - 1) * RPS)])


def _sc_deg():
    @functools.partial(
        pl.kernel,
        out_type=jax.ShapeDtypeStruct((N, 8), jnp.float32),
        mesh=_MESH,
        compiler_params=_SC_PARAMS,
        scratch_types=[
            pltpu.VMEM((NCH, CHUNK), jnp.int32),
            pltpu.VMEM((CHUNK, 8), jnp.float32),
            pltpu.VMEM_SHARED((ACC_ROWS, 8), jnp.float32),
        ],
    )
    def k(dst_hbm, ones_hbm, zeros_hbm, out_hbm, di_v, rows_v, acc_sh):
        c = lax.axis_index("c")
        s = lax.axis_index("s")

        @pl.when(c == 0)
        def _():
            pltpu.sync_copy(zeros_hbm, acc_sh.at[pl.ds(s * RPS, RPS)])
            pltpu.sync_copy(ones_hbm, rows_v)
            pltpu.sync_copy(dst_hbm.at[s], di_v)
            plsc.subcore_barrier()

            def body(j, carry):
                pltpu.sync_copy(rows_v, acc_sh.at[di_v.at[j]], add=True)
                return carry

            lax.fori_loop(0, NCH, body, 0)
            plsc.subcore_barrier()
            _writeback(acc_sh, out_hbm, s)

    return k


def _sc_agg():
    d = D_OUT
    @functools.partial(
        pl.kernel,
        out_type=[jax.ShapeDtypeStruct((N, d), jnp.float32),
                  jax.ShapeDtypeStruct((N, d), jnp.float32)],
        mesh=_MESH,
        compiler_params=_SC_PARAMS,
        scratch_types=[
            pltpu.VMEM((NCH, CHUNK), jnp.int32),
            pltpu.VMEM((NCH, CHUNK), jnp.int32),
            pltpu.VMEM((CHUNK, d), jnp.float32),
            pltpu.VMEM((CHUNK, d), jnp.float32),
            pltpu.VMEM_SHARED((ACC_ROWS, d), jnp.float32),
            pltpu.SemaphoreType.DMA,
            pltpu.SemaphoreType.DMA,
        ],
    )
    def k(x0_hbm, x1_hbm, gidx0_hbm, gidx1_hbm, dst_hbm, zeros_hbm,
          out0_hbm, out1_hbm, gi_v, di_v, rows0_v, rows1_v, acc_sh,
          sem0, sem1):
        c = lax.axis_index("c")
        s = lax.axis_index("s")

        pltpu.sync_copy(zeros_hbm, acc_sh.at[pl.ds(s * RPS, RPS)])
        pltpu.sync_copy(dst_hbm.at[s], di_v)

        @pl.when(c == 0)
        def _():
            pltpu.sync_copy(gidx0_hbm.at[s], gi_v)

        @pl.when(c == 1)
        def _():
            pltpu.sync_copy(gidx1_hbm.at[s], gi_v)

        plsc.subcore_barrier()

        def issue(j, buf, sem):
            @pl.when(c == 0)
            def _():
                pltpu.async_copy(x0_hbm.at[gi_v.at[j]], buf, sem)

            @pl.when(c == 1)
            def _():
                pltpu.async_copy(x1_hbm.at[gi_v.at[j]], buf, sem)

        def drain(buf, sem):
            pltpu.make_async_copy(x0_hbm.at[gi_v.at[0]], buf, sem).wait()

        issue(0, rows0_v, sem0)

        def body(t, carry):
            j0 = 2 * t
            issue(j0 + 1, rows1_v, sem1)
            drain(rows0_v, sem0)
            pltpu.sync_copy(rows0_v, acc_sh.at[di_v.at[j0]], add=True)

            @pl.when(j0 + 2 < NCH)
            def _():
                issue(j0 + 2, rows0_v, sem0)

            drain(rows1_v, sem1)
            pltpu.sync_copy(rows1_v, acc_sh.at[di_v.at[j0 + 1]], add=True)
            return carry

        lax.fori_loop(0, NCH // 2, body, 0)
        plsc.subcore_barrier()

        @pl.when(c == 0)
        def _():
            _writeback(acc_sh, out0_hbm, s)

        @pl.when(c == 1)
        def _():
            _writeback(acc_sh, out1_hbm, s)

    return k


_RB = 1000


def _tc_lin1(gene, w1):
    def body(x_ref, w_ref, o_ref):
        o_ref[...] = jnp.dot(x_ref[...], w_ref[...],
                             preferred_element_type=jnp.float32)

    return pl.pallas_call(
        body,
        grid=(N // _RB,),
        in_specs=[pl.BlockSpec((_RB, D_IN), lambda i: (i, 0)),
                  pl.BlockSpec((D_IN, D_H), lambda i: (0, 0))],
        out_specs=pl.BlockSpec((_RB, D_H), lambda i: (i, 0)),
        out_shape=jax.ShapeDtypeStruct((N, D_H), jnp.float32),
    )(gene, w1)


def _tc_prescale(lin1, deg8, deg8ip):
    def body(l_ref, d_ref, dip_ref, o1a_ref, o1b_ref, o2a_ref, o2b_ref):
        l = l_ref[...]
        dis = lax.rsqrt(d_ref[:, :1])
        disip = lax.rsqrt(dip_ref[:, :1])
        o1a_ref[...] = l[:, :D_OUT] * dis
        o1b_ref[...] = l[:, D_OUT:] * dis
        o2a_ref[...] = l[:, :D_OUT] * disip
        o2b_ref[...] = l[:, D_OUT:] * disip

    return pl.pallas_call(
        body,
        grid=(N // _RB,),
        in_specs=[pl.BlockSpec((_RB, D_H), lambda i: (i, 0)),
                  pl.BlockSpec((_RB, 8), lambda i: (i, 0)),
                  pl.BlockSpec((_RB, 8), lambda i: (i, 0))],
        out_specs=[pl.BlockSpec((_RB, D_OUT), lambda i: (i, 0))] * 4,
        out_shape=[jax.ShapeDtypeStruct((N, D_OUT), jnp.float32)] * 4,
    )(lin1, deg8, deg8ip)


def _tc_layer2(raw1a, raw1b, raw1ca, raw1cb, deg8, w2, b1):
    def body(ra_ref, rb_ref, rca_ref, rcb_ref, d_ref, w_ref, b_ref,
             o1_ref, o2_ref):
        dis = lax.rsqrt(d_ref[:, :1])
        r = jnp.concatenate([ra_ref[...], rb_ref[...]], axis=1)
        rc = jnp.concatenate([rca_ref[...], rcb_ref[...]], axis=1)
        h = jax.nn.relu(dis * r + b_ref[...])
        hc = jax.nn.relu(dis * rc + b_ref[...])
        o1_ref[...] = jnp.dot(h, w_ref[...],
                              preferred_element_type=jnp.float32) * dis
        o2_ref[...] = jnp.dot(hc, w_ref[...],
                              preferred_element_type=jnp.float32) * dis

    return pl.pallas_call(
        body,
        grid=(N // _RB,),
        in_specs=[pl.BlockSpec((_RB, D_OUT), lambda i: (i, 0)),
                  pl.BlockSpec((_RB, D_OUT), lambda i: (i, 0)),
                  pl.BlockSpec((_RB, D_OUT), lambda i: (i, 0)),
                  pl.BlockSpec((_RB, D_OUT), lambda i: (i, 0)),
                  pl.BlockSpec((_RB, 8), lambda i: (i, 0)),
                  pl.BlockSpec((D_H, D_OUT), lambda i: (0, 0)),
                  pl.BlockSpec((1, D_H), lambda i: (0, 0))],
        out_specs=[pl.BlockSpec((_RB, D_OUT), lambda i: (i, 0)),
                   pl.BlockSpec((_RB, D_OUT), lambda i: (i, 0))],
        out_shape=[jax.ShapeDtypeStruct((N, D_OUT), jnp.float32),
                   jax.ShapeDtypeStruct((N, D_OUT), jnp.float32)],
    )(raw1a, raw1b, raw1ca, raw1cb, deg8, w2, b1)


def _tc_final(raw2, raw2c, deg8, b2, wd):
    def body(r_ref, rc_ref, d_ref, b_ref, w_ref, x_ref, xc_ref, a_ref, bm_ref):
        dis = lax.rsqrt(d_ref[:, :1])
        x = jax.nn.relu(dis * r_ref[...] + b_ref[...])
        xc = jax.nn.relu(dis * rc_ref[...] + b_ref[...])
        x_ref[...] = x
        xc_ref[...] = xc
        a_ref[...] = jnp.dot(x, w_ref[...], preferred_element_type=jnp.float32)
        bm_ref[...] = jnp.dot(xc, w_ref[...], preferred_element_type=jnp.float32)

    return pl.pallas_call(
        body,
        grid=(N // _RB,),
        in_specs=[pl.BlockSpec((_RB, D_OUT), lambda i: (i, 0)),
                  pl.BlockSpec((_RB, D_OUT), lambda i: (i, 0)),
                  pl.BlockSpec((_RB, 8), lambda i: (i, 0)),
                  pl.BlockSpec((1, D_OUT), lambda i: (0, 0)),
                  pl.BlockSpec((D_OUT, D_OUT), lambda i: (0, 0))],
        out_specs=[pl.BlockSpec((_RB, D_OUT), lambda i: (i, 0)),
                   pl.BlockSpec((_RB, D_OUT), lambda i: (i, 0)),
                   pl.BlockSpec((_RB, D_OUT), lambda i: (i, 0)),
                   pl.BlockSpec((_RB, D_OUT), lambda i: (i, 0))],
        out_shape=[jax.ShapeDtypeStruct((N, D_OUT), jnp.float32)] * 4,
    )(raw2, raw2c, deg8, b2, wd)


_RO_RB = 200


def _tc_readout(mask, embx, a, b, bd2):
    def body(m_ref, e_ref, a_ref, b_ref, bd_ref, r1_ref, r1c_ref):
        s = jnp.dot(m_ref[...].astype(jnp.bfloat16),
                    e_ref[...].astype(jnp.bfloat16),
                    preferred_element_type=jnp.float32)
        rs = s[:, 128:129]
        v1 = s[:, :64] / rs
        v2 = s[:, 64:128] / rs
        n1 = jnp.maximum(jnp.sqrt(jnp.sum(v1 * v1, axis=1, keepdims=True)),
                         1e-12)
        n2 = jnp.maximum(jnp.sqrt(jnp.sum(v2 * v2, axis=1, keepdims=True)),
                         1e-12)
        g1 = jax.nn.sigmoid(v1 / n1)
        g1c = jax.nn.sigmoid(v2 / n2)
        bd = bd_ref[0, 0]
        av = a_ref[...]
        bv = b_ref[...]
        z = jnp.zeros((_RO_RB, 6), jnp.float32)
        sc11 = jnp.sum(av * g1, axis=1, keepdims=True) + bd
        sc12 = jnp.sum(bv * g1, axis=1, keepdims=True) + bd
        sc21 = jnp.sum(bv * g1c, axis=1, keepdims=True) + bd
        sc22 = jnp.sum(av * g1c, axis=1, keepdims=True) + bd
        r1_ref[...] = jnp.concatenate([sc11, sc12, z], axis=1)
        r1c_ref[...] = jnp.concatenate([sc21, sc22, z], axis=1)

    return pl.pallas_call(
        body,
        grid=(N // _RO_RB,),
        in_specs=[pl.BlockSpec((_RO_RB, N), lambda i: (i, 0)),
                  pl.BlockSpec((N, 144), lambda i: (0, 0)),
                  pl.BlockSpec((_RO_RB, D_OUT), lambda i: (i, 0)),
                  pl.BlockSpec((_RO_RB, D_OUT), lambda i: (i, 0)),
                  pl.BlockSpec(memory_space=pltpu.SMEM)],
        out_specs=[pl.BlockSpec((_RO_RB, 8), lambda i: (i, 0)),
                   pl.BlockSpec((_RO_RB, 8), lambda i: (i, 0))],
        out_shape=[jax.ShapeDtypeStruct((N, 8), jnp.float32),
                   jax.ShapeDtypeStruct((N, 8), jnp.float32)],
    )(mask, embx, a, b, bd2)


def kernel(gene_data, spatial_edge_index, mask, W1, b1, W2, b2, Wd, bd):
    ei = spatial_edge_index.astype(jnp.int32)
    loop = jnp.arange(N, dtype=jnp.int32)
    src = jnp.concatenate([ei[0], loop])
    dst = jnp.concatenate([ei[1], loop])
    perm = jax.random.permutation(jax.random.key(1), N).astype(jnp.int32)
    inv_perm = jnp.zeros((N,), jnp.int32).at[perm].set(loop)
    pidx = perm[src]

    pad_g = jnp.zeros((EP - (E + N),), jnp.int32)
    pad_d = jnp.full((EP - (E + N),), N, jnp.int32)
    srcp = jnp.concatenate([src, pad_g]).reshape(NS, NCH, CHUNK)
    pidxp = jnp.concatenate([pidx, pad_g]).reshape(NS, NCH, CHUNK)
    dstp = jnp.concatenate([dst, pad_d]).reshape(NS, NCH, CHUNK)

    ones8 = jnp.ones((CHUNK, 8), jnp.float32)
    zeros8 = jnp.zeros((RPS, 8), jnp.float32)
    zeros64 = jnp.zeros((RPS, D_OUT), jnp.float32)

    deg8 = _sc_deg()(dstp, ones8, zeros8)
    deg8ip = deg8[inv_perm]

    lin1 = _tc_lin1(gene_data, W1)
    x1pa, x1pb, qa, qb = _tc_prescale(lin1, deg8, deg8ip)
    agg = _sc_agg()
    raw1a, raw1ca = agg(x1pa, qa, srcp, pidxp, dstp, zeros64)
    raw1b, raw1cb = agg(x1pb, qb, srcp, pidxp, dstp, zeros64)

    x2p, x2cp = _tc_layer2(raw1a, raw1b, raw1ca, raw1cb, deg8, W2,
                           b1.reshape(1, D_H))
    raw2, raw2c = agg(x2p, x2cp, srcp, srcp, dstp, zeros64)

    x1, x1c, a, bm = _tc_final(raw2, raw2c, deg8, b2.reshape(1, D_OUT), Wd[0])

    embx = jnp.concatenate(
        [x1, x1c, jnp.ones((N, 1), jnp.float32),
         jnp.zeros((N, 15), jnp.float32)], axis=1)
    r1, r1c = _tc_readout(mask, embx, a, bm, bd.reshape(1, 1))
    return x1, r1[:, :2], r1c[:, :2]

# --- scband reference (transcript-rebuilt; emitter-appended) ---
"""Pipeline reference for scband-graph-encoder-with-contrastive-32401233281584 (READ-ONLY COPY).

The authoritative reference and input builder live on the scoring server;
editing this copy changes nothing except your own understanding.
"""

import jax, jax.numpy as jnp
import numpy as np

N = 10000
E = 320000
D_IN = 128
D_H = 128   # hidden_dim // 2
D_OUT = 64


def _glorot(key, shape, fan_in, fan_out):
    limit = float(np.sqrt(6.0 / (fan_in + fan_out)))
    return jax.random.uniform(key, shape, minval=-limit, maxval=limit, dtype=jnp.float32)


def setup_inputs(seed: int = 0) -> dict:
    key = jax.random.key(seed)
    ks = jax.random.split(key, 8)
    gene_data = jax.random.normal(ks[0], (N, D_IN), dtype=jnp.float32)
    spatial_edge_index = jax.random.randint(ks[1], (2, E), 0, N, dtype=jnp.int32)
    # spatial_graph_neigh: dense binary neighborhood mask (init-time tensor in torch module)
    mask = (jax.random.uniform(ks[2], (N, N), dtype=jnp.float32) < 0.003).astype(jnp.float32)
    mask = mask.at[jnp.arange(N), jnp.arange(N)].set(1.0)
    W1 = _glorot(ks[3], (D_IN, D_H), D_IN, D_H)
    b1 = jnp.zeros((D_H,), dtype=jnp.float32)
    W2 = _glorot(ks[4], (D_H, D_OUT), D_H, D_OUT)
    b2 = jnp.zeros((D_OUT,), dtype=jnp.float32)
    Wd = _glorot(ks[5], (1, D_OUT, D_OUT), D_OUT, D_OUT)
    bd = jnp.zeros((1,), dtype=jnp.float32)
    return {"gene_data": gene_data, "spatial_edge_index": spatial_edge_index, "mask": mask,
            "W1": W1, "b1": b1, "W2": W2, "b2": b2, "Wd": Wd, "bd": bd}


def _gcn(x, src, dst, W, b):
    # PyG GCNConv: linear -> add self loops (already in src/dst) -> sym norm -> scatter-add -> bias
    x = x @ W
    deg = jax.ops.segment_sum(jnp.ones_like(src, dtype=x.dtype), dst, num_segments=N)
    dis = jnp.where(deg > 0, 1.0 / jnp.sqrt(jnp.maximum(deg, 1e-12)), 0.0)
    norm = dis[src] * dis[dst]
    out = jax.ops.segment_sum(x[src] * norm[:, None], dst, num_segments=N)
    return out + b


def _readout(emb, mask):
    vsum = mask @ emb
    row_sum = jnp.sum(mask, axis=1)
    g = vsum / row_sum[:, None]
    n = jnp.maximum(jnp.linalg.norm(g, axis=1, keepdims=True), 1e-12)
    return g / n


def _disc(c, h_pl, h_mi, Wd, bd):
    # nn.Bilinear(d, d, 1): sc[i] = sum_jk h[i,j] Wd[0,j,k] c[i,k] + bd
    sc1 = jnp.sum((h_pl @ Wd[0]) * c, axis=1, keepdims=True) + bd
    sc2 = jnp.sum((h_mi @ Wd[0]) * c, axis=1, keepdims=True) + bd
    return jnp.concatenate([sc1, sc2], axis=1)


def reference(gene_data, spatial_edge_index, mask, W1, b1, W2, b2, Wd, bd):
    loop = jnp.arange(N, dtype=spatial_edge_index.dtype)
    src = jnp.concatenate([spatial_edge_index[0], loop])
    dst = jnp.concatenate([spatial_edge_index[1], loop])
    # permutation of node features for the corrupted (negative) view
    perm = jax.random.permutation(jax.random.key(1), N)
    x1 = gene_data            # dropout is identity in eval mode
    x1_c = gene_data[perm]
    x1 = jax.nn.relu(_gcn(x1, src, dst, W1, b1))
    x1_c = jax.nn.relu(_gcn(x1_c, src, dst, W1, b1))
    x1 = jax.nn.relu(_gcn(x1, src, dst, W2, b2))
    x1_c = jax.nn.relu(_gcn(x1_c, src, dst, W2, b2))
    g1 = jax.nn.sigmoid(_readout(x1, mask))
    g1_c = jax.nn.sigmoid(_readout(x1_c, mask))
    ret1 = _disc(g1, x1, x1_c, Wd, bd)
    ret1_c = _disc(g1_c, x1_c, x1, Wd, bd)
    return (x1, ret1, ret1_c)

if __name__ == "__main__":
    import jax
    _d = setup_inputs()
    print(jax.jit(kernel)(*tuple(_d.values())))

</pallas_src>

<mosaic_0001>
#map = affine_map<(d0, d1) -> (0, 0)>
#map1 = affine_map<(d0, d1) -> (0, 0, 0)>
module attributes {stable_mosaic.version = 14 : i64} {
  func.func @k(%arg0: i32, %arg1: i32, %arg2: memref<10000x64xf32, #tpu.memory_space<hbm>>, %arg3: memref<10000x64xf32, #tpu.memory_space<hbm>>, %arg4: memref<16x162x128xi32, #tpu.memory_space<hbm>>, %arg5: memref<16x162x128xi32, #tpu.memory_space<hbm>>, %arg6: memref<16x162x128xi32, #tpu.memory_space<hbm>>, %arg7: memref<640x64xf32, #tpu.memory_space<hbm>>, %arg8: memref<10000x64xf32, #tpu.memory_space<hbm>>, %arg9: memref<10000x64xf32, #tpu.memory_space<hbm>>, %arg10: memref<162x128xi32, #tpu.memory_space<vmem>>, %arg11: memref<162x128xi32, #tpu.memory_space<vmem>>, %arg12: memref<128x64xf32, #tpu.memory_space<vmem>>, %arg13: memref<128x64xf32, #tpu.memory_space<vmem>>, %arg14: memref<10240x64xf32, #tpu.memory_space<vmem_shared>>, %arg15: memref<!tpu.dma_semaphore, #tpu.memory_space<semaphore_mem>>, %arg16: memref<!tpu.dma_semaphore, #tpu.memory_space<semaphore_mem>>) attributes {dimension_semantics = [#tpu.dimension_semantics<core_parallel>, #tpu.dimension_semantics<subcore_parallel>], iteration_bounds = array<i64: 2, 16>, scalar_prefetch = 0 : i64, scratch_operands = 7 : i64, tpu.core_type = #tpu.core_type<sc_vector_subcore>, window_params = [{transform_indices = #map}, {transform_indices = #map}, {transform_indices = #map1}, {transform_indices = #map1}, {transform_indices = #map1}, {transform_indices = #map}, {transform_indices = #map}, {transform_indices = #map}]} {
    %mul3A = arith.constant 640 : i32
    %mul3A_0 = arith.muli %arg1, %mul3A : i32
    "tpu.region"() ({
      %run_scoped3A = tpu.sem_alloc : memref<!tpu.dma_semaphore, #tpu.memory_space<semaphore_mem>>
      %dma_start3A = arith.constant 0 : i32
      %dma_start3A_34 = tpu.memref_slice %arg14[%mul3A_0, %dma_start3A] : memref<10240x64xf32, #tpu.memory_space<vmem_shared>> -> memref<640x64xf32, #tpu.memory_space<vmem_shared>>
      tpu.enqueue_dma source(%arg7 : memref<640x64xf32, #tpu.memory_space<hbm>>) target(%dma_start3A_34 : memref<640x64xf32, #tpu.memory_space<vmem_shared>>) target_semaphore(%run_scoped3A : memref<!tpu.dma_semaphore, #tpu.memory_space<semaphore_mem>>)
      %dma_wait3A = arith.constant 0 : i32
      %dma_wait3A_35 = tpu.memref_slice %arg14[%mul3A_0, %dma_wait3A] : memref<10240x64xf32, #tpu.memory_space<vmem_shared>> -> memref<640x64xf32, #tpu.memory_space<vmem_shared>>
      tpu.wait_dma2 semaphore(%run_scoped3A : memref<!tpu.dma_semaphore, #tpu.memory_space<semaphore_mem>>) src(%arg7 : memref<640x64xf32, #tpu.memory_space<hbm>>) dst(%dma_wait3A_35 : memref<640x64xf32, #tpu.memory_space<vmem_shared>>)
      tpu.yield
    }) : () -> ()
    "tpu.region"() ({
      %run_scoped3A = tpu.sem_alloc : memref<!tpu.dma_semaphore, #tpu.memory_space<semaphore_mem>>
      %dma_start3A = arith.constant 0 : i32
      %dma_start3A_34 = arith.constant 0 : i32
      %dma_start3A_35 = tpu.memref_slice %arg6[%arg1, %dma_start3A, %dma_start3A_34] : memref<16x162x128xi32, #tpu.memory_space<hbm>> -> memref<1x162x128xi32, #tpu.memory_space<hbm>>
      %dma_start3A_36 = tpu.memref_squeeze %dma_start3A_35 : memref<1x162x128xi32, #tpu.memory_space<hbm>> -> memref<162x128xi32, #tpu.memory_space<hbm>>
      %dma_start3A_37 = arith.constant 0 : i32
      %dma_start3A_38 = arith.constant 0 : i32
      %dma_start3A_39 = tpu.memref_slice %arg6[%arg1, %dma_start3A_37, %dma_start3A_38] : memref<16x162x128xi32, #tpu.memory_space<hbm>> -> memref<1x162x128xi32, #tpu.memory_space<hbm>>
      %dma_start3A_40 = tpu.memref_squeeze %dma_start3A_39 : memref<1x162x128xi32, #tpu.memory_space<hbm>> -> memref<162x128xi32, #tpu.memory_space<hbm>>
      tpu.enqueue_dma source(%dma_start3A_40 : memref<162x128xi32, #tpu.memory_space<hbm>>) target(%arg11 : memref<162x128xi32, #tpu.memory_space<vmem>>) target_semaphore(%run_scoped3A : memref<!tpu.dma_semaphore, #tpu.memory_space<semaphore_mem>>)
      %dma_wait3A = arith.constant 0 : i32
      %dma_wait3A_41 = arith.constant 0 : i32
      %dma_wait3A_42 = tpu.memref_slice %arg6[%arg1, %dma_wait3A, %dma_wait3A_41] : memref<16x162x128xi32, #tpu.memory_space<hbm>> -> memref<1x162x128xi32, #tpu.memory_space<hbm>>
      %dma_wait3A_43 = tpu.memref_squeeze %dma_wait3A_42 : memref<1x162x128xi32, #tpu.memory_space<hbm>> -> memref<162x128xi32, #tpu.memory_space<hbm>>
      %dma_wait3A_44 = arith.constant 0 : i32
      %dma_wait3A_45 = arith.constant 0 : i32
      %dma_wait3A_46 = tpu.memref_slice %arg6[%arg1, %dma_wait3A_44, %dma_wait3A_45] : memref<16x162x128xi32, #tpu.memory_space<hbm>> -> memref<1x162x128xi32, #tpu.memory_space<hbm>>
      %dma_wait3A_47 = tpu.memref_squeeze %dma_wait3A_46 : memref<1x162x128xi32, #tpu.memory_space<hbm>> -> memref<162x128xi32, #tpu.memory_space<hbm>>
      tpu.wait_dma2 semaphore(%run_scoped3A : memref<!tpu.dma_semaphore, #tpu.memory_space<semaphore_mem>>) src(%dma_wait3A_47 : memref<162x128xi32, #tpu.memory_space<hbm>>) dst(%arg11 : memref<162x128xi32, #tpu.memory_space<vmem>>)
      tpu.yield
    }) : () -> ()
    %eq3A = arith.constant 0 : i32
    %eq3A_1 = arith.cmpi eq, %arg0, %eq3A : i32
    %convert_element_type3A = arith.extui %eq3A_1 : i1 to i32
    %cond3A = arith.constant 0 : i32
    %cond3A_2 = arith.cmpi ne, %convert_element_type3A, %cond3A : i32
    scf.if %cond3A_2 {
      "tpu.region"() ({
        %run_scoped3A = tpu.sem_alloc : memref<!tpu.dma_semaphore, #tpu.memory_space<semaphore_mem>>
        %dma_start3A = arith.constant 0 : i32
        %dma_start3A_34 = arith.constant 0 : i32
        %dma_start3A_35 = tpu.memref_slice %arg4[%arg1, %dma_start3A, %dma_start3A_34] : memref<16x162x128xi32, #tpu.memory_space<hbm>> -> memref<1x162x128xi32, #tpu.memory_space<hbm>>
        %dma_start3A_36 = tpu.memref_squeeze %dma_start3A_35 : memref<1x162x128xi32, #tpu.memory_space<hbm>> -> memref<162x128xi32, #tpu.memory_space<hbm>>
        %dma_start3A_37 = arith.constant 0 : i32
        %dma_start3A_38 = arith.constant 0 : i32
        %dma_start3A_39 = tpu.memref_slice %arg4[%arg1, %dma_start3A_37, %dma_start3A_38] : memref<16x162x128xi32, #tpu.memory_space<hbm>> -> memref<1x162x128xi32, #tpu.memory_space<hbm>>
        %dma_start3A_40 = tpu.memref_squeeze %dma_start3A_39 : memref<1x162x128xi32, #tpu.memory_space<hbm>> -> memref<162x128xi32, #tpu.memory_space<hbm>>
        tpu.enqueue_dma source(%dma_start3A_40 : memref<162x128xi32, #tpu.memory_space<hbm>>) target(%arg10 : memref<162x128xi32, #tpu.memory_space<vmem>>) target_semaphore(%run_scoped3A : memref<!tpu.dma_semaphore, #tpu.memory_space<semaphore_mem>>)
        %dma_wait3A = arith.constant 0 : i32
        %dma_wait3A_41 = arith.constant 0 : i32
        %dma_wait3A_42 = tpu.memref_slice %arg4[%arg1, %dma_wait3A, %dma_wait3A_41] : memref<16x162x128xi32, #tpu.memory_space<hbm>> -> memref<1x162x128xi32, #tpu.memory_space<hbm>>
        %dma_wait3A_43 = tpu.memref_squeeze %dma_wait3A_42 : memref<1x162x128xi32, #tpu.memory_space<hbm>> -> memref<162x128xi32, #tpu.memory_space<hbm>>
        %dma_wait3A_44 = arith.constant 0 : i32
        %dma_wait3A_45 = arith.constant 0 : i32
        %dma_wait3A_46 = tpu.memref_slice %arg4[%arg1, %dma_wait3A_44, %dma_wait3A_45] : memref<16x162x128xi32, #tpu.memory_space<hbm>> -> memref<1x162x128xi32, #tpu.memory_space<hbm>>
        %dma_wait3A_47 = tpu.memref_squeeze %dma_wait3A_46 : memref<1x162x128xi32, #tpu.memory_space<hbm>> -> memref<162x128xi32, #tpu.memory_space<hbm>>
        tpu.wait_dma2 semaphore(%run_scoped3A : memref<!tpu.dma_semaphore, #tpu.memory_space<semaphore_mem>>) src(%dma_wait3A_47 : memref<162x128xi32, #tpu.memory_space<hbm>>) dst(%arg10 : memref<162x128xi32, #tpu.memory_space<vmem>>)
        tpu.yield
      }) : () -> ()
    } else {
    }
    %eq3A_3 = arith.constant 1 : i32
    %eq3A_4 = arith.cmpi eq, %arg0, %eq3A_3 : i32
    %convert_element_type3A_5 = arith.extui %eq3A_4 : i1 to i32
    %cond3A_6 = arith.constant 0 : i32
    %cond3A_7 = arith.cmpi ne, %convert_element_type3A_5, %cond3A_6 : i32
    scf.if %cond3A_7 {
      "tpu.region"() ({
        %run_scoped3A = tpu.sem_alloc : memref<!tpu.dma_semaphore, #tpu.memory_space<semaphore_mem>>
        %dma_start3A = arith.constant 0 : i32
        %dma_start3A_34 = arith.constant 0 : i32
        %dma_start3A_35 = tpu.memref_slice %arg5[%arg1, %dma_start3A, %dma_start3A_34] : memref<16x162x128xi32, #tpu.memory_space<hbm>> -> memref<1x162x128xi32, #tpu.memory_space<hbm>>
        %dma_start3A_36 = tpu.memref_squeeze %dma_start3A_35 : memref<1x162x128xi32, #tpu.memory_space<hbm>> -> memref<162x128xi32, #tpu.memory_space<hbm>>
        %dma_start3A_37 = arith.constant 0 : i32
        %dma_start3A_38 = arith.constant 0 : i32
        %dma_start3A_39 = tpu.memref_slice %arg5[%arg1, %dma_start3A_37, %dma_start3A_38] : memref<16x162x128xi32, #tpu.memory_space<hbm>> -> memref<1x162x128xi32, #tpu.memory_space<hbm>>
        %dma_start3A_40 = tpu.memref_squeeze %dma_start3A_39 : memref<1x162x128xi32, #tpu.memory_space<hbm>> -> memref<162x128xi32, #tpu.memory_space<hbm>>
        tpu.enqueue_dma source(%dma_start3A_40 : memref<162x128xi32, #tpu.memory_space<hbm>>) target(%arg10 : memref<162x128xi32, #tpu.memory_space<vmem>>) target_semaphore(%run_scoped3A : memref<!tpu.dma_semaphore, #tpu.memory_space<semaphore_mem>>)
        %dma_wait3A = arith.constant 0 : i32
        %dma_wait3A_41 = arith.constant 0 : i32
        %dma_wait3A_42 = tpu.memref_slice %arg5[%arg1, %dma_wait3A, %dma_wait3A_41] : memref<16x162x128xi32, #tpu.memory_space<hbm>> -> memref<1x162x128xi32, #tpu.memory_space<hbm>>
        %dma_wait3A_43 = tpu.memref_squeeze %dma_wait3A_42 : memref<1x162x128xi32, #tpu.memory_space<hbm>> -> memref<162x128xi32, #tpu.memory_space<hbm>>
        %dma_wait3A_44 = arith.constant 0 : i32
        %dma_wait3A_45 = arith.constant 0 : i32
        %dma_wait3A_46 = tpu.memref_slice %arg5[%arg1, %dma_wait3A_44, %dma_wait3A_45] : memref<16x162x128xi32, #tpu.memory_space<hbm>> -> memref<1x162x128xi32, #tpu.memory_space<hbm>>
        %dma_wait3A_47 = tpu.memref_squeeze %dma_wait3A_46 : memref<1x162x128xi32, #tpu.memory_space<hbm>> -> memref<162x128xi32, #tpu.memory_space<hbm>>
        tpu.wait_dma2 semaphore(%run_scoped3A : memref<!tpu.dma_semaphore, #tpu.memory_space<semaphore_mem>>) src(%dma_wait3A_47 : memref<162x128xi32, #tpu.memory_space<hbm>>) dst(%arg10 : memref<162x128xi32, #tpu.memory_space<vmem>>)
        tpu.yield
      }) : () -> ()
    } else {
    }
    %barrier3A = arith.constant 0 : index
    tpu.barrier barrier_id(%barrier3A)
    %eq3A_8 = arith.constant 0 : i32
    %eq3A_9 = arith.cmpi eq, %arg0, %eq3A_8 : i32
    %convert_element_type3A_10 = arith.extui %eq3A_9 : i1 to i32
    %cond3A_11 = arith.constant 0 : i32
    %cond3A_12 = arith.cmpi ne, %convert_element_type3A_10, %cond3A_11 : i32
    scf.if %cond3A_12 {
      %dma_start3A = arith.constant 0 : i32
      %dma_start3A_34 = arith.constant 0 : i32
      %dma_start3A_35 = tpu.memref_slice %arg10[%dma_start3A, %dma_start3A_34] : memref<162x128xi32, #tpu.memory_space<vmem>> -> memref<1x128xi32, #tpu.memory_space<vmem>>
      %dma_start3A_36 = tpu.memref_squeeze %dma_start3A_35 : memref<1x128xi32, #tpu.memory_space<vmem>> -> memref<128xi32, #tpu.memory_space<vmem>>
      %dma_start3A_37 = arith.constant 0 : i32
      %dma_start3A_38 = arith.constant 0 : i32
      %dma_start3A_39 = tpu.memref_slice %arg2[%dma_start3A_37, %dma_start3A_38] : memref<10000x64xf32, #tpu.memory_space<hbm>> -> memref<10000x64xf32, #tpu.memory_space<hbm>>
      tpu.enqueue_indirect_dma source(%dma_start3A_39 : memref<10000x64xf32, #tpu.memory_space<hbm>>) target(%arg12 : memref<128x64xf32, #tpu.memory_space<vmem>>) offsets(%dma_start3A_36 : memref<128xi32, #tpu.memory_space<vmem>>) semaphore(%arg15 : memref<!tpu.dma_semaphore, #tpu.memory_space<semaphore_mem>>)
    } else {
    }
    %eq3A_13 = arith.constant 1 : i32
    %eq3A_14 = arith.cmpi eq, %arg0, %eq3A_13 : i32
    %convert_element_type3A_15 = arith.extui %eq3A_14 : i1 to i32
    %cond3A_16 = arith.constant 0 : i32
    %cond3A_17 = arith.cmpi ne, %convert_element_type3A_15, %cond3A_16 : i32
    scf.if %cond3A_17 {
      %dma_start3A = arith.constant 0 : i32
      %dma_start3A_34 = arith.constant 0 : i32
      %dma_start3A_35 = tpu.memref_slice %arg10[%dma_start3A, %dma_start3A_34] : memref<162x128xi32, #tpu.memory_space<vmem>> -> memref<1x128xi32, #tpu.memory_space<vmem>>
      %dma_start3A_36 = tpu.memref_squeeze %dma_start3A_35 : memref<1x128xi32, #tpu.memory_space<vmem>> -> memref<128xi32, #tpu.memory_space<vmem>>
      %dma_start3A_37 = arith.constant 0 : i32
      %dma_start3A_38 = arith.constant 0 : i32
      %dma_start3A_39 = tpu.memref_slice %arg3[%dma_start3A_37, %dma_start3A_38] : memref<10000x64xf32, #tpu.memory_space<hbm>> -> memref<10000x64xf32, #tpu.memory_space<hbm>>
      tpu.enqueue_indirect_dma source(%dma_start3A_39 : memref<10000x64xf32, #tpu.memory_space<hbm>>) target(%arg12 : memref<128x64xf32, #tpu.memory_space<vmem>>) offsets(%dma_start3A_36 : memref<128xi32, #tpu.memory_space<vmem>>) semaphore(%arg15 : memref<!tpu.dma_semaphore, #tpu.memory_space<semaphore_mem>>)
    } else {
    }
    %scan3A = arith.constant 0 : i32
    %scan3A_18 = arith.constant 0 : i32
    %scan3A_19 = arith.constant 81 : i32
    %scan3A_20 = arith.addi %scan3A_18, %scan3A_19 : i32
    %scan3A_21 = arith.constant 1 : i32
    scf.for %scan3A_34 = %scan3A_18 to %scan3A_20 step %scan3A_21  : i32 {
      %mul3A_35 = arith.constant 2 : i32
      %mul3A_36 = arith.muli %mul3A_35, %scan3A_34 : i32
      %add3A = arith.constant 1 : i32
      %add3A_37 = arith.addi %mul3A_36, %add3A : i32
      %eq3A_38 = arith.constant 0 : i32
      %eq3A_39 = arith.cmpi eq, %arg0, %eq3A_38 : i32
      %convert_element_type3A_40 = arith.extui %eq3A_39 : i1 to i32
      %cond3A_41 = arith.constant 0 : i32
      %cond3A_42 = arith.cmpi ne, %convert_element_type3A_40, %cond3A_41 : i32
      scf.if %cond3A_42 {
        %dma_start3A = arith.constant 0 : i32
        %dma_start3A_69 = tpu.memref_slice %arg10[%add3A_37, %dma_start3A] : memref<162x128xi32, #tpu.memory_space<vmem>> -> memref<1x128xi32, #tpu.memory_space<vmem>>
        %dma_start3A_70 = tpu.memref_squeeze %dma_start3A_69 : memref<1x128xi32, #tpu.memory_space<vmem>> -> memref<128xi32, #tpu.memory_space<vmem>>
        %dma_start3A_71 = arith.constant 0 : i32
        %dma_start3A_72 = arith.constant 0 : i32
        %dma_start3A_73 = tpu.memref_slice %arg2[%dma_start3A_71, %dma_start3A_72] : memref<10000x64xf32, #tpu.memory_space<hbm>> -> memref<10000x64xf32, #tpu.memory_space<hbm>>
        tpu.enqueue_indirect_dma source(%dma_start3A_73 : memref<10000x64xf32, #tpu.memory_space<hbm>>) target(%arg13 : memref<128x64xf32, #tpu.memory_space<vmem>>) offsets(%dma_start3A_70 : memref<128xi32, #tpu.memory_space<vmem>>) semaphore(%arg16 : memref<!tpu.dma_semaphore, #tpu.memory_space<semaphore_mem>>)
      } else {
      }
      %eq3A_43 = arith.constant 1 : i32
      %eq3A_44 = arith.cmpi eq, %arg0, %eq3A_43 : i32
      %convert_element_type3A_45 = arith.extui %eq3A_44 : i1 to i32
      %cond3A_46 = arith.constant 0 : i32
      %cond3A_47 = arith.cmpi ne, %convert_element_type3A_45, %cond3A_46 : i32
      scf.if %cond3A_47 {
        %dma_start3A = arith.constant 0 : i32
        %dma_start3A_69 = tpu.memref_slice %arg10[%add3A_37, %dma_start3A] : memref<162x128xi32, #tpu.memory_space<vmem>> -> memref<1x128xi32, #tpu.memory_space<vmem>>
        %dma_start3A_70 = tpu.memref_squeeze %dma_start3A_69 : memref<1x128xi32, #tpu.memory_space<vmem>> -> memref<128xi32, #tpu.memory_space<vmem>>
        %dma_start3A_71 = arith.constant 0 : i32
        %dma_start3A_72 = arith.constant 0 : i32
        %dma_start3A_73 = tpu.memref_slice %arg3[%dma_start3A_71, %dma_start3A_72] : memref<10000x64xf32, #tpu.memory_space<hbm>> -> memref<10000x64xf32, #tpu.memory_space<hbm>>
        tpu.enqueue_indirect_dma source(%dma_start3A_73 : memref<10000x64xf32, #tpu.memory_space<hbm>>) target(%arg13 : memref<128x64xf32, #tpu.memory_space<vmem>>) offsets(%dma_start3A_70 : memref<128xi32, #tpu.memory_space<vmem>>) semaphore(%arg16 : memref<!tpu.dma_semaphore, #tpu.memory_space<semaphore_mem>>)
      } else {
      }
      %dma_wait3A = arith.constant 0 : i32
      %dma_wait3A_48 = arith.constant 0 : i32
      %dma_wait3A_49 = tpu.memref_slice %arg10[%dma_wait3A, %dma_wait3A_48] : memref<162x128xi32, #tpu.memory_space<vmem>> -> memref<1x128xi32, #tpu.memory_space<vmem>>
      %dma_wait3A_50 = tpu.memref_squeeze %dma_wait3A_49 : memref<1x128xi32, #tpu.memory_space<vmem>> -> memref<128xi32, #tpu.memory_space<vmem>>
      %dma_wait3A_51 = arith.constant 0 : i32
      %dma_wait3A_52 = arith.constant 0 : i32
      %dma_wait3A_53 = tpu.memref_slice %arg2[%dma_wait3A_51, %dma_wait3A_52] : memref<10000x64xf32, #tpu.memory_space<hbm>> -> memref<10000x64xf32, #tpu.memory_space<hbm>>
      tpu.wait_indirect_dma semaphore(%arg15 : memref<!tpu.dma_semaphore, #tpu.memory_space<semaphore_mem>>) src(%dma_wait3A_53 : memref<10000x64xf32, #tpu.memory_space<hbm>>) dst(%arg12 : memref<128x64xf32, #tpu.memory_space<vmem>>)
      "tpu.region"() ({
        %run_scoped3A = tpu.sem_alloc : memref<!tpu.dma_semaphore, #tpu.memory_space<semaphore_mem>>
        %dma_start3A = arith.constant 0 : i32
        %dma_start3A_69 = tpu.memref_slice %arg11[%mul3A_36, %dma_start3A] : memref<162x128xi32, #tpu.memory_space<vmem>> -> memref<1x128xi32, #tpu.memory_space<vmem>>
        %dma_start3A_70 = tpu.memref_squeeze %dma_start3A_69 : memref<1x128xi32, #tpu.memory_space<vmem>> -> memref<128xi32, #tpu.memory_space<vmem>>
        %dma_start3A_71 = arith.constant 0 : i32
        %dma_start3A_72 = arith.constant 0 : i32
        %dma_start3A_73 = tpu.memref_slice %arg14[%dma_start3A_71, %dma_start3A_72] : memref<10240x64xf32, #tpu.memory_space<vmem_shared>> -> memref<10240x64xf32, #tpu.memory_space<vmem_shared>>
        tpu.enqueue_indirect_dma source(%arg12 : memref<128x64xf32, #tpu.memory_space<vmem>>) target(%dma_start3A_73 : memref<10240x64xf32, #tpu.memory_space<vmem_shared>>) offsets(%dma_start3A_70 : memref<128xi32, #tpu.memory_space<vmem>>) semaphore(%run_scoped3A : memref<!tpu.dma_semaphore, #tpu.memory_space<semaphore_mem>>) {add = true}
        %dma_wait3A_74 = arith.constant 0 : i32
        %dma_wait3A_75 = tpu.memref_slice %arg11[%mul3A_36, %dma_wait3A_74] : memref<162x128xi32, #tpu.memory_space<vmem>> -> memref<1x128xi32, #tpu.memory_space<vmem>>
        %dma_wait3A_76 = tpu.memref_squeeze %dma_wait3A_75 : memref<1x128xi32, #tpu.memory_space<vmem>> -> memref<128xi32, #tpu.memory_space<vmem>>
        %dma_wait3A_77 = arith.constant 0 : i32
        %dma_wait3A_78 = arith.constant 0 : i32
        %dma_wait3A_79 = tpu.memref_slice %arg14[%dma_wait3A_77, %dma_wait3A_78] : memref<10240x64xf32, #tpu.memory_space<vmem_shared>> -> memref<10240x64xf32, #tpu.memory_space<vmem_shared>>
        tpu.wait_indirect_dma semaphore(%run_scoped3A : memref<!tpu.dma_semaphore, #tpu.memory_space<semaphore_mem>>) src(%arg12 : memref<128x64xf32, #tpu.memory_space<vmem>>) dst(%dma_wait3A_79 : memref<10240x64xf32, #tpu.memory_space<vmem_shared>>)
        tpu.yield
      }) : () -> ()
      %add3A_54 = arith.constant 2 : i32
      %add3A_55 = arith.addi %mul3A_36, %add3A_54 : i32
      %lt3A = arith.constant 162 : i32
      %lt3A_56 = arith.cmpi slt, %add3A_55, %lt3A : i32
      %convert_element_type3A_57 = arith.extui %lt3A_56 : i1 to i32
      %cond3A_58 = arith.constant 0 : i32
      %cond3A_59 = arith.cmpi ne, %convert_element_type3A_57, %cond3A_58 : i32
      scf.if %cond3A_59 {
        %add3A_69 = arith.constant 2 : i32
        %add3A_70 = arith.addi %mul3A_36, %add3A_69 : i32
        %eq3A_71 = arith.constant 0 : i32
        %eq3A_72 = arith.cmpi eq, %arg0, %eq3A_71 : i32
        %convert_element_type3A_73 = arith.extui %eq3A_72 : i1 to i32
        %cond3A_74 = arith.constant 0 : i32
        %cond3A_75 = arith.cmpi ne, %convert_element_type3A_73, %cond3A_74 : i32
        scf.if %cond3A_75 {
          %dma_start3A = arith.constant 0 : i32
          %dma_start3A_81 = tpu.memref_slice %arg10[%add3A_70, %dma_start3A] : memref<162x128xi32, #tpu.memory_space<vmem>> -> memref<1x128xi32, #tpu.memory_space<vmem>>
          %dma_start3A_82 = tpu.memref_squeeze %dma_start3A_81 : memref<1x128xi32, #tpu.memory_space<vmem>> -> memref<128xi32, #tpu.memory_space<vmem>>
          %dma_start3A_83 = arith.constant 0 : i32
          %dma_start3A_84 = arith.constant 0 : i32
          %dma_start3A_85 = tpu.memref_slice %arg2[%dma_start3A_83, %dma_start3A_84] : memref<10000x64xf32, #tpu.memory_space<hbm>> -> memref<10000x64xf32, #tpu.memory_space<hbm>>
          tpu.enqueue_indirect_dma source(%dma_start3A_85 : memref<10000x64xf32, #tpu.memory_space<hbm>>) target(%arg12 : memref<128x64xf32, #tpu.memory_space<vmem>>) offsets(%dma_start3A_82 : memref<128xi32, #tpu.memory_space<vmem>>) semaphore(%arg15 : memref<!tpu.dma_semaphore, #tpu.memory_space<semaphore_mem>>)
        } else {
        }
        %eq3A_76 = arith.constant 1 : i32
        %eq3A_77 = arith.cmpi eq, %arg0, %eq3A_76 : i32
        %convert_element_type3A_78 = arith.extui %eq3A_77 : i1 to i32
        %cond3A_79 = arith.constant 0 : i32
        %cond3A_80 = arith.cmpi ne, %convert_element_type3A_78, %cond3A_79 : i32
        scf.if %cond3A_80 {
          %dma_start3A = arith.constant 0 : i32
          %dma_start3A_81 = tpu.memref_slice %arg10[%add3A_70, %dma_start3A] : memref<162x128xi32, #tpu.memory_space<vmem>> -> memref<1x128xi32, #tpu.memory_space<vmem>>
          %dma_start3A_82 = tpu.memref_squeeze %dma_start3A_81 : memref<1x128xi32, #tpu.memory_space<vmem>> -> memref<128xi32, #tpu.memory_space<vmem>>
          %dma_start3A_83 = arith.constant 0 : i32
          %dma_start3A_84 = arith.constant 0 : i32
          %dma_start3A_85 = tpu.memref_slice %arg3[%dma_start3A_83, %dma_start3A_84] : memref<10000x64xf32, #tpu.memory_space<hbm>> -> memref<10000x64xf32, #tpu.memory_space<hbm>>
          tpu.enqueue_indirect_dma source(%dma_start3A_85 : memref<10000x64xf32, #tpu.memory_space<hbm>>) target(%arg12 : memref<128x64xf32, #tpu.memory_space<vmem>>) offsets(%dma_start3A_82 : memref<128xi32, #tpu.memory_space<vmem>>) semaphore(%arg15 : memref<!tpu.dma_semaphore, #tpu.memory_space<semaphore_mem>>)
        } else {
        }
      } else {
      }
      %dma_wait3A_60 = arith.constant 0 : i32
      %dma_wait3A_61 = arith.constant 0 : i32
      %dma_wait3A_62 = tpu.memref_slice %arg10[%dma_wait3A_60, %dma_wait3A_61] : memref<162x128xi32, #tpu.memory_space<vmem>> -> memref<1x128xi32, #tpu.memory_space<vmem>>
      %dma_wait3A_63 = tpu.memref_squeeze %dma_wait3A_62 : memref<1x128xi32, #tpu.memory_space<vmem>> -> memref<128xi32, #tpu.memory_space<vmem>>
      %dma_wait3A_64 = arith.constant 0 : i32
      %dma_wait3A_65 = arith.constant 0 : i32
      %dma_wait3A_66 = tpu.memref_slice %arg2[%dma_wait3A_64, %dma_wait3A_65] : memref<10000x64xf32, #tpu.memory_space<hbm>> -> memref<10000x64xf32, #tpu.memory_space<hbm>>
      tpu.wait_indirect_dma semaphore(%arg16 : memref<!tpu.dma_semaphore, #tpu.memory_space<semaphore_mem>>) src(%dma_wait3A_66 : memref<10000x64xf32, #tpu.memory_space<hbm>>) dst(%arg13 : memref<128x64xf32, #tpu.memory_space<vmem>>)
      %add3A_67 = arith.constant 1 : i32
      %add3A_68 = arith.addi %mul3A_36, %add3A_67 : i32
      "tpu.region"() ({
        %run_scoped3A = tpu.sem_alloc : memref<!tpu.dma_semaphore, #tpu.memory_space<semaphore_mem>>
        %dma_start3A = arith.constant 0 : i32
        %dma_start3A_69 = tpu.memref_slice %arg11[%add3A_68, %dma_start3A] : memref<162x128xi32, #tpu.memory_space<vmem>> -> memref<1x128xi32, #tpu.memory_space<vmem>>
        %dma_start3A_70 = tpu.memref_squeeze %dma_start3A_69 : memref<1x128xi32, #tpu.memory_space<vmem>> -> memref<128xi32, #tpu.memory_space<vmem>>
        %dma_start3A_71 = arith.constant 0 : i32
        %dma_start3A_72 = arith.constant 0 : i32
        %dma_start3A_73 = tpu.memref_slice %arg14[%dma_start3A_71, %dma_start3A_72] : memref<10240x64xf32, #tpu.memory_space<vmem_shared>> -> memref<10240x64xf32, #tpu.memory_space<vmem_shared>>
        tpu.enqueue_indirect_dma source(%arg13 : memref<128x64xf32, #tpu.memory_space<vmem>>) target(%dma_start3A_73 : memref<10240x64xf32, #tpu.memory_space<vmem_shared>>) offsets(%dma_start3A_70 : memref<128xi32, #tpu.memory_space<vmem>>) semaphore(%run_scoped3A : memref<!tpu.dma_semaphore, #tpu.memory_space<semaphore_mem>>) {add = true}
        %dma_wait3A_74 = arith.constant 0 : i32
        %dma_wait3A_75 = tpu.memref_slice %arg11[%add3A_68, %dma_wait3A_74] : memref<162x128xi32, #tpu.memory_space<vmem>> -> memref<1x128xi32, #tpu.memory_space<vmem>>
        %dma_wait3A_76 = tpu.memref_squeeze %dma_wait3A_75 : memref<1x128xi32, #tpu.memory_space<vmem>> -> memref<128xi32, #tpu.memory_space<vmem>>
        %dma_wait3A_77 = arith.constant 0 : i32
        %dma_wait3A_78 = arith.constant 0 : i32
        %dma_wait3A_79 = tpu.memref_slice %arg14[%dma_wait3A_77, %dma_wait3A_78] : memref<10240x64xf32, #tpu.memory_space<vmem_shared>> -> memref<10240x64xf32, #tpu.memory_space<vmem_shared>>
        tpu.wait_indirect_dma semaphore(%run_scoped3A : memref<!tpu.dma_semaphore, #tpu.memory_space<semaphore_mem>>) src(%arg13 : memref<128x64xf32, #tpu.memory_space<vmem>>) dst(%dma_wait3A_79 : memref<10240x64xf32, #tpu.memory_space<vmem_shared>>)
        tpu.yield
      }) : () -> ()
    }
    %scan3A_22 = arith.constant 81 : i32
    %barrier3A_23 = arith.constant 0 : index
    tpu.barrier barrier_id(%barrier3A_23)
    %eq3A_24 = arith.constant 0 : i32
    %eq3A_25 = arith.cmpi eq, %arg0, %eq3A_24 : i32
    %convert_element_type3A_26 = arith.extui %eq3A_25 : i1 to i32
    %cond3A_27 = arith.constant 0 : i32
    %cond3A_28 = arith.cmpi ne, %convert_element_type3A_26, %cond3A_27 : i32
    scf.if %cond3A_28 {
      %lt3A = arith.constant 15 : i32
      %lt3A_34 = arith.cmpi slt, %arg1, %lt3A : i32
      %convert_element_type3A_35 = arith.extui %lt3A_34 : i1 to i32
      %cond3A_36 = arith.constant 0 : i32
      %cond3A_37 = arith.cmpi ne, %convert_element_type3A_35, %cond3A_36 : i32
      scf.if %cond3A_37 {
        %mul3A_43 = arith.constant 640 : i32
        %mul3A_44 = arith.muli %arg1, %mul3A_43 : i32
        %mul3A_45 = arith.constant 640 : i32
        %mul3A_46 = arith.muli %arg1, %mul3A_45 : i32
        "tpu.region"() ({
          %run_scoped3A = tpu.sem_alloc : memref<!tpu.dma_semaphore, #tpu.memory_space<semaphore_mem>>
          %dma_start3A = arith.constant 0 : i32
          %dma_start3A_47 = tpu.memref_slice %arg8[%mul3A_46, %dma_start3A] : memref<10000x64xf32, #tpu.memory_space<hbm>> -> memref<640x64xf32, #tpu.memory_space<hbm>>
          %dma_start3A_48 = arith.constant 0 : i32
          %dma_start3A_49 = tpu.memref_slice %arg14[%mul3A_44, %dma_start3A_48] : memref<10240x64xf32, #tpu.memory_space<vmem_shared>> -> memref<640x64xf32, #tpu.memory_space<vmem_shared>>
          tpu.enqueue_dma source(%dma_start3A_49 : memref<640x64xf32, #tpu.memory_space<vmem_shared>>) target(%dma_start3A_47 : memref<640x64xf32, #tpu.memory_space<hbm>>) target_semaphore(%run_scoped3A : memref<!tpu.dma_semaphore, #tpu.memory_space<semaphore_mem>>)
          %dma_wait3A = arith.constant 0 : i32
          %dma_wait3A_50 = tpu.memref_slice %arg8[%mul3A_46, %dma_wait3A] : memref<10000x64xf32, #tpu.memory_space<hbm>> -> memref<640x64xf32, #tpu.memory_space<hbm>>
          %dma_wait3A_51 = arith.constant 0 : i32
          %dma_wait3A_52 = tpu.memref_slice %arg14[%mul3A_44, %dma_wait3A_51] : memref<10240x64xf32, #tpu.memory_space<vmem_shared>> -> memref<640x64xf32, #tpu.memory_space<vmem_shared>>
          tpu.wait_dma2 semaphore(%run_scoped3A : memref<!tpu.dma_semaphore, #tpu.memory_space<semaphore_mem>>) src(%dma_wait3A_52 : memref<640x64xf32, #tpu.memory_space<vmem_shared>>) dst(%dma_wait3A_50 : memref<640x64xf32, #tpu.memory_space<hbm>>)
          tpu.yield
        }) : () -> ()
      } else {
      }
      %eq3A_38 = arith.constant 15 : i32
      %eq3A_39 = arith.cmpi eq, %arg1, %eq3A_38 : i32
      %convert_element_type3A_40 = arith.extui %eq3A_39 : i1 to i32
      %cond3A_41 = arith.constant 0 : i32
      %cond3A_42 = arith.cmpi ne, %convert_element_type3A_40, %cond3A_41 : i32
      scf.if %cond3A_42 {
        "tpu.region"() ({
          %run_scoped3A = tpu.sem_alloc : memref<!tpu.dma_semaphore, #tpu.memory_space<semaphore_mem>>
          %dma_start3A = arith.constant 9600 : i32
          %dma_start3A_43 = arith.constant 0 : i32
          %dma_start3A_44 = tpu.memref_slice %arg8[%dma_start3A, %dma_start3A_43] : memref<10000x64xf32, #tpu.memory_space<hbm>> -> memref<400x64xf32, #tpu.memory_space<hbm>>
          %dma_start3A_45 = arith.constant 9600 : i32
          %dma_start3A_46 = arith.constant 0 : i32
          %dma_start3A_47 = tpu.memref_slice %arg14[%dma_start3A_45, %dma_start3A_46] : memref<10240x64xf32, #tpu.memory_space<vmem_shared>> -> memref<400x64xf32, #tpu.memory_space<vmem_shared>>
          tpu.enqueue_dma source(%dma_start3A_47 : memref<400x64xf32, #tpu.memory_space<vmem_shared>>) target(%dma_start3A_44 : memref<400x64xf32, #tpu.memory_space<hbm>>) target_semaphore(%run_scoped3A : memref<!tpu.dma_semaphore, #tpu.memory_space<semaphore_mem>>)
          %dma_wait3A = arith.constant 9600 : i32
          %dma_wait3A_48 = arith.constant 0 : i32
          %dma_wait3A_49 = tpu.memref_slice %arg8[%dma_wait3A, %dma_wait3A_48] : memref<10000x64xf32, #tpu.memory_space<hbm>> -> memref<400x64xf32, #tpu.memory_space<hbm>>
          %dma_wait3A_50 = arith.constant 9600 : i32
          %dma_wait3A_51 = arith.constant 0 : i32
          %dma_wait3A_52 = tpu.memref_slice %arg14[%dma_wait3A_50, %dma_wait3A_51] : memref<10240x64xf32, #tpu.memory_space<vmem_shared>> -> memref<400x64xf32, #tpu.memory_space<vmem_shared>>
          tpu.wait_dma2 semaphore(%run_scoped3A : memref<!tpu.dma_semaphore, #tpu.memory_space<semaphore_mem>>) src(%dma_wait3A_52 : memref<400x64xf32, #tpu.memory_space<vmem_shared>>) dst(%dma_wait3A_49 : memref<400x64xf32, #tpu.memory_space<hbm>>)
          tpu.yield
        }) : () -> ()
      } else {
      }
    } else {
    }
    %eq3A_29 = arith.constant 1 : i32
    %eq3A_30 = arith.cmpi eq, %arg0, %eq3A_29 : i32
    %convert_element_type3A_31 = arith.extui %eq3A_30 : i1 to i32
    %cond3A_32 = arith.constant 0 : i32
    %cond3A_33 = arith.cmpi ne, %convert_element_type3A_31, %cond3A_32 : i32
    scf.if %cond3A_33 {
      %lt3A = arith.constant 15 : i32
      %lt3A_34 = arith.cmpi slt, %arg1, %lt3A : i32
      %convert_element_type3A_35 = arith.extui %lt3A_34 : i1 to i32
      %cond3A_36 = arith.constant 0 : i32
      %cond3A_37 = arith.cmpi ne, %convert_element_type3A_35, %cond3A_36 : i32
      scf.if %cond3A_37 {
        %mul3A_43 = arith.constant 640 : i32
        %mul3A_44 = arith.muli %arg1, %mul3A_43 : i32
        %mul3A_45 = arith.constant 640 : i32
        %mul3A_46 = arith.muli %arg1, %mul3A_45 : i32
        "tpu.region"() ({
          %run_scoped3A = tpu.sem_alloc : memref<!tpu.dma_semaphore, #tpu.memory_space<semaphore_mem>>
          %dma_start3A = arith.constant 0 : i32
          %dma_start3A_47 = tpu.memref_slice %arg9[%mul3A_46, %dma_start3A] : memref<10000x64xf32, #tpu.memory_space<hbm>> -> memref<640x64xf32, #tpu.memory_space<hbm>>
          %dma_start3A_48 = arith.constant 0 : i32
          %dma_start3A_49 = tpu.memref_slice %arg14[%mul3A_44, %dma_start3A_48] : memref<10240x64xf32, #tpu.memory_space<vmem_shared>> -> memref<640x64xf32, #tpu.memory_space<vmem_shared>>
          tpu.enqueue_dma source(%dma_start3A_49 : memref<640x64xf32, #tpu.memory_space<vmem_shared>>) target(%dma_start3A_47 : memref<640x64xf32, #tpu.memory_space<hbm>>) target_semaphore(%run_scoped3A : memref<!tpu.dma_semaphore, #tpu.memory_space<semaphore_mem>>)
          %dma_wait3A = arith.constant 0 : i32
          %dma_wait3A_50 = tpu.memref_slice %arg9[%mul3A_46, %dma_wait3A] : memref<10000x64xf32, #tpu.memory_space<hbm>> -> memref<640x64xf32, #tpu.memory_space<hbm>>
          %dma_wait3A_51 = arith.constant 0 : i32
          %dma_wait3A_52 = tpu.memref_slice %arg14[%mul3A_44, %dma_wait3A_51] : memref<10240x64xf32, #tpu.memory_space<vmem_shared>> -> memref<640x64xf32, #tpu.memory_space<vmem_shared>>
          tpu.wait_dma2 semaphore(%run_scoped3A : memref<!tpu.dma_semaphore, #tpu.memory_space<semaphore_mem>>) src(%dma_wait3A_52 : memref<640x64xf32, #tpu.memory_space<vmem_shared>>) dst(%dma_wait3A_50 : memref<640x64xf32, #tpu.memory_space<hbm>>)
          tpu.yield
        }) : () -> ()
      } else {
      }
      %eq3A_38 = arith.constant 15 : i32
      %eq3A_39 = arith.cmpi eq, %arg1, %eq3A_38 : i32
      %convert_element_type3A_40 = arith.extui %eq3A_39 : i1 to i32
      %cond3A_41 = arith.constant 0 : i32
      %cond3A_42 = arith.cmpi ne, %convert_element_type3A_40, %cond3A_41 : i32
      scf.if %cond3A_42 {
        "tpu.region"() ({
          %run_scoped3A = tpu.sem_alloc : memref<!tpu.dma_semaphore, #tpu.memory_space<semaphore_mem>>
          %dma_start3A = arith.constant 9600 : i32
          %dma_start3A_43 = arith.constant 0 : i32
          %dma_start3A_44 = tpu.memref_slice %arg9[%dma_start3A, %dma_start3A_43] : memref<10000x64xf32, #tpu.memory_space<hbm>> -> memref<400x64xf32, #tpu.memory_space<hbm>>
          %dma_start3A_45 = arith.constant 9600 : i32
          %dma_start3A_46 = arith.constant 0 : i32
          %dma_start3A_47 = tpu.memref_slice %arg14[%dma_start3A_45, %dma_start3A_46] : memref<10240x64xf32, #tpu.memory_space<vmem_shared>> -> memref<400x64xf32, #tpu.memory_space<vmem_shared>>
          tpu.enqueue_dma source(%dma_start3A_47 : memref<400x64xf32, #tpu.memory_space<vmem_shared>>) target(%dma_start3A_44 : memref<400x64xf32, #tpu.memory_space<hbm>>) target_semaphore(%run_scoped3A : memref<!tpu.dma_semaphore, #tpu.memory_space<semaphore_mem>>)
          %dma_wait3A = arith.constant 9600 : i32
          %dma_wait3A_48 = arith.constant 0 : i32
          %dma_wait3A_49 = tpu.memref_slice %arg9[%dma_wait3A, %dma_wait3A_48] : memref<10000x64xf32, #tpu.memory_space<hbm>> -> memref<400x64xf32, #tpu.memory_space<hbm>>
          %dma_wait3A_50 = arith.constant 9600 : i32
          %dma_wait3A_51 = arith.constant 0 : i32
          %dma_wait3A_52 = tpu.memref_slice %arg14[%dma_wait3A_50, %dma_wait3A_51] : memref<10240x64xf32, #tpu.memory_space<vmem_shared>> -> memref<400x64xf32, #tpu.memory_space<vmem_shared>>
          tpu.wait_dma2 semaphore(%run_scoped3A : memref<!tpu.dma_semaphore, #tpu.memory_space<semaphore_mem>>) src(%dma_wait3A_52 : memref<400x64xf32, #tpu.memory_space<vmem_shared>>) dst(%dma_wait3A_49 : memref<400x64xf32, #tpu.memory_space<hbm>>)
          tpu.yield
        }) : () -> ()
      } else {
      }
    } else {
    }
    return
  }
}

#map = affine_map<(d0, d1) -> (0, 0, 0)>
#map1 = affine_map<(d0, d1) -> (0, 0)>
module attributes {stable_mosaic.version = 14 : i64} {
  func.func @k(%arg0: i32, %arg1: i32, %arg2: memref<16x162x128xi32, #tpu.memory_space<hbm>>, %arg3: memref<128x8xf32, #tpu.memory_space<hbm>>, %arg4: memref<640x8xf32, #tpu.memory_space<hbm>>, %arg5: memref<10000x8xf32, #tpu.memory_space<hbm>>, %arg6: memref<162x128xi32, #tpu.memory_space<vmem>>, %arg7: memref<128x8xf32, #tpu.memory_space<vmem>>, %arg8: memref<10240x8xf32, #tpu.memory_space<vmem_shared>>) attributes {dimension_semantics = [#tpu.dimension_semantics<core_parallel>, #tpu.dimension_semantics<subcore_parallel>], iteration_bounds = array<i64: 2, 16>, scalar_prefetch = 0 : i64, scratch_operands = 3 : i64, tpu.core_type = #tpu.core_type<sc_vector_subcore>, window_params = [{transform_indices = #map}, {transform_indices = #map1}, {transform_indices = #map1}, {transform_indices = #map1}]} {
    %eq3A = arith.constant 0 : i32
    %eq3A_0 = arith.cmpi eq, %arg0, %eq3A : i32
    %convert_element_type3A = arith.extui %eq3A_0 : i1 to i32
    %cond3A = arith.constant 0 : i32
    %cond3A_1 = arith.cmpi ne, %convert_element_type3A, %cond3A : i32
    scf.if %cond3A_1 {
      %mul3A = arith.constant 640 : i32
      %mul3A_2 = arith.muli %arg1, %mul3A : i32
      "tpu.region"() ({
        %run_scoped3A = tpu.sem_alloc : memref<!tpu.dma_semaphore, #tpu.memory_space<semaphore_mem>>
        %dma_start3A = arith.constant 0 : i32
        %dma_start3A_18 = tpu.memref_slice %arg8[%mul3A_2, %dma_start3A] : memref<10240x8xf32, #tpu.memory_space<vmem_shared>> -> memref<640x8xf32, #tpu.memory_space<vmem_shared>>
        tpu.enqueue_dma source(%arg4 : memref<640x8xf32, #tpu.memory_space<hbm>>) target(%dma_start3A_18 : memref<640x8xf32, #tpu.memory_space<vmem_shared>>) target_semaphore(%run_scoped3A : memref<!tpu.dma_semaphore, #tpu.memory_space<semaphore_mem>>)
        %dma_wait3A = arith.constant 0 : i32
        %dma_wait3A_19 = tpu.memref_slice %arg8[%mul3A_2, %dma_wait3A] : memref<10240x8xf32, #tpu.memory_space<vmem_shared>> -> memref<640x8xf32, #tpu.memory_space<vmem_shared>>
        tpu.wait_dma2 semaphore(%run_scoped3A : memref<!tpu.dma_semaphore, #tpu.memory_space<semaphore_mem>>) src(%arg4 : memref<640x8xf32, #tpu.memory_space<hbm>>) dst(%dma_wait3A_19 : memref<640x8xf32, #tpu.memory_space<vmem_shared>>)
        tpu.yield
      }) : () -> ()
      "tpu.region"() ({
        %run_scoped3A = tpu.sem_alloc : memref<!tpu.dma_semaphore, #tpu.memory_space<semaphore_mem>>
        tpu.enqueue_dma source(%arg3 : memref<128x8xf32, #tpu.memory_space<hbm>>) target(%arg7 : memref<128x8xf32, #tpu.memory_space<vmem>>) target_semaphore(%run_scoped3A : memref<!tpu.dma_semaphore, #tpu.memory_space<semaphore_mem>>)
        tpu.wait_dma2 semaphore(%run_scoped3A : memref<!tpu.dma_semaphore, #tpu.memory_space<semaphore_mem>>) src(%arg3 : memref<128x8xf32, #tpu.memory_space<hbm>>) dst(%arg7 : memref<128x8xf32, #tpu.memory_space<vmem>>)
        tpu.yield
      }) : () -> ()
      "tpu.region"() ({
        %run_scoped3A = tpu.sem_alloc : memref<!tpu.dma_semaphore, #tpu.memory_space<semaphore_mem>>
        %dma_start3A = arith.constant 0 : i32
        %dma_start3A_18 = arith.constant 0 : i32
        %dma_start3A_19 = tpu.memref_slice %arg2[%arg1, %dma_start3A, %dma_start3A_18] : memref<16x162x128xi32, #tpu.memory_space<hbm>> -> memref<1x162x128xi32, #tpu.memory_space<hbm>>
        %dma_start3A_20 = tpu.memref_squeeze %dma_start3A_19 : memref<1x162x128xi32, #tpu.memory_space<hbm>> -> memref<162x128xi32, #tpu.memory_space<hbm>>
        %dma_start3A_21 = arith.constant 0 : i32
        %dma_start3A_22 = arith.constant 0 : i32
        %dma_start3A_23 = tpu.memref_slice %arg2[%arg1, %dma_start3A_21, %dma_start3A_22] : memref<16x162x128xi32, #tpu.memory_space<hbm>> -> memref<1x162x128xi32, #tpu.memory_space<hbm>>
        %dma_start3A_24 = tpu.memref_squeeze %dma_start3A_23 : memref<1x162x128xi32, #tpu.memory_space<hbm>> -> memref<162x128xi32, #tpu.memory_space<hbm>>
        tpu.enqueue_dma source(%dma_start3A_24 : memref<162x128xi32, #tpu.memory_space<hbm>>) target(%arg6 : memref<162x128xi32, #tpu.memory_space<vmem>>) target_semaphore(%run_scoped3A : memref<!tpu.dma_semaphore, #tpu.memory_space<semaphore_mem>>)
        %dma_wait3A = arith.constant 0 : i32
        %dma_wait3A_25 = arith.constant 0 : i32
        %dma_wait3A_26 = tpu.memref_slice %arg2[%arg1, %dma_wait3A, %dma_wait3A_25] : memref<16x162x128xi32, #tpu.memory_space<hbm>> -> memref<1x162x128xi32, #tpu.memory_space<hbm>>
        %dma_wait3A_27 = tpu.memref_squeeze %dma_wait3A_26 : memref<1x162x128xi32, #tpu.memory_space<hbm>> -> memref<162x128xi32, #tpu.memory_space<hbm>>
        %dma_wait3A_28 = arith.constant 0 : i32
        %dma_wait3A_29 = arith.constant 0 : i32
        %dma_wait3A_30 = tpu.memref_slice %arg2[%arg1, %dma_wait3A_28, %dma_wait3A_29] : memref<16x162x128xi32, #tpu.memory_space<hbm>> -> memref<1x162x128xi32, #tpu.memory_space<hbm>>
        %dma_wait3A_31 = tpu.memref_squeeze %dma_wait3A_30 : memref<1x162x128xi32, #tpu.memory_space<hbm>> -> memref<162x128xi32, #tpu.memory_space<hbm>>
        tpu.wait_dma2 semaphore(%run_scoped3A : memref<!tpu.dma_semaphore, #tpu.memory_space<semaphore_mem>>) src(%dma_wait3A_31 : memref<162x128xi32, #tpu.memory_space<hbm>>) dst(%arg6 : memref<162x128xi32, #tpu.memory_space<vmem>>)
        tpu.yield
      }) : () -> ()
      %barrier3A = arith.constant 0 : index
      tpu.barrier barrier_id(%barrier3A)
      %scan3A = arith.constant 0 : i32
      %scan3A_3 = arith.constant 0 : i32
      %scan3A_4 = arith.constant 162 : i32
      %scan3A_5 = arith.addi %scan3A_3, %scan3A_4 : i32
      %scan3A_6 = arith.constant 1 : i32
      scf.for %scan3A_18 = %scan3A_3 to %scan3A_5 step %scan3A_6  : i32 {
        "tpu.region"() ({
          %run_scoped3A = tpu.sem_alloc : memref<!tpu.dma_semaphore, #tpu.memory_space<semaphore_mem>>
          %dma_start3A = arith.constant 0 : i32
          %dma_start3A_19 = tpu.memref_slice %arg6[%scan3A_18, %dma_start3A] : memref<162x128xi32, #tpu.memory_space<vmem>> -> memref<1x128xi32, #tpu.memory_space<vmem>>
          %dma_start3A_20 = tpu.memref_squeeze %dma_start3A_19 : memref<1x128xi32, #tpu.memory_space<vmem>> -> memref<128xi32, #tpu.memory_space<vmem>>
          %dma_start3A_21 = arith.constant 0 : i32
          %dma_start3A_22 = arith.constant 0 : i32
          %dma_start3A_23 = tpu.memref_slice %arg8[%dma_start3A_21, %dma_start3A_22] : memref<10240x8xf32, #tpu.memory_space<vmem_shared>> -> memref<10240x8xf32, #tpu.memory_space<vmem_shared>>
          tpu.enqueue_indirect_dma source(%arg7 : memref<128x8xf32, #tpu.memory_space<vmem>>) target(%dma_start3A_23 : memref<10240x8xf32, #tpu.memory_space<vmem_shared>>) offsets(%dma_start3A_20 : memref<128xi32, #tpu.memory_space<vmem>>) semaphore(%run_scoped3A : memref<!tpu.dma_semaphore, #tpu.memory_space<semaphore_mem>>) {add = true}
          %dma_wait3A = arith.constant 0 : i32
          %dma_wait3A_24 = tpu.memref_slice %arg6[%scan3A_18, %dma_wait3A] : memref<162x128xi32, #tpu.memory_space<vmem>> -> memref<1x128xi32, #tpu.memory_space<vmem>>
          %dma_wait3A_25 = tpu.memref_squeeze %dma_wait3A_24 : memref<1x128xi32, #tpu.memory_space<vmem>> -> memref<128xi32, #tpu.memory_space<vmem>>
          %dma_wait3A_26 = arith.constant 0 : i32
          %dma_wait3A_27 = arith.constant 0 : i32
          %dma_wait3A_28 = tpu.memref_slice %arg8[%dma_wait3A_26, %dma_wait3A_27] : memref<10240x8xf32, #tpu.memory_space<vmem_shared>> -> memref<10240x8xf32, #tpu.memory_space<vmem_shared>>
          tpu.wait_indirect_dma semaphore(%run_scoped3A : memref<!tpu.dma_semaphore, #tpu.memory_space<semaphore_mem>>) src(%arg7 : memref<128x8xf32, #tpu.memory_space<vmem>>) dst(%dma_wait3A_28 : memref<10240x8xf32, #tpu.memory_space<vmem_shared>>)
          tpu.yield
        }) : () -> ()
      }
      %scan3A_7 = arith.constant 162 : i32
      %barrier3A_8 = arith.constant 0 : index
      tpu.barrier barrier_id(%barrier3A_8)
      %lt3A = arith.constant 15 : i32
      %lt3A_9 = arith.cmpi slt, %arg1, %lt3A : i32
      %convert_element_type3A_10 = arith.extui %lt3A_9 : i1 to i32
      %cond3A_11 = arith.constant 0 : i32
      %cond3A_12 = arith.cmpi ne, %convert_element_type3A_10, %cond3A_11 : i32
      scf.if %cond3A_12 {
        %mul3A_18 = arith.constant 640 : i32
        %mul3A_19 = arith.muli %arg1, %mul3A_18 : i32
        %mul3A_20 = arith.constant 640 : i32
        %mul3A_21 = arith.muli %arg1, %mul3A_20 : i32
        "tpu.region"() ({
          %run_scoped3A = tpu.sem_alloc : memref<!tpu.dma_semaphore, #tpu.memory_space<semaphore_mem>>
          %dma_start3A = arith.constant 0 : i32
          %dma_start3A_22 = tpu.memref_slice %arg5[%mul3A_21, %dma_start3A] : memref<10000x8xf32, #tpu.memory_space<hbm>> -> memref<640x8xf32, #tpu.memory_space<hbm>>
          %dma_start3A_23 = arith.constant 0 : i32
          %dma_start3A_24 = tpu.memref_slice %arg8[%mul3A_19, %dma_start3A_23] : memref<10240x8xf32, #tpu.memory_space<vmem_shared>> -> memref<640x8xf32, #tpu.memory_space<vmem_shared>>
          tpu.enqueue_dma source(%dma_start3A_24 : memref<640x8xf32, #tpu.memory_space<vmem_shared>>) target(%dma_start3A_22 : memref<640x8xf32, #tpu.memory_space<hbm>>) target_semaphore(%run_scoped3A : memref<!tpu.dma_semaphore, #tpu.memory_space<semaphore_mem>>)
          %dma_wait3A = arith.constant 0 : i32
          %dma_wait3A_25 = tpu.memref_slice %arg5[%mul3A_21, %dma_wait3A] : memref<10000x8xf32, #tpu.memory_space<hbm>> -> memref<640x8xf32, #tpu.memory_space<hbm>>
          %dma_wait3A_26 = arith.constant 0 : i32
          %dma_wait3A_27 = tpu.memref_slice %arg8[%mul3A_19, %dma_wait3A_26] : memref<10240x8xf32, #tpu.memory_space<vmem_shared>> -> memref<640x8xf32, #tpu.memory_space<vmem_shared>>
          tpu.wait_dma2 semaphore(%run_scoped3A : memref<!tpu.dma_semaphore, #tpu.memory_space<semaphore_mem>>) src(%dma_wait3A_27 : memref<640x8xf32, #tpu.memory_space<vmem_shared>>) dst(%dma_wait3A_25 : memref<640x8xf32, #tpu.memory_space<hbm>>)
          tpu.yield
        }) : () -> ()
      } else {
      }
      %eq3A_13 = arith.constant 15 : i32
      %eq3A_14 = arith.cmpi eq, %arg1, %eq3A_13 : i32
      %convert_element_type3A_15 = arith.extui %eq3A_14 : i1 to i32
      %cond3A_16 = arith.constant 0 : i32
      %cond3A_17 = arith.cmpi ne, %convert_element_type3A_15, %cond3A_16 : i32
      scf.if %cond3A_17 {
        "tpu.region"() ({
          %run_scoped3A = tpu.sem_alloc : memref<!tpu.dma_semaphore, #tpu.memory_space<semaphore_mem>>
          %dma_start3A = arith.constant 9600 : i32
          %dma_start3A_18 = arith.constant 0 : i32
          %dma_start3A_19 = tpu.memref_slice %arg5[%dma_start3A, %dma_start3A_18] : memref<10000x8xf32, #tpu.memory_space<hbm>> -> memref<400x8xf32, #tpu.memory_space<hbm>>
          %dma_start3A_20 = arith.constant 9600 : i32
          %dma_start3A_21 = arith.constant 0 : i32
          %dma_start3A_22 = tpu.memref_slice %arg8[%dma_start3A_20, %dma_start3A_21] : memref<10240x8xf32, #tpu.memory_space<vmem_shared>> -> memref<400x8xf32, #tpu.memory_space<vmem_shared>>
          tpu.enqueue_dma source(%dma_start3A_22 : memref<400x8xf32, #tpu.memory_space<vmem_shared>>) target(%dma_start3A_19 : memref<400x8xf32, #tpu.memory_space<hbm>>) target_semaphore(%run_scoped3A : memref<!tpu.dma_semaphore, #tpu.memory_space<semaphore_mem>>)
          %dma_wait3A = arith.constant 9600 : i32
          %dma_wait3A_23 = arith.constant 0 : i32
          %dma_wait3A_24 = tpu.memref_slice %arg5[%dma_wait3A, %dma_wait3A_23] : memref<10000x8xf32, #tpu.memory_space<hbm>> -> memref<400x8xf32, #tpu.memory_space<hbm>>
          %dma_wait3A_25 = arith.constant 9600 : i32
          %dma_wait3A_26 = arith.constant 0 : i32
          %dma_wait3A_27 = tpu.memref_slice %arg8[%dma_wait3A_25, %dma_wait3A_26] : memref<10240x8xf32, #tpu.memory_space<vmem_shared>> -> memref<400x8xf32, #tpu.memory_space<vmem_shared>>
          tpu.wait_dma2 semaphore(%run_scoped3A : memref<!tpu.dma_semaphore, #tpu.memory_space<semaphore_mem>>) src(%dma_wait3A_27 : memref<400x8xf32, #tpu.memory_space<vmem_shared>>) dst(%dma_wait3A_24 : memref<400x8xf32, #tpu.memory_space<hbm>>)
          tpu.yield
        }) : () -> ()
      } else {
      }
    } else {
    }
    return
  }
}

#map = affine_map<(d0, d1) -> (0, 0)>
#map1 = affine_map<(d0, d1) -> (0, 0, 0)>
module attributes {stable_mosaic.version = 14 : i64} {
  func.func @k(%arg0: i32, %arg1: i32, %arg2: memref<10000x64xf32, #tpu.memory_space<hbm>>, %arg3: memref<10000x64xf32, #tpu.memory_space<hbm>>, %arg4: memref<16x162x128xi32, #tpu.memory_space<hbm>>, %arg5: memref<16x162x128xi32, #tpu.memory_space<hbm>>, %arg6: memref<16x162x128xi32, #tpu.memory_space<hbm>>, %arg7: memref<640x64xf32, #tpu.memory_space<hbm>>, %arg8: memref<10000x64xf32, #tpu.memory_space<hbm>>, %arg9: memref<10000x64xf32, #tpu.memory_space<hbm>>, %arg10: memref<162x128xi32, #tpu.memory_space<vmem>>, %arg11: memref<162x128xi32, #tpu.memory_space<vmem>>, %arg12: memref<128x64xf32, #tpu.memory_space<vmem>>, %arg13: memref<128x64xf32, #tpu.memory_space<vmem>>, %arg14: memref<10240x64xf32, #tpu.memory_space<vmem_shared>>, %arg15: memref<!tpu.dma_semaphore, #tpu.memory_space<semaphore_mem>>, %arg16: memref<!tpu.dma_semaphore, #tpu.memory_space<semaphore_mem>>) attributes {dimension_semantics = [#tpu.dimension_semantics<core_parallel>, #tpu.dimension_semantics<subcore_parallel>], iteration_bounds = array<i64: 2, 16>, scalar_prefetch = 0 : i64, scratch_operands = 7 : i64, tpu.core_type = #tpu.core_type<sc_vector_subcore>, window_params = [{transform_indices = #map}, {transform_indices = #map}, {transform_indices = #map1}, {transform_indices = #map1}, {transform_indices = #map1}, {transform_indices = #map}, {transform_indices = #map}, {transform_indices = #map}]} {
    %mul3A = arith.constant 640 : i32
    %mul3A_0 = arith.muli %arg1, %mul3A : i32
    "tpu.region"() ({
      %run_scoped3A = tpu.sem_alloc : memref<!tpu.dma_semaphore, #tpu.memory_space<semaphore_mem>>
      %dma_start3A = arith.constant 0 : i32
      %dma_start3A_34 = tpu.memref_slice %arg14[%mul3A_0, %dma_start3A] : memref<10240x64xf32, #tpu.memory_space<vmem_shared>> -> memref<640x64xf32, #tpu.memory_space<vmem_shared>>
      tpu.enqueue_dma source(%arg7 : memref<640x64xf32, #tpu.memory_space<hbm>>) target(%dma_start3A_34 : memref<640x64xf32, #tpu.memory_space<vmem_shared>>) target_semaphore(%run_scoped3A : memref<!tpu.dma_semaphore, #tpu.memory_space<semaphore_mem>>)
      %dma_wait3A = arith.constant 0 : i32
      %dma_wait3A_35 = tpu.memref_slice %arg14[%mul3A_0, %dma_wait3A] : memref<10240x64xf32, #tpu.memory_space<vmem_shared>> -> memref<640x64xf32, #tpu.memory_space<vmem_shared>>
      tpu.wait_dma2 semaphore(%run_scoped3A : memref<!tpu.dma_semaphore, #tpu.memory_space<semaphore_mem>>) src(%arg7 : memref<640x64xf32, #tpu.memory_space<hbm>>) dst(%dma_wait3A_35 : memref<640x64xf32, #tpu.memory_space<vmem_shared>>)
      tpu.yield
    }) : () -> ()
    "tpu.region"() ({
      %run_scoped3A = tpu.sem_alloc : memref<!tpu.dma_semaphore, #tpu.memory_space<semaphore_mem>>
      %dma_start3A = arith.constant 0 : i32
      %dma_start3A_34 = arith.constant 0 : i32
      %dma_start3A_35 = tpu.memref_slice %arg6[%arg1, %dma_start3A, %dma_start3A_34] : memref<16x162x128xi32, #tpu.memory_space<hbm>> -> memref<1x162x128xi32, #tpu.memory_space<hbm>>
      %dma_start3A_36 = tpu.memref_squeeze %dma_start3A_35 : memref<1x162x128xi32, #tpu.memory_space<hbm>> -> memref<162x128xi32, #tpu.memory_space<hbm>>
      %dma_start3A_37 = arith.constant 0 : i32
      %dma_start3A_38 = arith.constant 0 : i32
      %dma_start3A_39 = tpu.memref_slice %arg6[%arg1, %dma_start3A_37, %dma_start3A_38] : memref<16x162x128xi32, #tpu.memory_space<hbm>> -> memref<1x162x128xi32, #tpu.memory_space<hbm>>
      %dma_start3A_40 = tpu.memref_squeeze %dma_start3A_39 : memref<1x162x128xi32, #tpu.memory_space<hbm>> -> memref<162x128xi32, #tpu.memory_space<hbm>>
      tpu.enqueue_dma source(%dma_start3A_40 : memref<162x128xi32, #tpu.memory_space<hbm>>) target(%arg11 : memref<162x128xi32, #tpu.memory_space<vmem>>) target_semaphore(%run_scoped3A : memref<!tpu.dma_semaphore, #tpu.memory_space<semaphore_mem>>)
      %dma_wait3A = arith.constant 0 : i32
      %dma_wait3A_41 = arith.constant 0 : i32
      %dma_wait3A_42 = tpu.memref_slice %arg6[%arg1, %dma_wait3A, %dma_wait3A_41] : memref<16x162x128xi32, #tpu.memory_space<hbm>> -> memref<1x162x128xi32, #tpu.memory_space<hbm>>
      %dma_wait3A_43 = tpu.memref_squeeze %dma_wait3A_42 : memref<1x162x128xi32, #tpu.memory_space<hbm>> -> memref<162x128xi32, #tpu.memory_space<hbm>>
      %dma_wait3A_44 = arith.constant 0 : i32
      %dma_wait3A_45 = arith.constant 0 : i32
      %dma_wait3A_46 = tpu.memref_slice %arg6[%arg1, %dma_wait3A_44, %dma_wait3A_45] : memref<16x162x128xi32, #tpu.memory_space<hbm>> -> memref<1x162x128xi32, #tpu.memory_space<hbm>>
      %dma_wait3A_47 = tpu.memref_squeeze %dma_wait3A_46 : memref<1x162x128xi32, #tpu.memory_space<hbm>> -> memref<162x128xi32, #tpu.memory_space<hbm>>
      tpu.wait_dma2 semaphore(%run_scoped3A : memref<!tpu.dma_semaphore, #tpu.memory_space<semaphore_mem>>) src(%dma_wait3A_47 : memref<162x128xi32, #tpu.memory_space<hbm>>) dst(%arg11 : memref<162x128xi32, #tpu.memory_space<vmem>>)
      tpu.yield
    }) : () -> ()
    %eq3A = arith.constant 0 : i32
    %eq3A_1 = arith.cmpi eq, %arg0, %eq3A : i32
    %convert_element_type3A = arith.extui %eq3A_1 : i1 to i32
    %cond3A = arith.constant 0 : i32
    %cond3A_2 = arith.cmpi ne, %convert_element_type3A, %cond3A : i32
    scf.if %cond3A_2 {
      "tpu.region"() ({
        %run_scoped3A = tpu.sem_alloc : memref<!tpu.dma_semaphore, #tpu.memory_space<semaphore_mem>>
        %dma_start3A = arith.constant 0 : i32
        %dma_start3A_34 = arith.constant 0 : i32
        %dma_start3A_35 = tpu.memref_slice %arg4[%arg1, %dma_start3A, %dma_start3A_34] : memref<16x162x128xi32, #tpu.memory_space<hbm>> -> memref<1x162x128xi32, #tpu.memory_space<hbm>>
        %dma_start3A_36 = tpu.memref_squeeze %dma_start3A_35 : memref<1x162x128xi32, #tpu.memory_space<hbm>> -> memref<162x128xi32, #tpu.memory_space<hbm>>
        %dma_start3A_37 = arith.constant 0 : i32
        %dma_start3A_38 = arith.constant 0 : i32
        %dma_start3A_39 = tpu.memref_slice %arg4[%arg1, %dma_start3A_37, %dma_start3A_38] : memref<16x162x128xi32, #tpu.memory_space<hbm>> -> memref<1x162x128xi32, #tpu.memory_space<hbm>>
        %dma_start3A_40 = tpu.memref_squeeze %dma_start3A_39 : memref<1x162x128xi32, #tpu.memory_space<hbm>> -> memref<162x128xi32, #tpu.memory_space<hbm>>
        tpu.enqueue_dma source(%dma_start3A_40 : memref<162x128xi32, #tpu.memory_space<hbm>>) target(%arg10 : memref<162x128xi32, #tpu.memory_space<vmem>>) target_semaphore(%run_scoped3A : memref<!tpu.dma_semaphore, #tpu.memory_space<semaphore_mem>>)
        %dma_wait3A = arith.constant 0 : i32
        %dma_wait3A_41 = arith.constant 0 : i32
        %dma_wait3A_42 = tpu.memref_slice %arg4[%arg1, %dma_wait3A, %dma_wait3A_41] : memref<16x162x128xi32, #tpu.memory_space<hbm>> -> memref<1x162x128xi32, #tpu.memory_space<hbm>>
        %dma_wait3A_43 = tpu.memref_squeeze %dma_wait3A_42 : memref<1x162x128xi32, #tpu.memory_space<hbm>> -> memref<162x128xi32, #tpu.memory_space<hbm>>
        %dma_wait3A_44 = arith.constant 0 : i32
        %dma_wait3A_45 = arith.constant 0 : i32
        %dma_wait3A_46 = tpu.memref_slice %arg4[%arg1, %dma_wait3A_44, %dma_wait3A_45] : memref<16x162x128xi32, #tpu.memory_space<hbm>> -> memref<1x162x128xi32, #tpu.memory_space<hbm>>
        %dma_wait3A_47 = tpu.memref_squeeze %dma_wait3A_46 : memref<1x162x128xi32, #tpu.memory_space<hbm>> -> memref<162x128xi32, #tpu.memory_space<hbm>>
        tpu.wait_dma2 semaphore(%run_scoped3A : memref<!tpu.dma_semaphore, #tpu.memory_space<semaphore_mem>>) src(%dma_wait3A_47 : memref<162x128xi32, #tpu.memory_space<hbm>>) dst(%arg10 : memref<162x128xi32, #tpu.memory_space<vmem>>)
        tpu.yield
      }) : () -> ()
    } else {
    }
    %eq3A_3 = arith.constant 1 : i32
    %eq3A_4 = arith.cmpi eq, %arg0, %eq3A_3 : i32
    %convert_element_type3A_5 = arith.extui %eq3A_4 : i1 to i32
    %cond3A_6 = arith.constant 0 : i32
    %cond3A_7 = arith.cmpi ne, %convert_element_type3A_5, %cond3A_6 : i32
    scf.if %cond3A_7 {
      "tpu.region"() ({
        %run_scoped3A = tpu.sem_alloc : memref<!tpu.dma_semaphore, #tpu.memory_space<semaphore_mem>>
        %dma_start3A = arith.constant 0 : i32
        %dma_start3A_34 = arith.constant 0 : i32
        %dma_start3A_35 = tpu.memref_slice %arg5[%arg1, %dma_start3A, %dma_start3A_34] : memref<16x162x128xi32, #tpu.memory_space<hbm>> -> memref<1x162x128xi32, #tpu.memory_space<hbm>>
        %dma_start3A_36 = tpu.memref_squeeze %dma_start3A_35 : memref<1x162x128xi32, #tpu.memory_space<hbm>> -> memref<162x128xi32, #tpu.memory_space<hbm>>
        %dma_start3A_37 = arith.constant 0 : i32
        %dma_start3A_38 = arith.constant 0 : i32
        %dma_start3A_39 = tpu.memref_slice %arg5[%arg1, %dma_start3A_37, %dma_start3A_38] : memref<16x162x128xi32, #tpu.memory_space<hbm>> -> memref<1x162x128xi32, #tpu.memory_space<hbm>>
        %dma_start3A_40 = tpu.memref_squeeze %dma_start3A_39 : memref<1x162x128xi32, #tpu.memory_space<hbm>> -> memref<162x128xi32, #tpu.memory_space<hbm>>
        tpu.enqueue_dma source(%dma_start3A_40 : memref<162x128xi32, #tpu.memory_space<hbm>>) target(%arg10 : memref<162x128xi32, #tpu.memory_space<vmem>>) target_semaphore(%run_scoped3A : memref<!tpu.dma_semaphore, #tpu.memory_space<semaphore_mem>>)
        %dma_wait3A = arith.constant 0 : i32
        %dma_wait3A_41 = arith.constant 0 : i32
        %dma_wait3A_42 = tpu.memref_slice %arg5[%arg1, %dma_wait3A, %dma_wait3A_41] : memref<16x162x128xi32, #tpu.memory_space<hbm>> -> memref<1x162x128xi32, #tpu.memory_space<hbm>>
        %dma_wait3A_43 = tpu.memref_squeeze %dma_wait3A_42 : memref<1x162x128xi32, #tpu.memory_space<hbm>> -> memref<162x128xi32, #tpu.memory_space<hbm>>
        %dma_wait3A_44 = arith.constant 0 : i32
        %dma_wait3A_45 = arith.constant 0 : i32
        %dma_wait3A_46 = tpu.memref_slice %arg5[%arg1, %dma_wait3A_44, %dma_wait3A_45] : memref<16x162x128xi32, #tpu.memory_space<hbm>> -> memref<1x162x128xi32, #tpu.memory_space<hbm>>
        %dma_wait3A_47 = tpu.memref_squeeze %dma_wait3A_46 : memref<1x162x128xi32, #tpu.memory_space<hbm>> -> memref<162x128xi32, #tpu.memory_space<hbm>>
        tpu.wait_dma2 semaphore(%run_scoped3A : memref<!tpu.dma_semaphore, #tpu.memory_space<semaphore_mem>>) src(%dma_wait3A_47 : memref<162x128xi32, #tpu.memory_space<hbm>>) dst(%arg10 : memref<162x128xi32, #tpu.memory_space<vmem>>)
        tpu.yield
      }) : () -> ()
    } else {
    }
    %barrier3A = arith.constant 0 : index
    tpu.barrier barrier_id(%barrier3A)
    %eq3A_8 = arith.constant 0 : i32
    %eq3A_9 = arith.cmpi eq, %arg0, %eq3A_8 : i32
    %convert_element_type3A_10 = arith.extui %eq3A_9 : i1 to i32
    %cond3A_11 = arith.constant 0 : i32
    %cond3A_12 = arith.cmpi ne, %convert_element_type3A_10, %cond3A_11 : i32
    scf.if %cond3A_12 {
      %dma_start3A = arith.constant 0 : i32
      %dma_start3A_34 = arith.constant 0 : i32
      %dma_start3A_35 = tpu.memref_slice %arg10[%dma_start3A, %dma_start3A_34] : memref<162x128xi32, #tpu.memory_space<vmem>> -> memref<1x128xi32, #tpu.memory_space<vmem>>
      %dma_start3A_36 = tpu.memref_squeeze %dma_start3A_35 : memref<1x128xi32, #tpu.memory_space<vmem>> -> memref<128xi32, #tpu.memory_space<vmem>>
      %dma_start3A_37 = arith.constant 0 : i32
      %dma_start3A_38 = arith.constant 0 : i32
      %dma_start3A_39 = tpu.memref_slice %arg2[%dma_start3A_37, %dma_start3A_38] : memref<10000x64xf32, #tpu.memory_space<hbm>> -> memref<10000x64xf32, #tpu.memory_space<hbm>>
      tpu.enqueue_indirect_dma source(%dma_start3A_39 : memref<10000x64xf32, #tpu.memory_space<hbm>>) target(%arg12 : memref<128x64xf32, #tpu.memory_space<vmem>>) offsets(%dma_start3A_36 : memref<128xi32, #tpu.memory_space<vmem>>) semaphore(%arg15 : memref<!tpu.dma_semaphore, #tpu.memory_space<semaphore_mem>>)
    } else {
    }
    %eq3A_13 = arith.constant 1 : i32
    %eq3A_14 = arith.cmpi eq, %arg0, %eq3A_13 : i32
    %convert_element_type3A_15 = arith.extui %eq3A_14 : i1 to i32
    %cond3A_16 = arith.constant 0 : i32
    %cond3A_17 = arith.cmpi ne, %convert_element_type3A_15, %cond3A_16 : i32
    scf.if %cond3A_17 {
      %dma_start3A = arith.constant 0 : i32
      %dma_start3A_34 = arith.constant 0 : i32
      %dma_start3A_35 = tpu.memref_slice %arg10[%dma_start3A, %dma_start3A_34] : memref<162x128xi32, #tpu.memory_space<vmem>> -> memref<1x128xi32, #tpu.memory_space<vmem>>
      %dma_start3A_36 = tpu.memref_squeeze %dma_start3A_35 : memref<1x128xi32, #tpu.memory_space<vmem>> -> memref<128xi32, #tpu.memory_space<vmem>>
      %dma_start3A_37 = arith.constant 0 : i32
      %dma_start3A_38 = arith.constant 0 : i32
      %dma_start3A_39 = tpu.memref_slice %arg3[%dma_start3A_37, %dma_start3A_38] : memref<10000x64xf32, #tpu.memory_space<hbm>> -> memref<10000x64xf32, #tpu.memory_space<hbm>>
      tpu.enqueue_indirect_dma source(%dma_start3A_39 : memref<10000x64xf32, #tpu.memory_space<hbm>>) target(%arg12 : memref<128x64xf32, #tpu.memory_space<vmem>>) offsets(%dma_start3A_36 : memref<128xi32, #tpu.memory_space<vmem>>) semaphore(%arg15 : memref<!tpu.dma_semaphore, #tpu.memory_space<semaphore_mem>>)
    } else {
    }
    %scan3A = arith.constant 0 : i32
    %scan3A_18 = arith.constant 0 : i32
    %scan3A_19 = arith.constant 81 : i32
    %scan3A_20 = arith.addi %scan3A_18, %scan3A_19 : i32
    %scan3A_21 = arith.constant 1 : i32
    scf.for %scan3A_34 = %scan3A_18 to %scan3A_20 step %scan3A_21  : i32 {
      %mul3A_35 = arith.constant 2 : i32
      %mul3A_36 = arith.muli %mul3A_35, %scan3A_34 : i32
      %add3A = arith.constant 1 : i32
      %add3A_37 = arith.addi %mul3A_36, %add3A : i32
      %eq3A_38 = arith.constant 0 : i32
      %eq3A_39 = arith.cmpi eq, %arg0, %eq3A_38 : i32
      %convert_element_type3A_40 = arith.extui %eq3A_39 : i1 to i32
      %cond3A_41 = arith.constant 0 : i32
      %cond3A_42 = arith.cmpi ne, %convert_element_type3A_40, %cond3A_41 : i32
      scf.if %cond3A_42 {
        %dma_start3A = arith.constant 0 : i32
        %dma_start3A_69 = tpu.memref_slice %arg10[%add3A_37, %dma_start3A] : memref<162x128xi32, #tpu.memory_space<vmem>> -> memref<1x128xi32, #tpu.memory_space<vmem>>
        %dma_start3A_70 = tpu.memref_squeeze %dma_start3A_69 : memref<1x128xi32, #tpu.memory_space<vmem>> -> memref<128xi32, #tpu.memory_space<vmem>>
        %dma_start3A_71 = arith.constant 0 : i32
        %dma_start3A_72 = arith.constant 0 : i32
        %dma_start3A_73 = tpu.memref_slice %arg2[%dma_start3A_71, %dma_start3A_72] : memref<10000x64xf32, #tpu.memory_space<hbm>> -> memref<10000x64xf32, #tpu.memory_space<hbm>>
        tpu.enqueue_indirect_dma source(%dma_start3A_73 : memref<10000x64xf32, #tpu.memory_space<hbm>>) target(%arg13 : memref<128x64xf32, #tpu.memory_space<vmem>>) offsets(%dma_start3A_70 : memref<128xi32, #tpu.memory_space<vmem>>) semaphore(%arg16 : memref<!tpu.dma_semaphore, #tpu.memory_space<semaphore_mem>>)
      } else {
      }
      %eq3A_43 = arith.constant 1 : i32
      %eq3A_44 = arith.cmpi eq, %arg0, %eq3A_43 : i32
      %convert_element_type3A_45 = arith.extui %eq3A_44 : i1 to i32
      %cond3A_46 = arith.constant 0 : i32
      %cond3A_47 = arith.cmpi ne, %convert_element_type3A_45, %cond3A_46 : i32
      scf.if %cond3A_47 {
        %dma_start3A = arith.constant 0 : i32
        %dma_start3A_69 = tpu.memref_slice %arg10[%add3A_37, %dma_start3A] : memref<162x128xi32, #tpu.memory_space<vmem>> -> memref<1x128xi32, #tpu.memory_space<vmem>>
        %dma_start3A_70 = tpu.memref_squeeze %dma_start3A_69 : memref<1x128xi32, #tpu.memory_space<vmem>> -> memref<128xi32, #tpu.memory_space<vmem>>
        %dma_start3A_71 = arith.constant 0 : i32
        %dma_start3A_72 = arith.constant 0 : i32
        %dma_start3A_73 = tpu.memref_slice %arg3[%dma_start3A_71, %dma_start3A_72] : memref<10000x64xf32, #tpu.memory_space<hbm>> -> memref<10000x64xf32, #tpu.memory_space<hbm>>
        tpu.enqueue_indirect_dma source(%dma_start3A_73 : memref<10000x64xf32, #tpu.memory_space<hbm>>) target(%arg13 : memref<128x64xf32, #tpu.memory_space<vmem>>) offsets(%dma_start3A_70 : memref<128xi32, #tpu.memory_space<vmem>>) semaphore(%arg16 : memref<!tpu.dma_semaphore, #tpu.memory_space<semaphore_mem>>)
      } else {
      }
      %dma_wait3A = arith.constant 0 : i32
      %dma_wait3A_48 = arith.constant 0 : i32
      %dma_wait3A_49 = tpu.memref_slice %arg10[%dma_wait3A, %dma_wait3A_48] : memref<162x128xi32, #tpu.memory_space<vmem>> -> memref<1x128xi32, #tpu.memory_space<vmem>>
      %dma_wait3A_50 = tpu.memref_squeeze %dma_wait3A_49 : memref<1x128xi32, #tpu.memory_space<vmem>> -> memref<128xi32, #tpu.memory_space<vmem>>
      %dma_wait3A_51 = arith.constant 0 : i32
      %dma_wait3A_52 = arith.constant 0 : i32
      %dma_wait3A_53 = tpu.memref_slice %arg2[%dma_wait3A_51, %dma_wait3A_52] : memref<10000x64xf32, #tpu.memory_space<hbm>> -> memref<10000x64xf32, #tpu.memory_space<hbm>>
      tpu.wait_indirect_dma semaphore(%arg15 : memref<!tpu.dma_semaphore, #tpu.memory_space<semaphore_mem>>) src(%dma_wait3A_53 : memref<10000x64xf32, #tpu.memory_space<hbm>>) dst(%arg12 : memref<128x64xf32, #tpu.memory_space<vmem>>)
      "tpu.region"() ({
        %run_scoped3A = tpu.sem_alloc : memref<!tpu.dma_semaphore, #tpu.memory_space<semaphore_mem>>
        %dma_start3A = arith.constant 0 : i32
        %dma_start3A_69 = tpu.memref_slice %arg11[%mul3A_36, %dma_start3A] : memref<162x128xi32, #tpu.memory_space<vmem>> -> memref<1x128xi32, #tpu.memory_space<vmem>>
        %dma_start3A_70 = tpu.memref_squeeze %dma_start3A_69 : memref<1x128xi32, #tpu.memory_space<vmem>> -> memref<128xi32, #tpu.memory_space<vmem>>
        %dma_start3A_71 = arith.constant 0 : i32
        %dma_start3A_72 = arith.constant 0 : i32
        %dma_start3A_73 = tpu.memref_slice %arg14[%dma_start3A_71, %dma_start3A_72] : memref<10240x64xf32, #tpu.memory_space<vmem_shared>> -> memref<10240x64xf32, #tpu.memory_space<vmem_shared>>
        tpu.enqueue_indirect_dma source(%arg12 : memref<128x64xf32, #tpu.memory_space<vmem>>) target(%dma_start3A_73 : memref<10240x64xf32, #tpu.memory_space<vmem_shared>>) offsets(%dma_start3A_70 : memref<128xi32, #tpu.memory_space<vmem>>) semaphore(%run_scoped3A : memref<!tpu.dma_semaphore, #tpu.memory_space<semaphore_mem>>) {add = true}
        %dma_wait3A_74 = arith.constant 0 : i32
        %dma_wait3A_75 = tpu.memref_slice %arg11[%mul3A_36, %dma_wait3A_74] : memref<162x128xi32, #tpu.memory_space<vmem>> -> memref<1x128xi32, #tpu.memory_space<vmem>>
        %dma_wait3A_76 = tpu.memref_squeeze %dma_wait3A_75 : memref<1x128xi32, #tpu.memory_space<vmem>> -> memref<128xi32, #tpu.memory_space<vmem>>
        %dma_wait3A_77 = arith.constant 0 : i32
        %dma_wait3A_78 = arith.constant 0 : i32
        %dma_wait3A_79 = tpu.memref_slice %arg14[%dma_wait3A_77, %dma_wait3A_78] : memref<10240x64xf32, #tpu.memory_space<vmem_shared>> -> memref<10240x64xf32, #tpu.memory_space<vmem_shared>>
        tpu.wait_indirect_dma semaphore(%run_scoped3A : memref<!tpu.dma_semaphore, #tpu.memory_space<semaphore_mem>>) src(%arg12 : memref<128x64xf32, #tpu.memory_space<vmem>>) dst(%dma_wait3A_79 : memref<10240x64xf32, #tpu.memory_space<vmem_shared>>)
        tpu.yield
      }) : () -> ()
      %add3A_54 = arith.constant 2 : i32
      %add3A_55 = arith.addi %mul3A_36, %add3A_54 : i32
      %lt3A = arith.constant 162 : i32
      %lt3A_56 = arith.cmpi slt, %add3A_55, %lt3A : i32
      %convert_element_type3A_57 = arith.extui %lt3A_56 : i1 to i32
      %cond3A_58 = arith.constant 0 : i32
      %cond3A_59 = arith.cmpi ne, %convert_element_type3A_57, %cond3A_58 : i32
      scf.if %cond3A_59 {
        %add3A_69 = arith.constant 2 : i32
        %add3A_70 = arith.addi %mul3A_36, %add3A_69 : i32
        %eq3A_71 = arith.constant 0 : i32
        %eq3A_72 = arith.cmpi eq, %arg0, %eq3A_71 : i32
        %convert_element_type3A_73 = arith.extui %eq3A_72 : i1 to i32
        %cond3A_74 = arith.constant 0 : i32
        %cond3A_75 = arith.cmpi ne, %convert_element_type3A_73, %cond3A_74 : i32
        scf.if %cond3A_75 {
          %dma_start3A = arith.constant 0 : i32
          %dma_start3A_81 = tpu.memref_slice %arg10[%add3A_70, %dma_start3A] : memref<162x128xi32, #tpu.memory_space<vmem>> -> memref<1x128xi32, #tpu.memory_space<vmem>>
          %dma_start3A_82 = tpu.memref_squeeze %dma_start3A_81 : memref<1x128xi32, #tpu.memory_space<vmem>> -> memref<128xi32, #tpu.memory_space<vmem>>
          %dma_start3A_83 = arith.constant 0 : i32
          %dma_start3A_84 = arith.constant 0 : i32
          %dma_start3A_85 = tpu.memref_slice %arg2[%dma_start3A_83, %dma_start3A_84] : memref<10000x64xf32, #tpu.memory_space<hbm>> -> memref<10000x64xf32, #tpu.memory_space<hbm>>
          tpu.enqueue_indirect_dma source(%dma_start3A_85 : memref<10000x64xf32, #tpu.memory_space<hbm>>) target(%arg12 : memref<128x64xf32, #tpu.memory_space<vmem>>) offsets(%dma_start3A_82 : memref<128xi32, #tpu.memory_space<vmem>>) semaphore(%arg15 : memref<!tpu.dma_semaphore, #tpu.memory_space<semaphore_mem>>)
        } else {
        }
        %eq3A_76 = arith.constant 1 : i32
        %eq3A_77 = arith.cmpi eq, %arg0, %eq3A_76 : i32
        %convert_element_type3A_78 = arith.extui %eq3A_77 : i1 to i32
        %cond3A_79 = arith.constant 0 : i32
        %cond3A_80 = arith.cmpi ne, %convert_element_type3A_78, %cond3A_79 : i32
        scf.if %cond3A_80 {
          %dma_start3A = arith.constant 0 : i32
          %dma_start3A_81 = tpu.memref_slice %arg10[%add3A_70, %dma_start3A] : memref<162x128xi32, #tpu.memory_space<vmem>> -> memref<1x128xi32, #tpu.memory_space<vmem>>
          %dma_start3A_82 = tpu.memref_squeeze %dma_start3A_81 : memref<1x128xi32, #tpu.memory_space<vmem>> -> memref<128xi32, #tpu.memory_space<vmem>>
          %dma_start3A_83 = arith.constant 0 : i32
          %dma_start3A_84 = arith.constant 0 : i32
          %dma_start3A_85 = tpu.memref_slice %arg3[%dma_start3A_83, %dma_start3A_84] : memref<10000x64xf32, #tpu.memory_space<hbm>> -> memref<10000x64xf32, #tpu.memory_space<hbm>>
          tpu.enqueue_indirect_dma source(%dma_start3A_85 : memref<10000x64xf32, #tpu.memory_space<hbm>>) target(%arg12 : memref<128x64xf32, #tpu.memory_space<vmem>>) offsets(%dma_start3A_82 : memref<128xi32, #tpu.memory_space<vmem>>) semaphore(%arg15 : memref<!tpu.dma_semaphore, #tpu.memory_space<semaphore_mem>>)
        } else {
        }
      } else {
      }
      %dma_wait3A_60 = arith.constant 0 : i32
      %dma_wait3A_61 = arith.constant 0 : i32
      %dma_wait3A_62 = tpu.memref_slice %arg10[%dma_wait3A_60, %dma_wait3A_61] : memref<162x128xi32, #tpu.memory_space<vmem>> -> memref<1x128xi32, #tpu.memory_space<vmem>>
      %dma_wait3A_63 = tpu.memref_squeeze %dma_wait3A_62 : memref<1x128xi32, #tpu.memory_space<vmem>> -> memref<128xi32, #tpu.memory_space<vmem>>
      %dma_wait3A_64 = arith.constant 0 : i32
      %dma_wait3A_65 = arith.constant 0 : i32
      %dma_wait3A_66 = tpu.memref_slice %arg2[%dma_wait3A_64, %dma_wait3A_65] : memref<10000x64xf32, #tpu.memory_space<hbm>> -> memref<10000x64xf32, #tpu.memory_space<hbm>>
      tpu.wait_indirect_dma semaphore(%arg16 : memref<!tpu.dma_semaphore, #tpu.memory_space<semaphore_mem>>) src(%dma_wait3A_66 : memref<10000x64xf32, #tpu.memory_space<hbm>>) dst(%arg13 : memref<128x64xf32, #tpu.memory_space<vmem>>)
      %add3A_67 = arith.constant 1 : i32
      %add3A_68 = arith.addi %mul3A_36, %add3A_67 : i32
      "tpu.region"() ({
        %run_scoped3A = tpu.sem_alloc : memref<!tpu.dma_semaphore, #tpu.memory_space<semaphore_mem>>
        %dma_start3A = arith.constant 0 : i32
        %dma_start3A_69 = tpu.memref_slice %arg11[%add3A_68, %dma_start3A] : memref<162x128xi32, #tpu.memory_space<vmem>> -> memref<1x128xi32, #tpu.memory_space<vmem>>
        %dma_start3A_70 = tpu.memref_squeeze %dma_start3A_69 : memref<1x128xi32, #tpu.memory_space<vmem>> -> memref<128xi32, #tpu.memory_space<vmem>>
        %dma_start3A_71 = arith.constant 0 : i32
        %dma_start3A_72 = arith.constant 0 : i32
        %dma_start3A_73 = tpu.memref_slice %arg14[%dma_start3A_71, %dma_start3A_72] : memref<10240x64xf32, #tpu.memory_space<vmem_shared>> -> memref<10240x64xf32, #tpu.memory_space<vmem_shared>>
        tpu.enqueue_indirect_dma source(%arg13 : memref<128x64xf32, #tpu.memory_space<vmem>>) target(%dma_start3A_73 : memref<10240x64xf32, #tpu.memory_space<vmem_shared>>) offsets(%dma_start3A_70 : memref<128xi32, #tpu.memory_space<vmem>>) semaphore(%run_scoped3A : memref<!tpu.dma_semaphore, #tpu.memory_space<semaphore_mem>>) {add = true}
        %dma_wait3A_74 = arith.constant 0 : i32
        %dma_wait3A_75 = tpu.memref_slice %arg11[%add3A_68, %dma_wait3A_74] : memref<162x128xi32, #tpu.memory_space<vmem>> -> memref<1x128xi32, #tpu.memory_space<vmem>>
        %dma_wait3A_76 = tpu.memref_squeeze %dma_wait3A_75 : memref<1x128xi32, #tpu.memory_space<vmem>> -> memref<128xi32, #tpu.memory_space<vmem>>
        %dma_wait3A_77 = arith.constant 0 : i32
        %dma_wait3A_78 = arith.constant 0 : i32
        %dma_wait3A_79 = tpu.memref_slice %arg14[%dma_wait3A_77, %dma_wait3A_78] : memref<10240x64xf32, #tpu.memory_space<vmem_shared>> -> memref<10240x64xf32, #tpu.memory_space<vmem_shared>>
        tpu.wait_indirect_dma semaphore(%run_scoped3A : memref<!tpu.dma_semaphore, #tpu.memory_space<semaphore_mem>>) src(%arg13 : memref<128x64xf32, #tpu.memory_space<vmem>>) dst(%dma_wait3A_79 : memref<10240x64xf32, #tpu.memory_space<vmem_shared>>)
        tpu.yield
      }) : () -> ()
    }
    %scan3A_22 = arith.constant 81 : i32
    %barrier3A_23 = arith.constant 0 : index
    tpu.barrier barrier_id(%barrier3A_23)
    %eq3A_24 = arith.constant 0 : i32
    %eq3A_25 = arith.cmpi eq, %arg0, %eq3A_24 : i32
    %convert_element_type3A_26 = arith.extui %eq3A_25 : i1 to i32
    %cond3A_27 = arith.constant 0 : i32
    %cond3A_28 = arith.cmpi ne, %convert_element_type3A_26, %cond3A_27 : i32
    scf.if %cond3A_28 {
      %lt3A = arith.constant 15 : i32
      %lt3A_34 = arith.cmpi slt, %arg1, %lt3A : i32
      %convert_element_type3A_35 = arith.extui %lt3A_34 : i1 to i32
      %cond3A_36 = arith.constant 0 : i32
      %cond3A_37 = arith.cmpi ne, %convert_element_type3A_35, %cond3A_36 : i32
      scf.if %cond3A_37 {
        %mul3A_43 = arith.constant 640 : i32
        %mul3A_44 = arith.muli %arg1, %mul3A_43 : i32
        %mul3A_45 = arith.constant 640 : i32
        %mul3A_46 = arith.muli %arg1, %mul3A_45 : i32
        "tpu.region"() ({
          %run_scoped3A = tpu.sem_alloc : memref<!tpu.dma_semaphore, #tpu.memory_space<semaphore_mem>>
          %dma_start3A = arith.constant 0 : i32
          %dma_start3A_47 = tpu.memref_slice %arg8[%mul3A_46, %dma_start3A] : memref<10000x64xf32, #tpu.memory_space<hbm>> -> memref<640x64xf32, #tpu.memory_space<hbm>>
          %dma_start3A_48 = arith.constant 0 : i32
          %dma_start3A_49 = tpu.memref_slice %arg14[%mul3A_44, %dma_start3A_48] : memref<10240x64xf32, #tpu.memory_space<vmem_shared>> -> memref<640x64xf32, #tpu.memory_space<vmem_shared>>
          tpu.enqueue_dma source(%dma_start3A_49 : memref<640x64xf32, #tpu.memory_space<vmem_shared>>) target(%dma_start3A_47 : memref<640x64xf32, #tpu.memory_space<hbm>>) target_semaphore(%run_scoped3A : memref<!tpu.dma_semaphore, #tpu.memory_space<semaphore_mem>>)
          %dma_wait3A = arith.constant 0 : i32
          %dma_wait3A_50 = tpu.memref_slice %arg8[%mul3A_46, %dma_wait3A] : memref<10000x64xf32, #tpu.memory_space<hbm>> -> memref<640x64xf32, #tpu.memory_space<hbm>>
          %dma_wait3A_51 = arith.constant 0 : i32
          %dma_wait3A_52 = tpu.memref_slice %arg14[%mul3A_44, %dma_wait3A_51] : memref<10240x64xf32, #tpu.memory_space<vmem_shared>> -> memref<640x64xf32, #tpu.memory_space<vmem_shared>>
          tpu.wait_dma2 semaphore(%run_scoped3A : memref<!tpu.dma_semaphore, #tpu.memory_space<semaphore_mem>>) src(%dma_wait3A_52 : memref<640x64xf32, #tpu.memory_space<vmem_shared>>) dst(%dma_wait3A_50 : memref<640x64xf32, #tpu.memory_space<hbm>>)
          tpu.yield
        }) : () -> ()
      } else {
      }
      %eq3A_38 = arith.constant 15 : i32
      %eq3A_39 = arith.cmpi eq, %arg1, %eq3A_38 : i32
      %convert_element_type3A_40 = arith.extui %eq3A_39 : i1 to i32
      %cond3A_41 = arith.constant 0 : i32
      %cond3A_42 = arith.cmpi ne, %convert_element_type3A_40, %cond3A_41 : i32
      scf.if %cond3A_42 {
        "tpu.region"() ({
          %run_scoped3A = tpu.sem_alloc : memref<!tpu.dma_semaphore, #tpu.memory_space<semaphore_mem>>
          %dma_start3A = arith.constant 9600 : i32
          %dma_start3A_43 = arith.constant 0 : i32
          %dma_start3A_44 = tpu.memref_slice %arg8[%dma_start3A, %dma_start3A_43] : memref<10000x64xf32, #tpu.memory_space<hbm>> -> memref<400x64xf32, #tpu.memory_space<hbm>>
          %dma_start3A_45 = arith.constant 9600 : i32
          %dma_start3A_46 = arith.constant 0 : i32
          %dma_start3A_47 = tpu.memref_slice %arg14[%dma_start3A_45, %dma_start3A_46] : memref<10240x64xf32, #tpu.memory_space<vmem_shared>> -> memref<400x64xf32, #tpu.memory_space<vmem_shared>>
          tpu.enqueue_dma source(%dma_start3A_47 : memref<400x64xf32, #tpu.memory_space<vmem_shared>>) target(%dma_start3A_44 : memref<400x64xf32, #tpu.memory_space<hbm>>) target_semaphore(%run_scoped3A : memref<!tpu.dma_semaphore, #tpu.memory_space<semaphore_mem>>)
          %dma_wait3A = arith.constant 9600 : i32
          %dma_wait3A_48 = arith.constant 0 : i32
          %dma_wait3A_49 = tpu.memref_slice %arg8[%dma_wait3A, %dma_wait3A_48] : memref<10000x64xf32, #tpu.memory_space<hbm>> -> memref<400x64xf32, #tpu.memory_space<hbm>>
          %dma_wait3A_50 = arith.constant 9600 : i32
          %dma_wait3A_51 = arith.constant 0 : i32
          %dma_wait3A_52 = tpu.memref_slice %arg14[%dma_wait3A_50, %dma_wait3A_51] : memref<10240x64xf32, #tpu.memory_space<vmem_shared>> -> memref<400x64xf32, #tpu.memory_space<vmem_shared>>
          tpu.wait_dma2 semaphore(%run_scoped3A : memref<!tpu.dma_semaphore, #tpu.memory_space<semaphore_mem>>) src(%dma_wait3A_52 : memref<400x64xf32, #tpu.memory_space<vmem_shared>>) dst(%dma_wait3A_49 : memref<400x64xf32, #tpu.memory_space<hbm>>)
          tpu.yield
        }) : () -> ()
      } else {
      }
    } else {
    }
    %eq3A_29 = arith.constant 1 : i32
    %eq3A_30 = arith.cmpi eq, %arg0, %eq3A_29 : i32
    %convert_element_type3A_31 = arith.extui %eq3A_30 : i1 to i32
    %cond3A_32 = arith.constant 0 : i32
    %cond3A_33 = arith.cmpi ne, %convert_element_type3A_31, %cond3A_32 : i32
    scf.if %cond3A_33 {
      %lt3A = arith.constant 15 : i32
      %lt3A_34 = arith.cmpi slt, %arg1, %lt3A : i32
      %convert_element_type3A_35 = arith.extui %lt3A_34 : i1 to i32
      %cond3A_36 = arith.constant 0 : i32
      %cond3A_37 = arith.cmpi ne, %convert_element_type3A_35, %cond3A_36 : i32
      scf.if %cond3A_37 {
        %mul3A_43 = arith.constant 640 : i32
        %mul3A_44 = arith.muli %arg1, %mul3A_43 : i32
        %mul3A_45 = arith.constant 640 : i32
        %mul3A_46 = arith.muli %arg1, %mul3A_45 : i32
        "tpu.region"() ({
          %run_scoped3A = tpu.sem_alloc : memref<!tpu.dma_semaphore, #tpu.memory_space<semaphore_mem>>
          %dma_start3A = arith.constant 0 : i32
          %dma_start3A_47 = tpu.memref_slice %arg9[%mul3A_46, %dma_start3A] : memref<10000x64xf32, #tpu.memory_space<hbm>> -> memref<640x64xf32, #tpu.memory_space<hbm>>
          %dma_start3A_48 = arith.constant 0 : i32
          %dma_start3A_49 = tpu.memref_slice %arg14[%mul3A_44, %dma_start3A_48] : memref<10240x64xf32, #tpu.memory_space<vmem_shared>> -> memref<640x64xf32, #tpu.memory_space<vmem_shared>>
          tpu.enqueue_dma source(%dma_start3A_49 : memref<640x64xf32, #tpu.memory_space<vmem_shared>>) target(%dma_start3A_47 : memref<640x64xf32, #tpu.memory_space<hbm>>) target_semaphore(%run_scoped3A : memref<!tpu.dma_semaphore, #tpu.memory_space<semaphore_mem>>)
          %dma_wait3A = arith.constant 0 : i32
          %dma_wait3A_50 = tpu.memref_slice %arg9[%mul3A_46, %dma_wait3A] : memref<10000x64xf32, #tpu.memory_space<hbm>> -> memref<640x64xf32, #tpu.memory_space<hbm>>
          %dma_wait3A_51 = arith.constant 0 : i32
          %dma_wait3A_52 = tpu.memref_slice %arg14[%mul3A_44, %dma_wait3A_51] : memref<10240x64xf32, #tpu.memory_space<vmem_shared>> -> memref<640x64xf32, #tpu.memory_space<vmem_shared>>
          tpu.wait_dma2 semaphore(%run_scoped3A : memref<!tpu.dma_semaphore, #tpu.memory_space<semaphore_mem>>) src(%dma_wait3A_52 : memref<640x64xf32, #tpu.memory_space<vmem_shared>>) dst(%dma_wait3A_50 : memref<640x64xf32, #tpu.memory_space<hbm>>)
          tpu.yield
        }) : () -> ()
      } else {
      }
      %eq3A_38 = arith.constant 15 : i32
      %eq3A_39 = arith.cmpi eq, %arg1, %eq3A_38 : i32
      %convert_element_type3A_40 = arith.extui %eq3A_39 : i1 to i32
      %cond3A_41 = arith.constant 0 : i32
      %cond3A_42 = arith.cmpi ne, %convert_element_type3A_40, %cond3A_41 : i32
      scf.if %cond3A_42 {
        "tpu.region"() ({
          %run_scoped3A = tpu.sem_alloc : memref<!tpu.dma_semaphore, #tpu.memory_space<semaphore_mem>>
          %dma_start3A = arith.constant 9600 : i32
          %dma_start3A_43 = arith.constant 0 : i32
          %dma_start3A_44 = tpu.memref_slice %arg9[%dma_start3A, %dma_start3A_43] : memref<10000x64xf32, #tpu.memory_space<hbm>> -> memref<400x64xf32, #tpu.memory_space<hbm>>
          %dma_start3A_45 = arith.constant 9600 : i32
          %dma_start3A_46 = arith.constant 0 : i32
          %dma_start3A_47 = tpu.memref_slice %arg14[%dma_start3A_45, %dma_start3A_46] : memref<10240x64xf32, #tpu.memory_space<vmem_shared>> -> memref<400x64xf32, #tpu.memory_space<vmem_shared>>
          tpu.enqueue_dma source(%dma_start3A_47 : memref<400x64xf32, #tpu.memory_space<vmem_shared>>) target(%dma_start3A_44 : memref<400x64xf32, #tpu.memory_space<hbm>>) target_semaphore(%run_scoped3A : memref<!tpu.dma_semaphore, #tpu.memory_space<semaphore_mem>>)
          %dma_wait3A = arith.constant 9600 : i32
          %dma_wait3A_48 = arith.constant 0 : i32
          %dma_wait3A_49 = tpu.memref_slice %arg9[%dma_wait3A, %dma_wait3A_48] : memref<10000x64xf32, #tpu.memory_space<hbm>> -> memref<400x64xf32, #tpu.memory_space<hbm>>
          %dma_wait3A_50 = arith.constant 9600 : i32
          %dma_wait3A_51 = arith.constant 0 : i32
          %dma_wait3A_52 = tpu.memref_slice %arg14[%dma_wait3A_50, %dma_wait3A_51] : memref<10240x64xf32, #tpu.memory_space<vmem_shared>> -> memref<400x64xf32, #tpu.memory_space<vmem_shared>>
          tpu.wait_dma2 semaphore(%run_scoped3A : memref<!tpu.dma_semaphore, #tpu.memory_space<semaphore_mem>>) src(%dma_wait3A_52 : memref<400x64xf32, #tpu.memory_space<vmem_shared>>) dst(%dma_wait3A_49 : memref<400x64xf32, #tpu.memory_space<hbm>>)
          tpu.yield
        }) : () -> ()
      } else {
      }
    } else {
    }
    return
  }
}

#map = affine_map<(d0, d1) -> (0, 0)>
#map1 = affine_map<(d0, d1) -> (0, 0, 0)>
module attributes {stable_mosaic.version = 14 : i64} {
  func.func @k(%arg0: i32, %arg1: i32, %arg2: memref<10000x64xf32, #tpu.memory_space<hbm>>, %arg3: memref<10000x64xf32, #tpu.memory_space<hbm>>, %arg4: memref<16x162x128xi32, #tpu.memory_space<hbm>>, %arg5: memref<16x162x128xi32, #tpu.memory_space<hbm>>, %arg6: memref<16x162x128xi32, #tpu.memory_space<hbm>>, %arg7: memref<640x64xf32, #tpu.memory_space<hbm>>, %arg8: memref<10000x64xf32, #tpu.memory_space<hbm>>, %arg9: memref<10000x64xf32, #tpu.memory_space<hbm>>, %arg10: memref<162x128xi32, #tpu.memory_space<vmem>>, %arg11: memref<162x128xi32, #tpu.memory_space<vmem>>, %arg12: memref<128x64xf32, #tpu.memory_space<vmem>>, %arg13: memref<128x64xf32, #tpu.memory_space<vmem>>, %arg14: memref<10240x64xf32, #tpu.memory_space<vmem_shared>>, %arg15: memref<!tpu.dma_semaphore, #tpu.memory_space<semaphore_mem>>, %arg16: memref<!tpu.dma_semaphore, #tpu.memory_space<semaphore_mem>>) attributes {dimension_semantics = [#tpu.dimension_semantics<core_parallel>, #tpu.dimension_semantics<subcore_parallel>], iteration_bounds = array<i64: 2, 16>, scalar_prefetch = 0 : i64, scratch_operands = 7 : i64, tpu.core_type = #tpu.core_type<sc_vector_subcore>, window_params = [{transform_indices = #map}, {transform_indices = #map}, {transform_indices = #map1}, {transform_indices = #map1}, {transform_indices = #map1}, {transform_indices = #map}, {transform_indices = #map}, {transform_indices = #map}]} {
    %mul3A = arith.constant 640 : i32
    %mul3A_0 = arith.muli %arg1, %mul3A : i32
    "tpu.region"() ({
      %run_scoped3A = tpu.sem_alloc : memref<!tpu.dma_semaphore, #tpu.memory_space<semaphore_mem>>
      %dma_start3A = arith.constant 0 : i32
      %dma_start3A_34 = tpu.memref_slice %arg14[%mul3A_0, %dma_start3A] : memref<10240x64xf32, #tpu.memory_space<vmem_shared>> -> memref<640x64xf32, #tpu.memory_space<vmem_shared>>
      tpu.enqueue_dma source(%arg7 : memref<640x64xf32, #tpu.memory_space<hbm>>) target(%dma_start3A_34 : memref<640x64xf32, #tpu.memory_space<vmem_shared>>) target_semaphore(%run_scoped3A : memref<!tpu.dma_semaphore, #tpu.memory_space<semaphore_mem>>)
      %dma_wait3A = arith.constant 0 : i32
      %dma_wait3A_35 = tpu.memref_slice %arg14[%mul3A_0, %dma_wait3A] : memref<10240x64xf32, #tpu.memory_space<vmem_shared>> -> memref<640x64xf32, #tpu.memory_space<vmem_shared>>
      tpu.wait_dma2 semaphore(%run_scoped3A : memref<!tpu.dma_semaphore, #tpu.memory_space<semaphore_mem>>) src(%arg7 : memref<640x64xf32, #tpu.memory_space<hbm>>) dst(%dma_wait3A_35 : memref<640x64xf32, #tpu.memory_space<vmem_shared>>)
      tpu.yield
    }) : () -> ()
    "tpu.region"() ({
      %run_scoped3A = tpu.sem_alloc : memref<!tpu.dma_semaphore, #tpu.memory_space<semaphore_mem>>
      %dma_start3A = arith.constant 0 : i32
      %dma_start3A_34 = arith.constant 0 : i32
      %dma_start3A_35 = tpu.memref_slice %arg6[%arg1, %dma_start3A, %dma_start3A_34] : memref<16x162x128xi32, #tpu.memory_space<hbm>> -> memref<1x162x128xi32, #tpu.memory_space<hbm>>
      %dma_start3A_36 = tpu.memref_squeeze %dma_start3A_35 : memref<1x162x128xi32, #tpu.memory_space<hbm>> -> memref<162x128xi32, #tpu.memory_space<hbm>>
      %dma_start3A_37 = arith.constant 0 : i32
      %dma_start3A_38 = arith.constant 0 : i32
      %dma_start3A_39 = tpu.memref_slice %arg6[%arg1, %dma_start3A_37, %dma_start3A_38] : memref<16x162x128xi32, #tpu.memory_space<hbm>> -> memref<1x162x128xi32, #tpu.memory_space<hbm>>
      %dma_start3A_40 = tpu.memref_squeeze %dma_start3A_39 : memref<1x162x128xi32, #tpu.memory_space<hbm>> -> memref<162x128xi32, #tpu.memory_space<hbm>>
      tpu.enqueue_dma source(%dma_start3A_40 : memref<162x128xi32, #tpu.memory_space<hbm>>) target(%arg11 : memref<162x128xi32, #tpu.memory_space<vmem>>) target_semaphore(%run_scoped3A : memref<!tpu.dma_semaphore, #tpu.memory_space<semaphore_mem>>)
      %dma_wait3A = arith.constant 0 : i32
      %dma_wait3A_41 = arith.constant 0 : i32
      %dma_wait3A_42 = tpu.memref_slice %arg6[%arg1, %dma_wait3A, %dma_wait3A_41] : memref<16x162x128xi32, #tpu.memory_space<hbm>> -> memref<1x162x128xi32, #tpu.memory_space<hbm>>
      %dma_wait3A_43 = tpu.memref_squeeze %dma_wait3A_42 : memref<1x162x128xi32, #tpu.memory_space<hbm>> -> memref<162x128xi32, #tpu.memory_space<hbm>>
      %dma_wait3A_44 = arith.constant 0 : i32
      %dma_wait3A_45 = arith.constant 0 : i32
      %dma_wait3A_46 = tpu.memref_slice %arg6[%arg1, %dma_wait3A_44, %dma_wait3A_45] : memref<16x162x128xi32, #tpu.memory_space<hbm>> -> memref<1x162x128xi32, #tpu.memory_space<hbm>>
      %dma_wait3A_47 = tpu.memref_squeeze %dma_wait3A_46 : memref<1x162x128xi32, #tpu.memory_space<hbm>> -> memref<162x128xi32, #tpu.memory_space<hbm>>
      tpu.wait_dma2 semaphore(%run_scoped3A : memref<!tpu.dma_semaphore, #tpu.memory_space<semaphore_mem>>) src(%dma_wait3A_47 : memref<162x128xi32, #tpu.memory_space<hbm>>) dst(%arg11 : memref<162x128xi32, #tpu.memory_space<vmem>>)
      tpu.yield
    }) : () -> ()
    %eq3A = arith.constant 0 : i32
    %eq3A_1 = arith.cmpi eq, %arg0, %eq3A : i32
    %convert_element_type3A = arith.extui %eq3A_1 : i1 to i32
    %cond3A = arith.constant 0 : i32
    %cond3A_2 = arith.cmpi ne, %convert_element_type3A, %cond3A : i32
    scf.if %cond3A_2 {
      "tpu.region"() ({
        %run_scoped3A = tpu.sem_alloc : memref<!tpu.dma_semaphore, #tpu.memory_space<semaphore_mem>>
        %dma_start3A = arith.constant 0 : i32
        %dma_start3A_34 = arith.constant 0 : i32
        %dma_start3A_35 = tpu.memref_slice %arg4[%arg1, %dma_start3A, %dma_start3A_34] : memref<16x162x128xi32, #tpu.memory_space<hbm>> -> memref<1x162x128xi32, #tpu.memory_space<hbm>>
        %dma_start3A_36 = tpu.memref_squeeze %dma_start3A_35 : memref<1x162x128xi32, #tpu.memory_space<hbm>> -> memref<162x128xi32, #tpu.memory_space<hbm>>
        %dma_start3A_37 = arith.constant 0 : i32
        %dma_start3A_38 = arith.constant 0 : i32
        %dma_start3A_39 = tpu.memref_slice %arg4[%arg1, %dma_start3A_37, %dma_start3A_38] : memref<16x162x128xi32, #tpu.memory_space<hbm>> -> memref<1x162x128xi32, #tpu.memory_space<hbm>>
        %dma_start3A_40 = tpu.memref_squeeze %dma_start3A_39 : memref<1x162x128xi32, #tpu.memory_space<hbm>> -> memref<162x128xi32, #tpu.memory_space<hbm>>
        tpu.enqueue_dma source(%dma_start3A_40 : memref<162x128xi32, #tpu.memory_space<hbm>>) target(%arg10 : memref<162x128xi32, #tpu.memory_space<vmem>>) target_semaphore(%run_scoped3A : memref<!tpu.dma_semaphore, #tpu.memory_space<semaphore_mem>>)
        %dma_wait3A = arith.constant 0 : i32
        %dma_wait3A_41 = arith.constant 0 : i32
        %dma_wait3A_42 = tpu.memref_slice %arg4[%arg1, %dma_wait3A, %dma_wait3A_41] : memref<16x162x128xi32, #tpu.memory_space<hbm>> -> memref<1x162x128xi32, #tpu.memory_space<hbm>>
        %dma_wait3A_43 = tpu.memref_squeeze %dma_wait3A_42 : memref<1x162x128xi32, #tpu.memory_space<hbm>> -> memref<162x128xi32, #tpu.memory_space<hbm>>
        %dma_wait3A_44 = arith.constant 0 : i32
        %dma_wait3A_45 = arith.constant 0 : i32
        %dma_wait3A_46 = tpu.memref_slice %arg4[%arg1, %dma_wait3A_44, %dma_wait3A_45] : memref<16x162x128xi32, #tpu.memory_space<hbm>> -> memref<1x162x128xi32, #tpu.memory_space<hbm>>
        %dma_wait3A_47 = tpu.memref_squeeze %dma_wait3A_46 : memref<1x162x128xi32, #tpu.memory_space<hbm>> -> memref<162x128xi32, #tpu.memory_space<hbm>>
        tpu.wait_dma2 semaphore(%run_scoped3A : memref<!tpu.dma_semaphore, #tpu.memory_space<semaphore_mem>>) src(%dma_wait3A_47 : memref<162x128xi32, #tpu.memory_space<hbm>>) dst(%arg10 : memref<162x128xi32, #tpu.memory_space<vmem>>)
        tpu.yield
      }) : () -> ()
    } else {
    }
    %eq3A_3 = arith.constant 1 : i32
    %eq3A_4 = arith.cmpi eq, %arg0, %eq3A_3 : i32
    %convert_element_type3A_5 = arith.extui %eq3A_4 : i1 to i32
    %cond3A_6 = arith.constant 0 : i32
    %cond3A_7 = arith.cmpi ne, %convert_element_type3A_5, %cond3A_6 : i32
    scf.if %cond3A_7 {
      "tpu.region"() ({
        %run_scoped3A = tpu.sem_alloc : memref<!tpu.dma_semaphore, #tpu.memory_space<semaphore_mem>>
        %dma_start3A = arith.constant 0 : i32
        %dma_start3A_34 = arith.constant 0 : i32
        %dma_start3A_35 = tpu.memref_slice %arg5[%arg1, %dma_start3A, %dma_start3A_34] : memref<16x162x128xi32, #tpu.memory_space<hbm>> -> memref<1x162x128xi32, #tpu.memory_space<hbm>>
        %dma_start3A_36 = tpu.memref_squeeze %dma_start3A_35 : memref<1x162x128xi32, #tpu.memory_space<hbm>> -> memref<162x128xi32, #tpu.memory_space<hbm>>
        %dma_start3A_37 = arith.constant 0 : i32
        %dma_start3A_38 = arith.constant 0 : i32
        %dma_start3A_39 = tpu.memref_slice %arg5[%arg1, %dma_start3A_37, %dma_start3A_38] : memref<16x162x128xi32, #tpu.memory_space<hbm>> -> memref<1x162x128xi32, #tpu.memory_space<hbm>>
        %dma_start3A_40 = tpu.memref_squeeze %dma_start3A_39 : memref<1x162x128xi32, #tpu.memory_space<hbm>> -> memref<162x128xi32, #tpu.memory_space<hbm>>
        tpu.enqueue_dma source(%dma_start3A_40 : memref<162x128xi32, #tpu.memory_space<hbm>>) target(%arg10 : memref<162x128xi32, #tpu.memory_space<vmem>>) target_semaphore(%run_scoped3A : memref<!tpu.dma_semaphore, #tpu.memory_space<semaphore_mem>>)
        %dma_wait3A = arith.constant 0 : i32
        %dma_wait3A_41 = arith.constant 0 : i32
        %dma_wait3A_42 = tpu.memref_slice %arg5[%arg1, %dma_wait3A, %dma_wait3A_41] : memref<16x162x128xi32, #tpu.memory_space<hbm>> -> memref<1x162x128xi32, #tpu.memory_space<hbm>>
        %dma_wait3A_43 = tpu.memref_squeeze %dma_wait3A_42 : memref<1x162x128xi32, #tpu.memory_space<hbm>> -> memref<162x128xi32, #tpu.memory_space<hbm>>
        %dma_wait3A_44 = arith.constant 0 : i32
        %dma_wait3A_45 = arith.constant 0 : i32
        %dma_wait3A_46 = tpu.memref_slice %arg5[%arg1, %dma_wait3A_44, %dma_wait3A_45] : memref<16x162x128xi32, #tpu.memory_space<hbm>> -> memref<1x162x128xi32, #tpu.memory_space<hbm>>
        %dma_wait3A_47 = tpu.memref_squeeze %dma_wait3A_46 : memref<1x162x128xi32, #tpu.memory_space<hbm>> -> memref<162x128xi32, #tpu.memory_space<hbm>>
        tpu.wait_dma2 semaphore(%run_scoped3A : memref<!tpu.dma_semaphore, #tpu.memory_space<semaphore_mem>>) src(%dma_wait3A_47 : memref<162x128xi32, #tpu.memory_space<hbm>>) dst(%arg10 : memref<162x128xi32, #tpu.memory_space<vmem>>)
        tpu.yield
      }) : () -> ()
    } else {
    }
    %barrier3A = arith.constant 0 : index
    tpu.barrier barrier_id(%barrier3A)
    %eq3A_8 = arith.constant 0 : i32
    %eq3A_9 = arith.cmpi eq, %arg0, %eq3A_8 : i32
    %convert_element_type3A_10 = arith.extui %eq3A_9 : i1 to i32
    %cond3A_11 = arith.constant 0 : i32
    %cond3A_12 = arith.cmpi ne, %convert_element_type3A_10, %cond3A_11 : i32
    scf.if %cond3A_12 {
      %dma_start3A = arith.constant 0 : i32
      %dma_start3A_34 = arith.constant 0 : i32
      %dma_start3A_35 = tpu.memref_slice %arg10[%dma_start3A, %dma_start3A_34] : memref<162x128xi32, #tpu.memory_space<vmem>> -> memref<1x128xi32, #tpu.memory_space<vmem>>
      %dma_start3A_36 = tpu.memref_squeeze %dma_start3A_35 : memref<1x128xi32, #tpu.memory_space<vmem>> -> memref<128xi32, #tpu.memory_space<vmem>>
      %dma_start3A_37 = arith.constant 0 : i32
      %dma_start3A_38 = arith.constant 0 : i32
      %dma_start3A_39 = tpu.memref_slice %arg2[%dma_start3A_37, %dma_start3A_38] : memref<10000x64xf32, #tpu.memory_space<hbm>> -> memref<10000x64xf32, #tpu.memory_space<hbm>>
      tpu.enqueue_indirect_dma source(%dma_start3A_39 : memref<10000x64xf32, #tpu.memory_space<hbm>>) target(%arg12 : memref<128x64xf32, #tpu.memory_space<vmem>>) offsets(%dma_start3A_36 : memref<128xi32, #tpu.memory_space<vmem>>) semaphore(%arg15 : memref<!tpu.dma_semaphore, #tpu.memory_space<semaphore_mem>>)
    } else {
    }
    %eq3A_13 = arith.constant 1 : i32
    %eq3A_14 = arith.cmpi eq, %arg0, %eq3A_13 : i32
    %convert_element_type3A_15 = arith.extui %eq3A_14 : i1 to i32
    %cond3A_16 = arith.constant 0 : i32
    %cond3A_17 = arith.cmpi ne, %convert_element_type3A_15, %cond3A_16 : i32
    scf.if %cond3A_17 {
      %dma_start3A = arith.constant 0 : i32
      %dma_start3A_34 = arith.constant 0 : i32
      %dma_start3A_35 = tpu.memref_slice %arg10[%dma_start3A, %dma_start3A_34] : memref<162x128xi32, #tpu.memory_space<vmem>> -> memref<1x128xi32, #tpu.memory_space<vmem>>
      %dma_start3A_36 = tpu.memref_squeeze %dma_start3A_35 : memref<1x128xi32, #tpu.memory_space<vmem>> -> memref<128xi32, #tpu.memory_space<vmem>>
      %dma_start3A_37 = arith.constant 0 : i32
      %dma_start3A_38 = arith.constant 0 : i32
      %dma_start3A_39 = tpu.memref_slice %arg3[%dma_start3A_37, %dma_start3A_38] : memref<10000x64xf32, #tpu.memory_space<hbm>> -> memref<10000x64xf32, #tpu.memory_space<hbm>>
      tpu.enqueue_indirect_dma source(%dma_start3A_39 : memref<10000x64xf32, #tpu.memory_space<hbm>>) target(%arg12 : memref<128x64xf32, #tpu.memory_space<vmem>>) offsets(%dma_start3A_36 : memref<128xi32, #tpu.memory_space<vmem>>) semaphore(%arg15 : memref<!tpu.dma_semaphore, #tpu.memory_space<semaphore_mem>>)
    } else {
    }
    %scan3A = arith.constant 0 : i32
    %scan3A_18 = arith.constant 0 : i32
    %scan3A_19 = arith.constant 81 : i32
    %scan3A_20 = arith.addi %scan3A_18, %scan3A_19 : i32
    %scan3A_21 = arith.constant 1 : i32
    scf.for %scan3A_34 = %scan3A_18 to %scan3A_20 step %scan3A_21  : i32 {
      %mul3A_35 = arith.constant 2 : i32
      %mul3A_36 = arith.muli %mul3A_35, %scan3A_34 : i32
      %add3A = arith.constant 1 : i32
      %add3A_37 = arith.addi %mul3A_36, %add3A : i32
      %eq3A_38 = arith.constant 0 : i32
      %eq3A_39 = arith.cmpi eq, %arg0, %eq3A_38 : i32
      %convert_element_type3A_40 = arith.extui %eq3A_39 : i1 to i32
      %cond3A_41 = arith.constant 0 : i32
      %cond3A_42 = arith.cmpi ne, %convert_element_type3A_40, %cond3A_41 : i32
      scf.if %cond3A_42 {
        %dma_start3A = arith.constant 0 : i32
        %dma_start3A_69 = tpu.memref_slice %arg10[%add3A_37, %dma_start3A] : memref<162x128xi32, #tpu.memory_space<vmem>> -> memref<1x128xi32, #tpu.memory_space<vmem>>
        %dma_start3A_70 = tpu.memref_squeeze %dma_start3A_69 : memref<1x128xi32, #tpu.memory_space<vmem>> -> memref<128xi32, #tpu.memory_space<vmem>>
        %dma_start3A_71 = arith.constant 0 : i32
        %dma_start3A_72 = arith.constant 0 : i32
        %dma_start3A_73 = tpu.memref_slice %arg2[%dma_start3A_71, %dma_start3A_72] : memref<10000x64xf32, #tpu.memory_space<hbm>> -> memref<10000x64xf32, #tpu.memory_space<hbm>>
        tpu.enqueue_indirect_dma source(%dma_start3A_73 : memref<10000x64xf32, #tpu.memory_space<hbm>>) target(%arg13 : memref<128x64xf32, #tpu.memory_space<vmem>>) offsets(%dma_start3A_70 : memref<128xi32, #tpu.memory_space<vmem>>) semaphore(%arg16 : memref<!tpu.dma_semaphore, #tpu.memory_space<semaphore_mem>>)
      } else {
      }
      %eq3A_43 = arith.constant 1 : i32
      %eq3A_44 = arith.cmpi eq, %arg0, %eq3A_43 : i32
      %convert_element_type3A_45 = arith.extui %eq3A_44 : i1 to i32
      %cond3A_46 = arith.constant 0 : i32
      %cond3A_47 = arith.cmpi ne, %convert_element_type3A_45, %cond3A_46 : i32
      scf.if %cond3A_47 {
        %dma_start3A = arith.constant 0 : i32
        %dma_start3A_69 = tpu.memref_slice %arg10[%add3A_37, %dma_start3A] : memref<162x128xi32, #tpu.memory_space<vmem>> -> memref<1x128xi32, #tpu.memory_space<vmem>>
        %dma_start3A_70 = tpu.memref_squeeze %dma_start3A_69 : memref<1x128xi32, #tpu.memory_space<vmem>> -> memref<128xi32, #tpu.memory_space<vmem>>
        %dma_start3A_71 = arith.constant 0 : i32
        %dma_start3A_72 = arith.constant 0 : i32
        %dma_start3A_73 = tpu.memref_slice %arg3[%dma_start3A_71, %dma_start3A_72] : memref<10000x64xf32, #tpu.memory_space<hbm>> -> memref<10000x64xf32, #tpu.memory_space<hbm>>
        tpu.enqueue_indirect_dma source(%dma_start3A_73 : memref<10000x64xf32, #tpu.memory_space<hbm>>) target(%arg13 : memref<128x64xf32, #tpu.memory_space<vmem>>) offsets(%dma_start3A_70 : memref<128xi32, #tpu.memory_space<vmem>>) semaphore(%arg16 : memref<!tpu.dma_semaphore, #tpu.memory_space<semaphore_mem>>)
      } else {
      }
      %dma_wait3A = arith.constant 0 : i32
      %dma_wait3A_48 = arith.constant 0 : i32
      %dma_wait3A_49 = tpu.memref_slice %arg10[%dma_wait3A, %dma_wait3A_48] : memref<162x128xi32, #tpu.memory_space<vmem>> -> memref<1x128xi32, #tpu.memory_space<vmem>>
      %dma_wait3A_50 = tpu.memref_squeeze %dma_wait3A_49 : memref<1x128xi32, #tpu.memory_space<vmem>> -> memref<128xi32, #tpu.memory_space<vmem>>
      %dma_wait3A_51 = arith.constant 0 : i32
      %dma_wait3A_52 = arith.constant 0 : i32
      %dma_wait3A_53 = tpu.memref_slice %arg2[%dma_wait3A_51, %dma_wait3A_52] : memref<10000x64xf32, #tpu.memory_space<hbm>> -> memref<10000x64xf32, #tpu.memory_space<hbm>>
      tpu.wait_indirect_dma semaphore(%arg15 : memref<!tpu.dma_semaphore, #tpu.memory_space<semaphore_mem>>) src(%dma_wait3A_53 : memref<10000x64xf32, #tpu.memory_space<hbm>>) dst(%arg12 : memref<128x64xf32, #tpu.memory_space<vmem>>)
      "tpu.region"() ({
        %run_scoped3A = tpu.sem_alloc : memref<!tpu.dma_semaphore, #tpu.memory_space<semaphore_mem>>
        %dma_start3A = arith.constant 0 : i32
        %dma_start3A_69 = tpu.memref_slice %arg11[%mul3A_36, %dma_start3A] : memref<162x128xi32, #tpu.memory_space<vmem>> -> memref<1x128xi32, #tpu.memory_space<vmem>>
        %dma_start3A_70 = tpu.memref_squeeze %dma_start3A_69 : memref<1x128xi32, #tpu.memory_space<vmem>> -> memref<128xi32, #tpu.memory_space<vmem>>
        %dma_start3A_71 = arith.constant 0 : i32
        %dma_start3A_72 = arith.constant 0 : i32
        %dma_start3A_73 = tpu.memref_slice %arg14[%dma_start3A_71, %dma_start3A_72] : memref<10240x64xf32, #tpu.memory_space<vmem_shared>> -> memref<10240x64xf32, #tpu.memory_space<vmem_shared>>
        tpu.enqueue_indirect_dma source(%arg12 : memref<128x64xf32, #tpu.memory_space<vmem>>) target(%dma_start3A_73 : memref<10240x64xf32, #tpu.memory_space<vmem_shared>>) offsets(%dma_start3A_70 : memref<128xi32, #tpu.memory_space<vmem>>) semaphore(%run_scoped3A : memref<!tpu.dma_semaphore, #tpu.memory_space<semaphore_mem>>) {add = true}
        %dma_wait3A_74 = arith.constant 0 : i32
        %dma_wait3A_75 = tpu.memref_slice %arg11[%mul3A_36, %dma_wait3A_74] : memref<162x128xi32, #tpu.memory_space<vmem>> -> memref<1x128xi32, #tpu.memory_space<vmem>>
        %dma_wait3A_76 = tpu.memref_squeeze %dma_wait3A_75 : memref<1x128xi32, #tpu.memory_space<vmem>> -> memref<128xi32, #tpu.memory_space<vmem>>
        %dma_wait3A_77 = arith.constant 0 : i32
        %dma_wait3A_78 = arith.constant 0 : i32
        %dma_wait3A_79 = tpu.memref_slice %arg14[%dma_wait3A_77, %dma_wait3A_78] : memref<10240x64xf32, #tpu.memory_space<vmem_shared>> -> memref<10240x64xf32, #tpu.memory_space<vmem_shared>>
        tpu.wait_indirect_dma semaphore(%run_scoped3A : memref<!tpu.dma_semaphore, #tpu.memory_space<semaphore_mem>>) src(%arg12 : memref<128x64xf32, #tpu.memory_space<vmem>>) dst(%dma_wait3A_79 : memref<10240x64xf32, #tpu.memory_space<vmem_shared>>)
        tpu.yield
      }) : () -> ()
      %add3A_54 = arith.constant 2 : i32
      %add3A_55 = arith.addi %mul3A_36, %add3A_54 : i32
      %lt3A = arith.constant 162 : i32
      %lt3A_56 = arith.cmpi slt, %add3A_55, %lt3A : i32
      %convert_element_type3A_57 = arith.extui %lt3A_56 : i1 to i32
      %cond3A_58 = arith.constant 0 : i32
      %cond3A_59 = arith.cmpi ne, %convert_element_type3A_57, %cond3A_58 : i32
      scf.if %cond3A_59 {
        %add3A_69 = arith.constant 2 : i32
        %add3A_70 = arith.addi %mul3A_36, %add3A_69 : i32
        %eq3A_71 = arith.constant 0 : i32
        %eq3A_72 = arith.cmpi eq, %arg0, %eq3A_71 : i32
        %convert_element_type3A_73 = arith.extui %eq3A_72 : i1 to i32
        %cond3A_74 = arith.constant 0 : i32
        %cond3A_75 = arith.cmpi ne, %convert_element_type3A_73, %cond3A_74 : i32
        scf.if %cond3A_75 {
          %dma_start3A = arith.constant 0 : i32
          %dma_start3A_81 = tpu.memref_slice %arg10[%add3A_70, %dma_start3A] : memref<162x128xi32, #tpu.memory_space<vmem>> -> memref<1x128xi32, #tpu.memory_space<vmem>>
          %dma_start3A_82 = tpu.memref_squeeze %dma_start3A_81 : memref<1x128xi32, #tpu.memory_space<vmem>> -> memref<128xi32, #tpu.memory_space<vmem>>
          %dma_start3A_83 = arith.constant 0 : i32
          %dma_start3A_84 = arith.constant 0 : i32
          %dma_start3A_85 = tpu.memref_slice %arg2[%dma_start3A_83, %dma_start3A_84] : memref<10000x64xf32, #tpu.memory_space<hbm>> -> memref<10000x64xf32, #tpu.memory_space<hbm>>
          tpu.enqueue_indirect_dma source(%dma_start3A_85 : memref<10000x64xf32, #tpu.memory_space<hbm>>) target(%arg12 : memref<128x64xf32, #tpu.memory_space<vmem>>) offsets(%dma_start3A_82 : memref<128xi32, #tpu.memory_space<vmem>>) semaphore(%arg15 : memref<!tpu.dma_semaphore, #tpu.memory_space<semaphore_mem>>)
        } else {
        }
        %eq3A_76 = arith.constant 1 : i32
        %eq3A_77 = arith.cmpi eq, %arg0, %eq3A_76 : i32
        %convert_element_type3A_78 = arith.extui %eq3A_77 : i1 to i32
        %cond3A_79 = arith.constant 0 : i32
        %cond3A_80 = arith.cmpi ne, %convert_element_type3A_78, %cond3A_79 : i32
        scf.if %cond3A_80 {
          %dma_start3A = arith.constant 0 : i32
          %dma_start3A_81 = tpu.memref_slice %arg10[%add3A_70, %dma_start3A] : memref<162x128xi32, #tpu.memory_space<vmem>> -> memref<1x128xi32, #tpu.memory_space<vmem>>
          %dma_start3A_82 = tpu.memref_squeeze %dma_start3A_81 : memref<1x128xi32, #tpu.memory_space<vmem>> -> memref<128xi32, #tpu.memory_space<vmem>>
          %dma_start3A_83 = arith.constant 0 : i32
          %dma_start3A_84 = arith.constant 0 : i32
          %dma_start3A_85 = tpu.memref_slice %arg3[%dma_start3A_83, %dma_start3A_84] : memref<10000x64xf32, #tpu.memory_space<hbm>> -> memref<10000x64xf32, #tpu.memory_space<hbm>>
          tpu.enqueue_indirect_dma source(%dma_start3A_85 : memref<10000x64xf32, #tpu.memory_space<hbm>>) target(%arg12 : memref<128x64xf32, #tpu.memory_space<vmem>>) offsets(%dma_start3A_82 : memref<128xi32, #tpu.memory_space<vmem>>) semaphore(%arg15 : memref<!tpu.dma_semaphore, #tpu.memory_space<semaphore_mem>>)
        } else {
        }
      } else {
      }
      %dma_wait3A_60 = arith.constant 0 : i32
      %dma_wait3A_61 = arith.constant 0 : i32
      %dma_wait3A_62 = tpu.memref_slice %arg10[%dma_wait3A_60, %dma_wait3A_61] : memref<162x128xi32, #tpu.memory_space<vmem>> -> memref<1x128xi32, #tpu.memory_space<vmem>>
      %dma_wait3A_63 = tpu.memref_squeeze %dma_wait3A_62 : memref<1x128xi32, #tpu.memory_space<vmem>> -> memref<128xi32, #tpu.memory_space<vmem>>
      %dma_wait3A_64 = arith.constant 0 : i32
      %dma_wait3A_65 = arith.constant 0 : i32
      %dma_wait3A_66 = tpu.memref_slice %arg2[%dma_wait3A_64, %dma_wait3A_65] : memref<10000x64xf32, #tpu.memory_space<hbm>> -> memref<10000x64xf32, #tpu.memory_space<hbm>>
      tpu.wait_indirect_dma semaphore(%arg16 : memref<!tpu.dma_semaphore, #tpu.memory_space<semaphore_mem>>) src(%dma_wait3A_66 : memref<10000x64xf32, #tpu.memory_space<hbm>>) dst(%arg13 : memref<128x64xf32, #tpu.memory_space<vmem>>)
      %add3A_67 = arith.constant 1 : i32
      %add3A_68 = arith.addi %mul3A_36, %add3A_67 : i32
      "tpu.region"() ({
        %run_scoped3A = tpu.sem_alloc : memref<!tpu.dma_semaphore, #tpu.memory_space<semaphore_mem>>
        %dma_start3A = arith.constant 0 : i32
        %dma_start3A_69 = tpu.memref_slice %arg11[%add3A_68, %dma_start3A] : memref<162x128xi32, #tpu.memory_space<vmem>> -> memref<1x128xi32, #tpu.memory_space<vmem>>
        %dma_start3A_70 = tpu.memref_squeeze %dma_start3A_69 : memref<1x128xi32, #tpu.memory_space<vmem>> -> memref<128xi32, #tpu.memory_space<vmem>>
        %dma_start3A_71 = arith.constant 0 : i32
        %dma_start3A_72 = arith.constant 0 : i32
        %dma_start3A_73 = tpu.memref_slice %arg14[%dma_start3A_71, %dma_start3A_72] : memref<10240x64xf32, #tpu.memory_space<vmem_shared>> -> memref<10240x64xf32, #tpu.memory_space<vmem_shared>>
        tpu.enqueue_indirect_dma source(%arg13 : memref<128x64xf32, #tpu.memory_space<vmem>>) target(%dma_start3A_73 : memref<10240x64xf32, #tpu.memory_space<vmem_shared>>) offsets(%dma_start3A_70 : memref<128xi32, #tpu.memory_space<vmem>>) semaphore(%run_scoped3A : memref<!tpu.dma_semaphore, #tpu.memory_space<semaphore_mem>>) {add = true}
        %dma_wait3A_74 = arith.constant 0 : i32
        %dma_wait3A_75 = tpu.memref_slice %arg11[%add3A_68, %dma_wait3A_74] : memref<162x128xi32, #tpu.memory_space<vmem>> -> memref<1x128xi32, #tpu.memory_space<vmem>>
        %dma_wait3A_76 = tpu.memref_squeeze %dma_wait3A_75 : memref<1x128xi32, #tpu.memory_space<vmem>> -> memref<128xi32, #tpu.memory_space<vmem>>
        %dma_wait3A_77 = arith.constant 0 : i32
        %dma_wait3A_78 = arith.constant 0 : i32
        %dma_wait3A_79 = tpu.memref_slice %arg14[%dma_wait3A_77, %dma_wait3A_78] : memref<10240x64xf32, #tpu.memory_space<vmem_shared>> -> memref<10240x64xf32, #tpu.memory_space<vmem_shared>>
        tpu.wait_indirect_dma semaphore(%run_scoped3A : memref<!tpu.dma_semaphore, #tpu.memory_space<semaphore_mem>>) src(%arg13 : memref<128x64xf32, #tpu.memory_space<vmem>>) dst(%dma_wait3A_79 : memref<10240x64xf32, #tpu.memory_space<vmem_shared>>)
        tpu.yield
      }) : () -> ()
    }
    %scan3A_22 = arith.constant 81 : i32
    %barrier3A_23 = arith.constant 0 : index
    tpu.barrier barrier_id(%barrier3A_23)
    %eq3A_24 = arith.constant 0 : i32
    %eq3A_25 = arith.cmpi eq, %arg0, %eq3A_24 : i32
    %convert_element_type3A_26 = arith.extui %eq3A_25 : i1 to i32
    %cond3A_27 = arith.constant 0 : i32
    %cond3A_28 = arith.cmpi ne, %convert_element_type3A_26, %cond3A_27 : i32
    scf.if %cond3A_28 {
      %lt3A = arith.constant 15 : i32
      %lt3A_34 = arith.cmpi slt, %arg1, %lt3A : i32
      %convert_element_type3A_35 = arith.extui %lt3A_34 : i1 to i32
      %cond3A_36 = arith.constant 0 : i32
      %cond3A_37 = arith.cmpi ne, %convert_element_type3A_35, %cond3A_36 : i32
      scf.if %cond3A_37 {
        %mul3A_43 = arith.constant 640 : i32
        %mul3A_44 = arith.muli %arg1, %mul3A_43 : i32
        %mul3A_45 = arith.constant 640 : i32
        %mul3A_46 = arith.muli %arg1, %mul3A_45 : i32
        "tpu.region"() ({
          %run_scoped3A = tpu.sem_alloc : memref<!tpu.dma_semaphore, #tpu.memory_space<semaphore_mem>>
          %dma_start3A = arith.constant 0 : i32
          %dma_start3A_47 = tpu.memref_slice %arg8[%mul3A_46, %dma_start3A] : memref<10000x64xf32, #tpu.memory_space<hbm>> -> memref<640x64xf32, #tpu.memory_space<hbm>>
          %dma_start3A_48 = arith.constant 0 : i32
          %dma_start3A_49 = tpu.memref_slice %arg14[%mul3A_44, %dma_start3A_48] : memref<10240x64xf32, #tpu.memory_space<vmem_shared>> -> memref<640x64xf32, #tpu.memory_space<vmem_shared>>
          tpu.enqueue_dma source(%dma_start3A_49 : memref<640x64xf32, #tpu.memory_space<vmem_shared>>) target(%dma_start3A_47 : memref<640x64xf32, #tpu.memory_space<hbm>>) target_semaphore(%run_scoped3A : memref<!tpu.dma_semaphore, #tpu.memory_space<semaphore_mem>>)
          %dma_wait3A = arith.constant 0 : i32
          %dma_wait3A_50 = tpu.memref_slice %arg8[%mul3A_46, %dma_wait3A] : memref<10000x64xf32, #tpu.memory_space<hbm>> -> memref<640x64xf32, #tpu.memory_space<hbm>>
          %dma_wait3A_51 = arith.constant 0 : i32
          %dma_wait3A_52 = tpu.memref_slice %arg14[%mul3A_44, %dma_wait3A_51] : memref<10240x64xf32, #tpu.memory_space<vmem_shared>> -> memref<640x64xf32, #tpu.memory_space<vmem_shared>>
          tpu.wait_dma2 semaphore(%run_scoped3A : memref<!tpu.dma_semaphore, #tpu.memory_space<semaphore_mem>>) src(%dma_wait3A_52 : memref<640x64xf32, #tpu.memory_space<vmem_shared>>) dst(%dma_wait3A_50 : memref<640x64xf32, #tpu.memory_space<hbm>>)
          tpu.yield
        }) : () -> ()
      } else {
      }
      %eq3A_38 = arith.constant 15 : i32
      %eq3A_39 = arith.cmpi eq, %arg1, %eq3A_38 : i32
      %convert_element_type3A_40 = arith.extui %eq3A_39 : i1 to i32
      %cond3A_41 = arith.constant 0 : i32
      %cond3A_42 = arith.cmpi ne, %convert_element_type3A_40, %cond3A_41 : i32
      scf.if %cond3A_42 {
        "tpu.region"() ({
          %run_scoped3A = tpu.sem_alloc : memref<!tpu.dma_semaphore, #tpu.memory_space<semaphore_mem>>
          %dma_start3A = arith.constant 9600 : i32
          %dma_start3A_43 = arith.constant 0 : i32
          %dma_start3A_44 = tpu.memref_slice %arg8[%dma_start3A, %dma_start3A_43] : memref<10000x64xf32, #tpu.memory_space<hbm>> -> memref<400x64xf32, #tpu.memory_space<hbm>>
          %dma_start3A_45 = arith.constant 9600 : i32
          %dma_start3A_46 = arith.constant 0 : i32
          %dma_start3A_47 = tpu.memref_slice %arg14[%dma_start3A_45, %dma_start3A_46] : memref<10240x64xf32, #tpu.memory_space<vmem_shared>> -> memref<400x64xf32, #tpu.memory_space<vmem_shared>>
          tpu.enqueue_dma source(%dma_start3A_47 : memref<400x64xf32, #tpu.memory_space<vmem_shared>>) target(%dma_start3A_44 : memref<400x64xf32, #tpu.memory_space<hbm>>) target_semaphore(%run_scoped3A : memref<!tpu.dma_semaphore, #tpu.memory_space<semaphore_mem>>)
          %dma_wait3A = arith.constant 9600 : i32
          %dma_wait3A_48 = arith.constant 0 : i32
          %dma_wait3A_49 = tpu.memref_slice %arg8[%dma_wait3A, %dma_wait3A_48] : memref<10000x64xf32, #tpu.memory_space<hbm>> -> memref<400x64xf32, #tpu.memory_space<hbm>>
          %dma_wait3A_50 = arith.constant 9600 : i32
          %dma_wait3A_51 = arith.constant 0 : i32
          %dma_wait3A_52 = tpu.memref_slice %arg14[%dma_wait3A_50, %dma_wait3A_51] : memref<10240x64xf32, #tpu.memory_space<vmem_shared>> -> memref<400x64xf32, #tpu.memory_space<vmem_shared>>
          tpu.wait_dma2 semaphore(%run_scoped3A : memref<!tpu.dma_semaphore, #tpu.memory_space<semaphore_mem>>) src(%dma_wait3A_52 : memref<400x64xf32, #tpu.memory_space<vmem_shared>>) dst(%dma_wait3A_49 : memref<400x64xf32, #tpu.memory_space<hbm>>)
          tpu.yield
        }) : () -> ()
      } else {
      }
    } else {
    }
    %eq3A_29 = arith.constant 1 : i32
    %eq3A_30 = arith.cmpi eq, %arg0, %eq3A_29 : i32
    %convert_element_type3A_31 = arith.extui %eq3A_30 : i1 to i32
    %cond3A_32 = arith.constant 0 : i32
    %cond3A_33 = arith.cmpi ne, %convert_element_type3A_31, %cond3A_32 : i32
    scf.if %cond3A_33 {
      %lt3A = arith.constant 15 : i32
      %lt3A_34 = arith.cmpi slt, %arg1, %lt3A : i32
      %convert_element_type3A_35 = arith.extui %lt3A_34 : i1 to i32
      %cond3A_36 = arith.constant 0 : i32
      %cond3A_37 = arith.cmpi ne, %convert_element_type3A_35, %cond3A_36 : i32
      scf.if %cond3A_37 {
        %mul3A_43 = arith.constant 640 : i32
        %mul3A_44 = arith.muli %arg1, %mul3A_43 : i32
        %mul3A_45 = arith.constant 640 : i32
        %mul3A_46 = arith.muli %arg1, %mul3A_45 : i32
        "tpu.region"() ({
          %run_scoped3A = tpu.sem_alloc : memref<!tpu.dma_semaphore, #tpu.memory_space<semaphore_mem>>
          %dma_start3A = arith.constant 0 : i32
          %dma_start3A_47 = tpu.memref_slice %arg9[%mul3A_46, %dma_start3A] : memref<10000x64xf32, #tpu.memory_space<hbm>> -> memref<640x64xf32, #tpu.memory_space<hbm>>
          %dma_start3A_48 = arith.constant 0 : i32
          %dma_start3A_49 = tpu.memref_slice %arg14[%mul3A_44, %dma_start3A_48] : memref<10240x64xf32, #tpu.memory_space<vmem_shared>> -> memref<640x64xf32, #tpu.memory_space<vmem_shared>>
          tpu.enqueue_dma source(%dma_start3A_49 : memref<640x64xf32, #tpu.memory_space<vmem_shared>>) target(%dma_start3A_47 : memref<640x64xf32, #tpu.memory_space<hbm>>) target_semaphore(%run_scoped3A : memref<!tpu.dma_semaphore, #tpu.memory_space<semaphore_mem>>)
          %dma_wait3A = arith.constant 0 : i32
          %dma_wait3A_50 = tpu.memref_slice %arg9[%mul3A_46, %dma_wait3A] : memref<10000x64xf32, #tpu.memory_space<hbm>> -> memref<640x64xf32, #tpu.memory_space<hbm>>
          %dma_wait3A_51 = arith.constant 0 : i32
          %dma_wait3A_52 = tpu.memref_slice %arg14[%mul3A_44, %dma_wait3A_51] : memref<10240x64xf32, #tpu.memory_space<vmem_shared>> -> memref<640x64xf32, #tpu.memory_space<vmem_shared>>
          tpu.wait_dma2 semaphore(%run_scoped3A : memref<!tpu.dma_semaphore, #tpu.memory_space<semaphore_mem>>) src(%dma_wait3A_52 : memref<640x64xf32, #tpu.memory_space<vmem_shared>>) dst(%dma_wait3A_50 : memref<640x64xf32, #tpu.memory_space<hbm>>)
          tpu.yield
        }) : () -> ()
      } else {
      }
      %eq3A_38 = arith.constant 15 : i32
      %eq3A_39 = arith.cmpi eq, %arg1, %eq3A_38 : i32
      %convert_element_type3A_40 = arith.extui %eq3A_39 : i1 to i32
      %cond3A_41 = arith.constant 0 : i32
      %cond3A_42 = arith.cmpi ne, %convert_element_type3A_40, %cond3A_41 : i32
      scf.if %cond3A_42 {
        "tpu.region"() ({
          %run_scoped3A = tpu.sem_alloc : memref<!tpu.dma_semaphore, #tpu.memory_space<semaphore_mem>>
          %dma_start3A = arith.constant 9600 : i32
          %dma_start3A_43 = arith.constant 0 : i32
          %dma_start3A_44 = tpu.memref_slice %arg9[%dma_start3A, %dma_start3A_43] : memref<10000x64xf32, #tpu.memory_space<hbm>> -> memref<400x64xf32, #tpu.memory_space<hbm>>
          %dma_start3A_45 = arith.constant 9600 : i32
          %dma_start3A_46 = arith.constant 0 : i32
          %dma_start3A_47 = tpu.memref_slice %arg14[%dma_start3A_45, %dma_start3A_46] : memref<10240x64xf32, #tpu.memory_space<vmem_shared>> -> memref<400x64xf32, #tpu.memory_space<vmem_shared>>
          tpu.enqueue_dma source(%dma_start3A_47 : memref<400x64xf32, #tpu.memory_space<vmem_shared>>) target(%dma_start3A_44 : memref<400x64xf32, #tpu.memory_space<hbm>>) target_semaphore(%run_scoped3A : memref<!tpu.dma_semaphore, #tpu.memory_space<semaphore_mem>>)
          %dma_wait3A = arith.constant 9600 : i32
          %dma_wait3A_48 = arith.constant 0 : i32
          %dma_wait3A_49 = tpu.memref_slice %arg9[%dma_wait3A, %dma_wait3A_48] : memref<10000x64xf32, #tpu.memory_space<hbm>> -> memref<400x64xf32, #tpu.memory_space<hbm>>
          %dma_wait3A_50 = arith.constant 9600 : i32
          %dma_wait3A_51 = arith.constant 0 : i32
          %dma_wait3A_52 = tpu.memref_slice %arg14[%dma_wait3A_50, %dma_wait3A_51] : memref<10240x64xf32, #tpu.memory_space<vmem_shared>> -> memref<400x64xf32, #tpu.memory_space<vmem_shared>>
          tpu.wait_dma2 semaphore(%run_scoped3A : memref<!tpu.dma_semaphore, #tpu.memory_space<semaphore_mem>>) src(%dma_wait3A_52 : memref<400x64xf32, #tpu.memory_space<vmem_shared>>) dst(%dma_wait3A_49 : memref<400x64xf32, #tpu.memory_space<hbm>>)
          tpu.yield
        }) : () -> ()
      } else {
      }
    } else {
    }
    return
  }
}

module attributes {stable_mosaic.version = 14 : i64} {
  func.func @body(%arg0: i32, %arg1: memref<1000x128xf32, #tpu.memory_space<vmem>>, %arg2: memref<128x128xf32, #tpu.memory_space<vmem>>, %arg3: memref<1000x128xf32, #tpu.memory_space<vmem>>) attributes {dimension_semantics = [#tpu.dimension_semantics<arbitrary>], iteration_bounds = array<i64: 10>, scalar_prefetch = 0 : i64, scratch_operands = 0 : i64, tpu.core_type = #tpu.core_type<tc>, window_params = [{transform_indices = @transform_0, window_bounds = array<i64: 1000, 128>}, {pipeline_mode = #tpu.pipeline_mode<synchronous>, transform_indices = @transform_1, window_bounds = array<i64: 128, 128>}, {transform_indices = @transform_2, window_bounds = array<i64: 1000, 128>}]} {
    %get3A = arith.constant 0 : index
    %get3A_0 = arith.constant 0 : index
    %get3A_1 = vector.load %arg1[%get3A, %get3A_0] : memref<1000x128xf32, #tpu.memory_space<vmem>>, vector<1000x128xf32>
    %get3A_2 = arith.constant 0 : index
    %get3A_3 = arith.constant 0 : index
    %get3A_4 = vector.load %arg2[%get3A_2, %get3A_3] : memref<128x128xf32, #tpu.memory_space<vmem>>, vector<128x128xf32>
    %dot_general3A = arith.constant dense<0.000000e+00> : vector<1000x128xf32>
    %dot_general3A_5 = tpu.matmul %get3A_1, %get3A_4, %dot_general3A {dimension_numbers = #tpu.dot_dimension_numbers<[1], [0], [0], [1], [0, 0, 1, 1], [], []>, transpose_lhs_hint = false} : vector<1000x128xf32>, vector<128x128xf32>, vector<1000x128xf32> -> vector<1000x128xf32>
    %swap3A = arith.constant 0 : index
    %swap3A_6 = arith.constant 0 : index
    %swap3A_7 = vector.load %arg3[%swap3A, %swap3A_6] : memref<1000x128xf32, #tpu.memory_space<vmem>>, vector<1000x128xf32>
    tpu.vector_store %arg3[%swap3A, %swap3A_6], %dot_general3A_5 {strides = array<i32>} : memref<1000x128xf32, #tpu.memory_space<vmem>>, vector<1000x128xf32>,
    return
  }
  func.func @transform_0(%arg0: i32) -> (i32, i32) {
    %c0_i32 = arith.constant 0 : i32
    %c0_i32_0 = arith.constant 0 : i32
    return %arg0, %c0_i32 : i32, i32
  }
  func.func @transform_1(%arg0: i32) -> (i32, i32) {
    %c0_i32 = arith.constant 0 : i32
    %c0_i32_0 = arith.constant 0 : i32
    %c0_i32_1 = arith.constant 0 : i32
    return %c0_i32, %c0_i32_0 : i32, i32
  }
  func.func @transform_2(%arg0: i32) -> (i32, i32) {
    %c0_i32 = arith.constant 0 : i32
    %c0_i32_0 = arith.constant 0 : i32
    return %arg0, %c0_i32 : i32, i32
  }
}

module attributes {stable_mosaic.version = 14 : i64} {
  func.func @body(%arg0: i32, %arg1: memref<1000x128xf32, #tpu.memory_space<vmem>>, %arg2: memref<1000x8xf32, #tpu.memory_space<vmem>>, %arg3: memref<1000x8xf32, #tpu.memory_space<vmem>>, %arg4: memref<1000x64xf32, #tpu.memory_space<vmem>>, %arg5: memref<1000x64xf32, #tpu.memory_space<vmem>>, %arg6: memref<1000x64xf32, #tpu.memory_space<vmem>>, %arg7: memref<1000x64xf32, #tpu.memory_space<vmem>>) attributes {dimension_semantics = [#tpu.dimension_semantics<arbitrary>], iteration_bounds = array<i64: 10>, scalar_prefetch = 0 : i64, scratch_operands = 0 : i64, tpu.core_type = #tpu.core_type<tc>, window_params = [{transform_indices = @transform_0, window_bounds = array<i64: 1000, 128>}, {transform_indices = @transform_1, window_bounds = array<i64: 1000, 8>}, {transform_indices = @transform_2, window_bounds = array<i64: 1000, 8>}, {transform_indices = @transform_3, window_bounds = array<i64: 1000, 64>}, {transform_indices = @transform_4, window_bounds = array<i64: 1000, 64>}, {transform_indices = @transform_5, window_bounds = array<i64: 1000, 64>}, {transform_indices = @transform_6, window_bounds = array<i64: 1000, 64>}]} {
    %get3A = arith.constant 0 : index
    %get3A_0 = arith.constant 0 : index
    %get3A_1 = vector.load %arg1[%get3A, %get3A_0] : memref<1000x128xf32, #tpu.memory_space<vmem>>, vector<1000x128xf32>
    %get3A_2 = arith.constant 0 : index
    %get3A_3 = arith.constant 0 : index
    %get3A_4 = vector.load %arg2[%get3A_2, %get3A_3] : memref<1000x8xf32, #tpu.memory_space<vmem>>, vector<1000x1xf32>
    %rsqrt3A = math.rsqrt %get3A_4 : vector<1000x1xf32>
    %get3A_5 = arith.constant 0 : index
    %get3A_6 = arith.constant 0 : index
    %get3A_7 = vector.load %arg3[%get3A_5, %get3A_6] : memref<1000x8xf32, #tpu.memory_space<vmem>>, vector<1000x1xf32>
    %rsqrt3A_8 = math.rsqrt %get3A_7 : vector<1000x1xf32>
    %slice3A = vector.extract_strided_slice %get3A_1 {offsets = [0, 0], sizes = [1000, 64], strides = [1, 1]} : vector<1000x128xf32> to vector<1000x64xf32>
    %mul3A = vector.broadcast %rsqrt3A : vector<1000x1xf32> to vector<1000x64xf32>
    %mul3A_9 = arith.mulf %slice3A, %mul3A : vector<1000x64xf32>
    %swap3A = arith.constant 0 : index
    %swap3A_10 = arith.constant 0 : index
    %swap3A_11 = vector.load %arg4[%swap3A, %swap3A_10] : memref<1000x64xf32, #tpu.memory_space<vmem>>, vector<1000x64xf32>
    tpu.vector_store %arg4[%swap3A, %swap3A_10], %mul3A_9 {strides = array<i32>} : memref<1000x64xf32, #tpu.memory_space<vmem>>, vector<1000x64xf32>,
    %slice3A_12 = vector.extract_strided_slice %get3A_1 {offsets = [0, 64], sizes = [1000, 64], strides = [1, 1]} : vector<1000x128xf32> to vector<1000x64xf32>
    %mul3A_13 = vector.broadcast %rsqrt3A : vector<1000x1xf32> to vector<1000x64xf32>
    %mul3A_14 = arith.mulf %slice3A_12, %mul3A_13 : vector<1000x64xf32>
    %swap3A_15 = arith.constant 0 : index
    %swap3A_16 = arith.constant 0 : index
    %swap3A_17 = vector.load %arg5[%swap3A_15, %swap3A_16] : memref<1000x64xf32, #tpu.memory_space<vmem>>, vector<1000x64xf32>
    tpu.vector_store %arg5[%swap3A_15, %swap3A_16], %mul3A_14 {strides = array<i32>} : memref<1000x64xf32, #tpu.memory_space<vmem>>, vector<1000x64xf32>,
    %slice3A_18 = vector.extract_strided_slice %get3A_1 {offsets = [0, 0], sizes = [1000, 64], strides = [1, 1]} : vector<1000x128xf32> to vector<1000x64xf32>
    %mul3A_19 = vector.broadcast %rsqrt3A_8 : vector<1000x1xf32> to vector<1000x64xf32>
    %mul3A_20 = arith.mulf %slice3A_18, %mul3A_19 : vector<1000x64xf32>
    %swap3A_21 = arith.constant 0 : index
    %swap3A_22 = arith.constant 0 : index
    %swap3A_23 = vector.load %arg6[%swap3A_21, %swap3A_22] : memref<1000x64xf32, #tpu.memory_space<vmem>>, vector<1000x64xf32>
    tpu.vector_store %arg6[%swap3A_21, %swap3A_22], %mul3A_20 {strides = array<i32>} : memref<1000x64xf32, #tpu.memory_space<vmem>>, vector<1000x64xf32>,
    %slice3A_24 = vector.extract_strided_slice %get3A_1 {offsets = [0, 64], sizes = [1000, 64], strides = [1, 1]} : vector<1000x128xf32> to vector<1000x64xf32>
    %mul3A_25 = vector.broadcast %rsqrt3A_8 : vector<1000x1xf32> to vector<1000x64xf32>
    %mul3A_26 = arith.mulf %slice3A_24, %mul3A_25 : vector<1000x64xf32>
    %swap3A_27 = arith.constant 0 : index
    %swap3A_28 = arith.constant 0 : index
    %swap3A_29 = vector.load %arg7[%swap3A_27, %swap3A_28] : memref<1000x64xf32, #tpu.memory_space<vmem>>, vector<1000x64xf32>
    tpu.vector_store %arg7[%swap3A_27, %swap3A_28], %mul3A_26 {strides = array<i32>} : memref<1000x64xf32, #tpu.memory_space<vmem>>, vector<1000x64xf32>,
    return
  }
  func.func @transform_0(%arg0: i32) -> (i32, i32) {
    %c0_i32 = arith.constant 0 : i32
    %c0_i32_0 = arith.constant 0 : i32
    return %arg0, %c0_i32 : i32, i32
  }
  func.func @transform_1(%arg0: i32) -> (i32, i32) {
    %c0_i32 = arith.constant 0 : i32
    %c0_i32_0 = arith.constant 0 : i32
    return %arg0, %c0_i32 : i32, i32
  }
  func.func @transform_2(%arg0: i32) -> (i32, i32) {
    %c0_i32 = arith.constant 0 : i32
    %c0_i32_0 = arith.constant 0 : i32
    return %arg0, %c0_i32 : i32, i32
  }
  func.func @transform_3(%arg0: i32) -> (i32, i32) {
    %c0_i32 = arith.constant 0 : i32
    %c0_i32_0 = arith.constant 0 : i32
    return %arg0, %c0_i32 : i32, i32
  }
  func.func @transform_4(%arg0: i32) -> (i32, i32) {
    %c0_i32 = arith.constant 0 : i32
    %c0_i32_0 = arith.constant 0 : i32
    return %arg0, %c0_i32 : i32, i32
  }
  func.func @transform_5(%arg0: i32) -> (i32, i32) {
    %c0_i32 = arith.constant 0 : i32
    %c0_i32_0 = arith.constant 0 : i32
    return %arg0, %c0_i32 : i32, i32
  }
  func.func @transform_6(%arg0: i32) -> (i32, i32) {
    %c0_i32 = arith.constant 0 : i32
    %c0_i32_0 = arith.constant 0 : i32
    return %arg0, %c0_i32 : i32, i32
  }
}

module attributes {stable_mosaic.version = 14 : i64} {
  func.func @body(%arg0: i32, %arg1: memref<1000x64xf32, #tpu.memory_space<vmem>>, %arg2: memref<1000x64xf32, #tpu.memory_space<vmem>>, %arg3: memref<1000x64xf32, #tpu.memory_space<vmem>>, %arg4: memref<1000x64xf32, #tpu.memory_space<vmem>>, %arg5: memref<1000x8xf32, #tpu.memory_space<vmem>>, %arg6: memref<128x64xf32, #tpu.memory_space<vmem>>, %arg7: memref<1x128xf32, #tpu.memory_space<vmem>>, %arg8: memref<1000x64xf32, #tpu.memory_space<vmem>>, %arg9: memref<1000x64xf32, #tpu.memory_space<vmem>>) attributes {dimension_semantics = [#tpu.dimension_semantics<arbitrary>], iteration_bounds = array<i64: 10>, scalar_prefetch = 0 : i64, scratch_operands = 0 : i64, tpu.core_type = #tpu.core_type<tc>, window_params = [{transform_indices = @transform_0, window_bounds = array<i64: 1000, 64>}, {transform_indices = @transform_1, window_bounds = array<i64: 1000, 64>}, {transform_indices = @transform_2, window_bounds = array<i64: 1000, 64>}, {transform_indices = @transform_3, window_bounds = array<i64: 1000, 64>}, {transform_indices = @transform_4, window_bounds = array<i64: 1000, 8>}, {pipeline_mode = #tpu.pipeline_mode<synchronous>, transform_indices = @transform_5, window_bounds = array<i64: 128, 64>}, {pipeline_mode = #tpu.pipeline_mode<synchronous>, transform_indices = @transform_6, window_bounds = array<i64: 1, 128>}, {transform_indices = @transform_7, window_bounds = array<i64: 1000, 64>}, {transform_indices = @transform_8, window_bounds = array<i64: 1000, 64>}]} {
    %get3A = arith.constant 0 : index
    %get3A_0 = arith.constant 0 : index
    %get3A_1 = vector.load %arg5[%get3A, %get3A_0] : memref<1000x8xf32, #tpu.memory_space<vmem>>, vector<1000x1xf32>
    %rsqrt3A = math.rsqrt %get3A_1 : vector<1000x1xf32>
    %get3A_2 = arith.constant 0 : index
    %get3A_3 = arith.constant 0 : index
    %get3A_4 = vector.load %arg1[%get3A_2, %get3A_3] : memref<1000x64xf32, #tpu.memory_space<vmem>>, vector<1000x64xf32>
    %get3A_5 = arith.constant 0 : index
    %get3A_6 = arith.constant 0 : index
    %get3A_7 = vector.load %arg2[%get3A_5, %get3A_6] : memref<1000x64xf32, #tpu.memory_space<vmem>>, vector<1000x64xf32>
    %concatenate3A = tpu.concatenate %get3A_4, %get3A_7 in 1 : vector<1000x64xf32>, vector<1000x64xf32> -> vector<1000x128xf32>
    %get3A_8 = arith.constant 0 : index
    %get3A_9 = arith.constant 0 : index
    %get3A_10 = vector.load %arg3[%get3A_8, %get3A_9] : memref<1000x64xf32, #tpu.memory_space<vmem>>, vector<1000x64xf32>
    %get3A_11 = arith.constant 0 : index
    %get3A_12 = arith.constant 0 : index
    %get3A_13 = vector.load %arg4[%get3A_11, %get3A_12] : memref<1000x64xf32, #tpu.memory_space<vmem>>, vector<1000x64xf32>
    %concatenate3A_14 = tpu.concatenate %get3A_10, %get3A_13 in 1 : vector<1000x64xf32>, vector<1000x64xf32> -> vector<1000x128xf32>
    %mul3A = vector.broadcast %rsqrt3A : vector<1000x1xf32> to vector<1000x128xf32>
    %mul3A_15 = arith.mulf %mul3A, %concatenate3A : vector<1000x128xf32>
    %get3A_16 = arith.constant 0 : index
    %get3A_17 = arith.constant 0 : index
    %get3A_18 = vector.load %arg7[%get3A_16, %get3A_17] : memref<1x128xf32, #tpu.memory_space<vmem>>, vector<1x128xf32>
    %add3A = vector.broadcast %get3A_18 : vector<1x128xf32> to vector<1000x128xf32>
    %add3A_19 = arith.addf %mul3A_15, %add3A : vector<1000x128xf32>
    %max3A = arith.constant 0.000000e+00 : f32
    %max3A_20 = vector.broadcast %max3A : f32 to vector<1000x128xf32>
    %max3A_21 = arith.maximumf %add3A_19, %max3A_20 : vector<1000x128xf32>
    %mul3A_22 = vector.broadcast %rsqrt3A : vector<1000x1xf32> to vector<1000x128xf32>
    %mul3A_23 = arith.mulf %mul3A_22, %concatenate3A_14 : vector<1000x128xf32>
    %get3A_24 = arith.constant 0 : index
    %get3A_25 = arith.constant 0 : index
    %get3A_26 = vector.load %arg7[%get3A_24, %get3A_25] : memref<1x128xf32, #tpu.memory_space<vmem>>, vector<1x128xf32>
    %add3A_27 = vector.broadcast %get3A_26 : vector<1x128xf32> to vector<1000x128xf32>
    %add3A_28 = arith.addf %mul3A_23, %add3A_27 : vector<1000x128xf32>
    %max3A_29 = arith.constant 0.000000e+00 : f32
    %max3A_30 = vector.broadcast %max3A_29 : f32 to vector<1000x128xf32>
    %max3A_31 = arith.maximumf %add3A_28, %max3A_30 : vector<1000x128xf32>
    %get3A_32 = arith.constant 0 : index
    %get3A_33 = arith.constant 0 : index
    %get3A_34 = vector.load %arg6[%get3A_32, %get3A_33] : memref<128x64xf32, #tpu.memory_space<vmem>>, vector<128x64xf32>
    %dot_general3A = arith.constant dense<0.000000e+00> : vector<1000x64xf32>
    %dot_general3A_35 = tpu.matmul %max3A_21, %get3A_34, %dot_general3A {dimension_numbers = #tpu.dot_dimension_numbers<[1], [0], [0], [1], [0, 0, 1, 1], [], []>, transpose_lhs_hint = false} : vector<1000x128xf32>, vector<128x64xf32>, vector<1000x64xf32> -> vector<1000x64xf32>
    %mul3A_36 = vector.broadcast %rsqrt3A : vector<1000x1xf32> to vector<1000x64xf32>
    %mul3A_37 = arith.mulf %dot_general3A_35, %mul3A_36 : vector<1000x64xf32>
    %swap3A = arith.constant 0 : index
    %swap3A_38 = arith.constant 0 : index
    %swap3A_39 = vector.load %arg8[%swap3A, %swap3A_38] : memref<1000x64xf32, #tpu.memory_space<vmem>>, vector<1000x64xf32>
    tpu.vector_store %arg8[%swap3A, %swap3A_38], %mul3A_37 {strides = array<i32>} : memref<1000x64xf32, #tpu.memory_space<vmem>>, vector<1000x64xf32>,
    %get3A_40 = arith.constant 0 : index
    %get3A_41 = arith.constant 0 : index
    %get3A_42 = vector.load %arg6[%get3A_40, %get3A_41] : memref<128x64xf32, #tpu.memory_space<vmem>>, vector<128x64xf32>
    %dot_general3A_43 = arith.constant dense<0.000000e+00> : vector<1000x64xf32>
    %dot_general3A_44 = tpu.matmul %max3A_31, %get3A_42, %dot_general3A_43 {dimension_numbers = #tpu.dot_dimension_numbers<[1], [0], [0], [1], [0, 0, 1, 1], [], []>, transpose_lhs_hint = false} : vector<1000x128xf32>, vector<128x64xf32>, vector<1000x64xf32> -> vector<1000x64xf32>
    %mul3A_45 = vector.broadcast %rsqrt3A : vector<1000x1xf32> to vector<1000x64xf32>
    %mul3A_46 = arith.mulf %dot_general3A_44, %mul3A_45 : vector<1000x64xf32>
    %swap3A_47 = arith.constant 0 : index
    %swap3A_48 = arith.constant 0 : index
    %swap3A_49 = vector.load %arg9[%swap3A_47, %swap3A_48] : memref<1000x64xf32, #tpu.memory_space<vmem>>, vector<1000x64xf32>
    tpu.vector_store %arg9[%swap3A_47, %swap3A_48], %mul3A_46 {strides = array<i32>} : memref<1000x64xf32, #tpu.memory_space<vmem>>, vector<1000x64xf32>,
    return
  }
  func.func @transform_0(%arg0: i32) -> (i32, i32) {
    %c0_i32 = arith.constant 0 : i32
    %c0_i32_0 = arith.constant 0 : i32
    return %arg0, %c0_i32 : i32, i32
  }
  func.func @transform_1(%arg0: i32) -> (i32, i32) {
    %c0_i32 = arith.constant 0 : i32
    %c0_i32_0 = arith.constant 0 : i32
    return %arg0, %c0_i32 : i32, i32
  }
  func.func @transform_2(%arg0: i32) -> (i32, i32) {
    %c0_i32 = arith.constant 0 : i32
    %c0_i32_0 = arith.constant 0 : i32
    return %arg0, %c0_i32 : i32, i32
  }
  func.func @transform_3(%arg0: i32) -> (i32, i32) {
    %c0_i32 = arith.constant 0 : i32
    %c0_i32_0 = arith.constant 0 : i32
    return %arg0, %c0_i32 : i32, i32
  }
  func.func @transform_4(%arg0: i32) -> (i32, i32) {
    %c0_i32 = arith.constant 0 : i32
    %c0_i32_0 = arith.constant 0 : i32
    return %arg0, %c0_i32 : i32, i32
  }
  func.func @transform_5(%arg0: i32) -> (i32, i32) {
    %c0_i32 = arith.constant 0 : i32
    %c0_i32_0 = arith.constant 0 : i32
    %c0_i32_1 = arith.constant 0 : i32
    return %c0_i32, %c0_i32_0 : i32, i32
  }
  func.func @transform_6(%arg0: i32) -> (i32, i32) {
    %c0_i32 = arith.constant 0 : i32
    %c0_i32_0 = arith.constant 0 : i32
    %c0_i32_1 = arith.constant 0 : i32
    return %c0_i32, %c0_i32_0 : i32, i32
  }
  func.func @transform_7(%arg0: i32) -> (i32, i32) {
    %c0_i32 = arith.constant 0 : i32
    %c0_i32_0 = arith.constant 0 : i32
    return %arg0, %c0_i32 : i32, i32
  }
  func.func @transform_8(%arg0: i32) -> (i32, i32) {
    %c0_i32 = arith.constant 0 : i32
    %c0_i32_0 = arith.constant 0 : i32
    return %arg0, %c0_i32 : i32, i32
  }
}

module attributes {stable_mosaic.version = 14 : i64} {
  func.func @body(%arg0: i32, %arg1: memref<1000x64xf32, #tpu.memory_space<vmem>>, %arg2: memref<1000x64xf32, #tpu.memory_space<vmem>>, %arg3: memref<1000x8xf32, #tpu.memory_space<vmem>>, %arg4: memref<1x64xf32, #tpu.memory_space<vmem>>, %arg5: memref<64x64xf32, #tpu.memory_space<vmem>>, %arg6: memref<1000x64xf32, #tpu.memory_space<vmem>>, %arg7: memref<1000x64xf32, #tpu.memory_space<vmem>>, %arg8: memref<1000x64xf32, #tpu.memory_space<vmem>>, %arg9: memref<1000x64xf32, #tpu.memory_space<vmem>>) attributes {dimension_semantics = [#tpu.dimension_semantics<arbitrary>], iteration_bounds = array<i64: 10>, scalar_prefetch = 0 : i64, scratch_operands = 0 : i64, tpu.core_type = #tpu.core_type<tc>, window_params = [{transform_indices = @transform_0, window_bounds = array<i64: 1000, 64>}, {transform_indices = @transform_1, window_bounds = array<i64: 1000, 64>}, {transform_indices = @transform_2, window_bounds = array<i64: 1000, 8>}, {pipeline_mode = #tpu.pipeline_mode<synchronous>, transform_indices = @transform_3, window_bounds = array<i64: 1, 64>}, {pipeline_mode = #tpu.pipeline_mode<synchronous>, transform_indices = @transform_4, window_bounds = array<i64: 64, 64>}, {transform_indices = @transform_5, window_bounds = array<i64: 1000, 64>}, {transform_indices = @transform_6, window_bounds = array<i64: 1000, 64>}, {transform_indices = @transform_7, window_bounds = array<i64: 1000, 64>}, {transform_indices = @transform_8, window_bounds = array<i64: 1000, 64>}]} {
    %get3A = arith.constant 0 : index
    %get3A_0 = arith.constant 0 : index
    %get3A_1 = vector.load %arg3[%get3A, %get3A_0] : memref<1000x8xf32, #tpu.memory_space<vmem>>, vector<1000x1xf32>
    %rsqrt3A = math.rsqrt %get3A_1 : vector<1000x1xf32>
    %get3A_2 = arith.constant 0 : index
    %get3A_3 = arith.constant 0 : index
    %get3A_4 = vector.load %arg1[%get3A_2, %get3A_3] : memref<1000x64xf32, #tpu.memory_space<vmem>>, vector<1000x64xf32>
    %mul3A = vector.broadcast %rsqrt3A : vector<1000x1xf32> to vector<1000x64xf32>
    %mul3A_5 = arith.mulf %mul3A, %get3A_4 : vector<1000x64xf32>
    %get3A_6 = arith.constant 0 : index
    %get3A_7 = arith.constant 0 : index
    %get3A_8 = vector.load %arg4[%get3A_6, %get3A_7] : memref<1x64xf32, #tpu.memory_space<vmem>>, vector<1x64xf32>
    %add3A = vector.broadcast %get3A_8 : vector<1x64xf32> to vector<1000x64xf32>
    %add3A_9 = arith.addf %mul3A_5, %add3A : vector<1000x64xf32>
    %max3A = arith.constant 0.000000e+00 : f32
    %max3A_10 = vector.broadcast %max3A : f32 to vector<1000x64xf32>
    %max3A_11 = arith.maximumf %add3A_9, %max3A_10 : vector<1000x64xf32>
    %get3A_12 = arith.constant 0 : index
    %get3A_13 = arith.constant 0 : index
    %get3A_14 = vector.load %arg2[%get3A_12, %get3A_13] : memref<1000x64xf32, #tpu.memory_space<vmem>>, vector<1000x64xf32>
    %mul3A_15 = vector.broadcast %rsqrt3A : vector<1000x1xf32> to vector<1000x64xf32>
    %mul3A_16 = arith.mulf %mul3A_15, %get3A_14 : vector<1000x64xf32>
    %get3A_17 = arith.constant 0 : index
    %get3A_18 = arith.constant 0 : index
    %get3A_19 = vector.load %arg4[%get3A_17, %get3A_18] : memref<1x64xf32, #tpu.memory_space<vmem>>, vector<1x64xf32>
    %add3A_20 = vector.broadcast %get3A_19 : vector<1x64xf32> to vector<1000x64xf32>
    %add3A_21 = arith.addf %mul3A_16, %add3A_20 : vector<1000x64xf32>
    %max3A_22 = arith.constant 0.000000e+00 : f32
    %max3A_23 = vector.broadcast %max3A_22 : f32 to vector<1000x64xf32>
    %max3A_24 = arith.maximumf %add3A_21, %max3A_23 : vector<1000x64xf32>
    %swap3A = arith.constant 0 : index
    %swap3A_25 = arith.constant 0 : index
    %swap3A_26 = vector.load %arg6[%swap3A, %swap3A_25] : memref<1000x64xf32, #tpu.memory_space<vmem>>, vector<1000x64xf32>
    tpu.vector_store %arg6[%swap3A, %swap3A_25], %max3A_11 {strides = array<i32>} : memref<1000x64xf32, #tpu.memory_space<vmem>>, vector<1000x64xf32>,
    %swap3A_27 = arith.constant 0 : index
    %swap3A_28 = arith.constant 0 : index
    %swap3A_29 = vector.load %arg7[%swap3A_27, %swap3A_28] : memref<1000x64xf32, #tpu.memory_space<vmem>>, vector<1000x64xf32>
    tpu.vector_store %arg7[%swap3A_27, %swap3A_28], %max3A_24 {strides = array<i32>} : memref<1000x64xf32, #tpu.memory_space<vmem>>, vector<1000x64xf32>,
    %get3A_30 = arith.constant 0 : index
    %get3A_31 = arith.constant 0 : index
    %get3A_32 = vector.load %arg5[%get3A_30, %get3A_31] : memref<64x64xf32, #tpu.memory_space<vmem>>, vector<64x64xf32>
    %dot_general3A = arith.constant dense<0.000000e+00> : vector<1000x64xf32>
    %dot_general3A_33 = tpu.matmul %max3A_11, %get3A_32, %dot_general3A {dimension_numbers = #tpu.dot_dimension_numbers<[1], [0], [0], [1], [0, 0, 1, 1], [], []>, transpose_lhs_hint = false} : vector<1000x64xf32>, vector<64x64xf32>, vector<1000x64xf32> -> vector<1000x64xf32>
    %swap3A_34 = arith.constant 0 : index
    %swap3A_35 = arith.constant 0 : index
    %swap3A_36 = vector.load %arg8[%swap3A_34, %swap3A_35] : memref<1000x64xf32, #tpu.memory_space<vmem>>, vector<1000x64xf32>
    tpu.vector_store %arg8[%swap3A_34, %swap3A_35], %dot_general3A_33 {strides = array<i32>} : memref<1000x64xf32, #tpu.memory_space<vmem>>, vector<1000x64xf32>,
    %get3A_37 = arith.constant 0 : index
    %get3A_38 = arith.constant 0 : index
    %get3A_39 = vector.load %arg5[%get3A_37, %get3A_38] : memref<64x64xf32, #tpu.memory_space<vmem>>, vector<64x64xf32>
    %dot_general3A_40 = arith.constant dense<0.000000e+00> : vector<1000x64xf32>
    %dot_general3A_41 = tpu.matmul %max3A_24, %get3A_39, %dot_general3A_40 {dimension_numbers = #tpu.dot_dimension_numbers<[1], [0], [0], [1], [0, 0, 1, 1], [], []>, transpose_lhs_hint = false} : vector<1000x64xf32>, vector<64x64xf32>, vector<1000x64xf32> -> vector<1000x64xf32>
    %swap3A_42 = arith.constant 0 : index
    %swap3A_43 = arith.constant 0 : index
    %swap3A_44 = vector.load %arg9[%swap3A_42, %swap3A_43] : memref<1000x64xf32, #tpu.memory_space<vmem>>, vector<1000x64xf32>
    tpu.vector_store %arg9[%swap3A_42, %swap3A_43], %dot_general3A_41 {strides = array<i32>} : memref<1000x64xf32, #tpu.memory_space<vmem>>, vector<1000x64xf32>,
    return
  }
  func.func @transform_0(%arg0: i32) -> (i32, i32) {
    %c0_i32 = arith.constant 0 : i32
    %c0_i32_0 = arith.constant 0 : i32
    return %arg0, %c0_i32 : i32, i32
  }
  func.func @transform_1(%arg0: i32) -> (i32, i32) {
    %c0_i32 = arith.constant 0 : i32
    %c0_i32_0 = arith.constant 0 : i32
    return %arg0, %c0_i32 : i32, i32
  }
  func.func @transform_2(%arg0: i32) -> (i32, i32) {
    %c0_i32 = arith.constant 0 : i32
    %c0_i32_0 = arith.constant 0 : i32
    return %arg0, %c0_i32 : i32, i32
  }
  func.func @transform_3(%arg0: i32) -> (i32, i32) {
    %c0_i32 = arith.constant 0 : i32
    %c0_i32_0 = arith.constant 0 : i32
    %c0_i32_1 = arith.constant 0 : i32
    return %c0_i32, %c0_i32_0 : i32, i32
  }
  func.func @transform_4(%arg0: i32) -> (i32, i32) {
    %c0_i32 = arith.constant 0 : i32
    %c0_i32_0 = arith.constant 0 : i32
    %c0_i32_1 = arith.constant 0 : i32
    return %c0_i32, %c0_i32_0 : i32, i32
  }
  func.func @transform_5(%arg0: i32) -> (i32, i32) {
    %c0_i32 = arith.constant 0 : i32
    %c0_i32_0 = arith.constant 0 : i32
    return %arg0, %c0_i32 : i32, i32
  }
  func.func @transform_6(%arg0: i32) -> (i32, i32) {
    %c0_i32 = arith.constant 0 : i32
    %c0_i32_0 = arith.constant 0 : i32
    return %arg0, %c0_i32 : i32, i32
  }
  func.func @transform_7(%arg0: i32) -> (i32, i32) {
    %c0_i32 = arith.constant 0 : i32
    %c0_i32_0 = arith.constant 0 : i32
    return %arg0, %c0_i32 : i32, i32
  }
  func.func @transform_8(%arg0: i32) -> (i32, i32) {
    %c0_i32 = arith.constant 0 : i32
    %c0_i32_0 = arith.constant 0 : i32
    return %arg0, %c0_i32 : i32, i32
  }
}

module attributes {stable_mosaic.version = 14 : i64} {
  func.func @body(%arg0: i32, %arg1: memref<200x10000xf32, #tpu.memory_space<vmem>>, %arg2: memref<10000x144xf32, #tpu.memory_space<vmem>>, %arg3: memref<200x64xf32, #tpu.memory_space<vmem>>, %arg4: memref<200x64xf32, #tpu.memory_space<vmem>>, %arg5: memref<1x1xf32, #tpu.memory_space<smem>>, %arg6: memref<200x8xf32, #tpu.memory_space<vmem>>, %arg7: memref<200x8xf32, #tpu.memory_space<vmem>>) attributes {dimension_semantics = [#tpu.dimension_semantics<arbitrary>], iteration_bounds = array<i64: 50>, scalar_prefetch = 0 : i64, scratch_operands = 0 : i64, tpu.core_type = #tpu.core_type<tc>, window_params = [{transform_indices = @transform_0, window_bounds = array<i64: 200, 10000>}, {pipeline_mode = #tpu.pipeline_mode<synchronous>, transform_indices = @transform_1, window_bounds = array<i64: 10000, 144>}, {transform_indices = @transform_2, window_bounds = array<i64: 200, 64>}, {transform_indices = @transform_3, window_bounds = array<i64: 200, 64>}, {transform_indices = @transform_4, window_bounds = array<i64: 1, 1>}, {transform_indices = @transform_5, window_bounds = array<i64: 200, 8>}, {transform_indices = @transform_6, window_bounds = array<i64: 200, 8>}]} {
    %get3A = arith.constant 0 : index
    %get3A_0 = arith.constant 0 : index
    %get3A_1 = vector.load %arg1[%get3A, %get3A_0] : memref<200x10000xf32, #tpu.memory_space<vmem>>, vector<200x10000xf32>
    %convert_element_type3A = arith.truncf %get3A_1 : vector<200x10000xf32> to vector<200x10000xbf16>
    %get3A_2 = arith.constant 0 : index
    %get3A_3 = arith.constant 0 : index
    %get3A_4 = vector.load %arg2[%get3A_2, %get3A_3] : memref<10000x144xf32, #tpu.memory_space<vmem>>, vector<10000x144xf32>
    %convert_element_type3A_5 = arith.truncf %get3A_4 : vector<10000x144xf32> to vector<10000x144xbf16>
    %dot_general3A = arith.constant dense<0.000000e+00> : vector<200x144xf32>
    %dot_general3A_6 = tpu.matmul %convert_element_type3A, %convert_element_type3A_5, %dot_general3A {dimension_numbers = #tpu.dot_dimension_numbers<[1], [0], [0], [1], [0, 0, 1, 1], [], []>, transpose_lhs_hint = false} : vector<200x10000xbf16>, vector<10000x144xbf16>, vector<200x144xf32> -> vector<200x144xf32>
    %slice3A = vector.extract_strided_slice %dot_general3A_6 {offsets = [0, 128], sizes = [200, 1], strides = [1, 1]} : vector<200x144xf32> to vector<200x1xf32>
    %slice3A_7 = vector.extract_strided_slice %dot_general3A_6 {offsets = [0, 0], sizes = [200, 64], strides = [1, 1]} : vector<200x144xf32> to vector<200x64xf32>
    %div3A = vector.broadcast %slice3A : vector<200x1xf32> to vector<200x64xf32>
    %div3A_8 = arith.divf %slice3A_7, %div3A : vector<200x64xf32>
    %slice3A_9 = vector.extract_strided_slice %dot_general3A_6 {offsets = [0, 64], sizes = [200, 64], strides = [1, 1]} : vector<200x144xf32> to vector<200x64xf32>
    %div3A_10 = vector.broadcast %slice3A : vector<200x1xf32> to vector<200x64xf32>
    %div3A_11 = arith.divf %slice3A_9, %div3A_10 : vector<200x64xf32>
    %mul3A = arith.mulf %div3A_8, %div3A_8 : vector<200x64xf32>
    %reduce_sum3A = arith.constant dense<0.000000e+00> : vector<200xf32>
    %reduce_sum3A_12 = vector.multi_reduction <add>, %mul3A, %reduce_sum3A [1] : vector<200x64xf32> to vector<200xf32>
    %broadcast_in_dim3A = vector.shape_cast %reduce_sum3A_12 : vector<200xf32> to vector<200x1xf32>
    %sqrt3A = math.sqrt %broadcast_in_dim3A : vector<200x1xf32>
    %max3A = arith.constant 9.99999996E-13 : f32
    %max3A_13 = vector.broadcast %max3A : f32 to vector<200x1xf32>
    %max3A_14 = arith.maximumf %sqrt3A, %max3A_13 : vector<200x1xf32>
    %mul3A_15 = arith.mulf %div3A_11, %div3A_11 : vector<200x64xf32>
    %reduce_sum3A_16 = arith.constant dense<0.000000e+00> : vector<200xf32>
    %reduce_sum3A_17 = vector.multi_reduction <add>, %mul3A_15, %reduce_sum3A_16 [1] : vector<200x64xf32> to vector<200xf32>
    %broadcast_in_dim3A_18 = vector.shape_cast %reduce_sum3A_17 : vector<200xf32> to vector<200x1xf32>
    %sqrt3A_19 = math.sqrt %broadcast_in_dim3A_18 : vector<200x1xf32>
    %max3A_20 = arith.constant 9.99999996E-13 : f32
    %max3A_21 = vector.broadcast %max3A_20 : f32 to vector<200x1xf32>
    %max3A_22 = arith.maximumf %sqrt3A_19, %max3A_21 : vector<200x1xf32>
    %div3A_23 = vector.broadcast %max3A_14 : vector<200x1xf32> to vector<200x64xf32>
    %div3A_24 = arith.divf %div3A_8, %div3A_23 : vector<200x64xf32>
    %logistic3A = arith.negf %div3A_24 : vector<200x64xf32>
    %logistic3A_25 = math.exp %logistic3A : vector<200x64xf32>
    %logistic3A_26 = arith.constant 1.000000e+00 : f32
    %logistic3A_27 = vector.broadcast %logistic3A_26 : f32 to vector<200x64xf32>
    %logistic3A_28 = arith.addf %logistic3A_27, %logistic3A_25 : vector<200x64xf32>
    %logistic3A_29 = arith.divf %logistic3A_27, %logistic3A_28 : vector<200x64xf32>
    %div3A_30 = vector.broadcast %max3A_22 : vector<200x1xf32> to vector<200x64xf32>
    %div3A_31 = arith.divf %div3A_11, %div3A_30 : vector<200x64xf32>
    %logistic3A_32 = arith.negf %div3A_31 : vector<200x64xf32>
    %logistic3A_33 = math.exp %logistic3A_32 : vector<200x64xf32>
    %logistic3A_34 = arith.constant 1.000000e+00 : f32
    %logistic3A_35 = vector.broadcast %logistic3A_34 : f32 to vector<200x64xf32>
    %logistic3A_36 = arith.addf %logistic3A_35, %logistic3A_33 : vector<200x64xf32>
    %logistic3A_37 = arith.divf %logistic3A_35, %logistic3A_36 : vector<200x64xf32>
    %get3A_38 = arith.constant 0 : index
    %get3A_39 = arith.constant 0 : index
    %get3A_40 = memref.load %arg5[%get3A_38, %get3A_39] : memref<1x1xf32, #tpu.memory_space<smem>>
    %get3A_41 = arith.constant 0 : index
    %get3A_42 = arith.constant 0 : index
    %get3A_43 = vector.load %arg3[%get3A_41, %get3A_42] : memref<200x64xf32, #tpu.memory_space<vmem>>, vector<200x64xf32>
    %get3A_44 = arith.constant 0 : index
    %get3A_45 = arith.constant 0 : index
    %get3A_46 = vector.load %arg4[%get3A_44, %get3A_45] : memref<200x64xf32, #tpu.memory_space<vmem>>, vector<200x64xf32>
    %broadcast_in_dim3A_47 = arith.constant 0.000000e+00 : f32
    %broadcast_in_dim3A_48 = vector.broadcast %broadcast_in_dim3A_47 : f32 to vector<200x6xf32>
    %mul3A_49 = arith.mulf %get3A_43, %logistic3A_29 : vector<200x64xf32>
    %reduce_sum3A_50 = arith.constant dense<0.000000e+00> : vector<200xf32>
    %reduce_sum3A_51 = vector.multi_reduction <add>, %mul3A_49, %reduce_sum3A_50 [1] : vector<200x64xf32> to vector<200xf32>
    %broadcast_in_dim3A_52 = vector.shape_cast %reduce_sum3A_51 : vector<200xf32> to vector<200x1xf32>
    %add3A = vector.broadcast %get3A_40 : f32 to vector<200x1xf32>
    %add3A_53 = arith.addf %broadcast_in_dim3A_52, %add3A : vector<200x1xf32>
    %mul3A_54 = arith.mulf %get3A_46, %logistic3A_29 : vector<200x64xf32>
    %reduce_sum3A_55 = arith.constant dense<0.000000e+00> : vector<200xf32>
    %reduce_sum3A_56 = vector.multi_reduction <add>, %mul3A_54, %reduce_sum3A_55 [1] : vector<200x64xf32> to vector<200xf32>
    %broadcast_in_dim3A_57 = vector.shape_cast %reduce_sum3A_56 : vector<200xf32> to vector<200x1xf32>
    %add3A_58 = vector.broadcast %get3A_40 : f32 to vector<200x1xf32>
    %add3A_59 = arith.addf %broadcast_in_dim3A_57, %add3A_58 : vector<200x1xf32>
    %mul3A_60 = arith.mulf %get3A_46, %logistic3A_37 : vector<200x64xf32>
    %reduce_sum3A_61 = arith.constant dense<0.000000e+00> : vector<200xf32>
    %reduce_sum3A_62 = vector.multi_reduction <add>, %mul3A_60, %reduce_sum3A_61 [1] : vector<200x64xf32> to vector<200xf32>
    %broadcast_in_dim3A_63 = vector.shape_cast %reduce_sum3A_62 : vector<200xf32> to vector<200x1xf32>
    %add3A_64 = vector.broadcast %get3A_40 : f32 to vector<200x1xf32>
    %add3A_65 = arith.addf %broadcast_in_dim3A_63, %add3A_64 : vector<200x1xf32>
    %mul3A_66 = arith.mulf %get3A_43, %logistic3A_37 : vector<200x64xf32>
    %reduce_sum3A_67 = arith.constant dense<0.000000e+00> : vector<200xf32>
    %reduce_sum3A_68 = vector.multi_reduction <add>, %mul3A_66, %reduce_sum3A_67 [1] : vector<200x64xf32> to vector<200xf32>
    %broadcast_in_dim3A_69 = vector.shape_cast %reduce_sum3A_68 : vector<200xf32> to vector<200x1xf32>
    %add3A_70 = vector.broadcast %get3A_40 : f32 to vector<200x1xf32>
    %add3A_71 = arith.addf %broadcast_in_dim3A_69, %add3A_70 : vector<200x1xf32>
    %concatenate3A = tpu.concatenate %add3A_53, %add3A_59, %broadcast_in_dim3A_48 in 1 : vector<200x1xf32>, vector<200x1xf32>, vector<200x6xf32> -> vector<200x8xf32>
    %swap3A = arith.constant 0 : index
    %swap3A_72 = arith.constant 0 : index
    %swap3A_73 = vector.load %arg6[%swap3A, %swap3A_72] : memref<200x8xf32, #tpu.memory_space<vmem>>, vector<200x8xf32>
    tpu.vector_store %arg6[%swap3A, %swap3A_72], %concatenate3A {strides = array<i32>} : memref<200x8xf32, #tpu.memory_space<vmem>>, vector<200x8xf32>,
    %concatenate3A_74 = tpu.concatenate %add3A_65, %add3A_71, %broadcast_in_dim3A_48 in 1 : vector<200x1xf32>, vector<200x1xf32>, vector<200x6xf32> -> vector<200x8xf32>
    %swap3A_75 = arith.constant 0 : index
    %swap3A_76 = arith.constant 0 : index
    %swap3A_77 = vector.load %arg7[%swap3A_75, %swap3A_76] : memref<200x8xf32, #tpu.memory_space<vmem>>, vector<200x8xf32>
    tpu.vector_store %arg7[%swap3A_75, %swap3A_76], %concatenate3A_74 {strides = array<i32>} : memref<200x8xf32, #tpu.memory_space<vmem>>, vector<200x8xf32>,
    return
  }
  func.func @transform_0(%arg0: i32) -> (i32, i32) {
    %c0_i32 = arith.constant 0 : i32
    %c0_i32_0 = arith.constant 0 : i32
    return %arg0, %c0_i32 : i32, i32
  }
  func.func @transform_1(%arg0: i32) -> (i32, i32) {
    %c0_i32 = arith.constant 0 : i32
    %c0_i32_0 = arith.constant 0 : i32
    %c0_i32_1 = arith.constant 0 : i32
    return %c0_i32, %c0_i32_0 : i32, i32
  }
  func.func @transform_2(%arg0: i32) -> (i32, i32) {
    %c0_i32 = arith.constant 0 : i32
    %c0_i32_0 = arith.constant 0 : i32
    return %arg0, %c0_i32 : i32, i32
  }
  func.func @transform_3(%arg0: i32) -> (i32, i32) {
    %c0_i32 = arith.constant 0 : i32
    %c0_i32_0 = arith.constant 0 : i32
    return %arg0, %c0_i32 : i32, i32
  }
  func.func @transform_4(%arg0: i32) -> (i32, i32) {
    %c0_i32 = arith.constant 0 : i32
    %c0_i32_0 = arith.constant 0 : i32
    %c0_i32_1 = arith.constant 0 : i32
    return %c0_i32, %c0_i32_0 : i32, i32
  }
  func.func @transform_5(%arg0: i32) -> (i32, i32) {
    %c0_i32 = arith.constant 0 : i32
    %c0_i32_0 = arith.constant 0 : i32
    return %arg0, %c0_i32 : i32, i32
  }
  func.func @transform_6(%arg0: i32) -> (i32, i32) {
    %c0_i32 = arith.constant 0 : i32
    %c0_i32_0 = arith.constant 0 : i32
    return %arg0, %c0_i32 : i32, i32
  }
}

</mosaic_0001>

<sc_bundles>
// kernel: gather_offload_async_start
scs
__scs_entry_jumppad:
0x0: {  	(pc) =	sbr.rel $0x88, $3  }
0x1: {  	(tag) =	ssettag $0x0;
	lr =	simm.s32 $0x1  }
0x2: {  	[smem:$0x3F98] =	sst lr;
	_ =	strace $0xD0000000  }
0x3: {  	_ = 	snop  }
0x4: {  	_ = 	snop  }
0x5: {  	_ = 	snop  }
0x6: {  	_ = 	snop  }
0x7: {  	_ = 	snop  }
__scs_overlays_trampoline_lowered:
0x8: {  	[smem:$0x3FA7] =	sst s0  }
0x9: {  	[smem:$0x3FA8] =	sst s1  }
0xa: {  	[smem:$0x3FA9] =	sst s2  }
0xb: {  	[smem:$0x3FAA] =	sst s3  }
0xc: {  	[smem:$0x3FAB] =	sst s4  }
0xd: {  	[smem:$0x3FAC] =	sst s5  }
0xe: {  	[smem:$0x3FAD] =	sst s6  }
0xf: {  	[smem:$0x3FAE] =	sst s7  }
0x10: {  	[smem:$0x3FAF] =	sst s8  }
0x11: {  	[smem:$0x3FB0] =	sst s9;
	s0 =	simm.s32 @!p0 $0x0  }
0x12: {  	s1 =	sld [smem:$0x3F96];
	s0 =	simm.s32 @p0 $0x1  }
0x13: {  	[smem:$0x3FB1] =	sst s0;
	s0 =	simm.s32 @!p1 $0x0  }
0x14: {  	s2 =	sld [smem:$0x3F95];
	s0 =	simm.s32 @p1 $0x1  }
0x15: {  	[smem:$0x3FB2] =	sst s0;
	s0 =	simm.s32 @!p2 $0x0  }
0x16: {  	s3 =	sld [smem:$0x3FDB];
	s0 =	simm.s32 @p2 $0x1  }
0x17: {  	s4 =	simm.s32 $0x1BF5;
	[smem:$0x3FB4] =	sst s0  }
0x18: {  	s0 =	sld [smem:$0x3F97];
	_ =	swait.ge [sflag:s4], $0x0  }
0x19: {  	s7 =	sld [smem:$0x3F98]  }
0x1a: {  	s8 =	sadd.s32 $0xFFFFE003, lr  }
0x1b: {  	s9 =	sadd.s32 $0xFFFFFEF7, lr;
	s5 =	simm.s32 $0xFFFFFFFF;
	p2 =	slt.u32 s8, $0xFFFFF086  }
0x1c: {  	p1 =	slt.u32 s9, $0xF7A;
	s5 =	simm.s32 @!p2 $0x0  }
0x1d: {  	s5 =	simm.s32 @p1 $0x1;
	p0 =	seq.s32 s7, s2  }
0x1e: {  	s7 =	smul.u32 @!p0 $0xF7A, s2;
	p2 =	seq.s32 @!p0 s5, $0x0  }
0x1f: {  	s9 =	smul.u32 $0xF7A, s1;
	s8 =	simm.s32 @!p0 $0x1BF5;
	p2 =	por !p2, p0  }
0x20: {  	[sflag:s8] =	ssyncset.s32 @!p0 $0xFFFFF086;
	s6 =	sadd.s32 @!p0 s3, s7;
	s7 =	simm.s32 @!p0 $0x108  }
0x21: {  	s3 =	sadd.s32 s3, s9;
	s6 =	sadd.s32 @!p0 $0x88, s6;
	s7 =	simm.s32 @p2 $0x1082  }
0x22: {  	[simem:s7], [sflag:s8] =	dma.local @!p0 [hbm:s6], $0xF7A  }
0x23: {  	s9 =	sor.u32 $0xD0000000, s2;
	s6 =	simm.s32 $0x108;
	_ =	swait.ge @!p0 [sflag:s8], $0x0  }
0x24: {  	s3 =	sadd.s32 $0x88, s3;
	s6 =	simm.s32 @!p1 $0x1082;
	[sflag:s4] =	ssyncset.s32 $0xFFFFF086  }
0x25: {  	[simem:s6], [sflag:s4] =	dma.local [hbm:s3], $0xF7A  }
0x26: {  	[smem:$0x3F98] =	sst s1;
	(tag) =	ssettag s2;
	_ =	strace s9  }
0x27: {  	s1 =	sld [smem:$0x3FA8]  }
0x28: {  	s2 =	sld [smem:$0x3FA9]  }
0x29: {  	s4 =	sld [smem:$0x3FAB]  }
0x2a: {  	p0 =	seq.s32 s5, $0x0;
	s5 =	sld [smem:$0x3FAC]  }
0x2b: {  	s6 =	sld [smem:$0x3FAD]  }
0x2c: {  	s7 =	sld [smem:$0x3FAE]  }
0x2d: {  	s3 =	simm.s32 $0x108;
	s8 =	sld [smem:$0x3FAF]  }
0x2e: {  	s3 =	simm.s32 @!p0 $0x1082;
	s9 =	sld [smem:$0x3FB0]  }
0x2f: {  	lr =	sadd.s32 s0, s3;
	s0 =	sld [smem:$0x3FA7]  }
0x30: {  	s3 =	sld [smem:$0x3FAA]  }
0x31: {  	[smem:$0x3FB3] =	sst s10  }
0x32: {  	s10 =	sld [smem:$0x3FB1];
	_ =	sdelay $0x3  }
0x33: {  	p0 =	seq.s32 s10, $0x1;
	s10 =	sld [smem:$0x3FB3];
	_ =	sdelay $0x3  }
0x34: {  	[smem:$0x3FB3] =	sst s10  }
0x35: {  	s10 =	sld [smem:$0x3FB2];
	_ =	sdelay $0x3  }
0x36: {  	p1 =	seq.s32 s10, $0x1;
	s10 =	sld [smem:$0x3FB3];
	_ =	sdelay $0x3  }
0x37: {  	[smem:$0x3FB3] =	sst s10  }
0x38: {  	s10 =	sld [smem:$0x3FB4]  }
0x39: {  	_ = 	snop;
	(pc) =	sbr.ind lr, $3  }
0x3a: {  	_ = 	snop  }
0x3b: {  	_ = 	snop  }
0x3c: {  	p2 =	seq.s32 s10, $0x1;
	s10 =	sld [smem:$0x3FB3]  }
0x3d: {  	_ =	shalt  }
0x3e: {  	_ =	shalt  }
0x3f: {  	_ =	shalt  }
0x40: {  	_ =	shalt  }
0x41: {  	_ =	shalt  }
0x42: {  	_ =	shalt  }
0x43: {  	_ =	shalt  }
0x44: {  	_ =	shalt  }
0x45: {  	_ =	shalt  }
0x46: {  	_ =	shalt  }
0x47: {  	_ =	shalt  }
0x48: {  	_ =	shalt  }
0x49: {  	_ =	shalt  }
0x4a: {  	_ =	shalt  }
0x4b: {  	_ =	shalt  }
0x4c: {  	_ =	shalt  }
0x4d: {  	_ =	shalt  }
0x4e: {  	_ =	shalt  }
0x4f: {  	_ =	shalt  }
0x50: {  	_ =	shalt  }
0x51: {  	_ =	shalt  }
0x52: {  	_ =	shalt  }
0x53: {  	_ =	shalt  }
0x54: {  	_ =	shalt  }
0x55: {  	_ =	shalt  }
0x56: {  	_ =	shalt  }
0x57: {  	_ =	shalt  }
0x58: {  	_ =	shalt  }
0x59: {  	_ =	shalt  }
0x5a: {  	_ =	shalt  }
0x5b: {  	_ =	shalt  }
0x5c: {  	_ =	shalt  }
0x5d: {  	_ =	shalt  }
0x5e: {  	_ =	shalt  }
0x5f: {  	_ =	shalt  }
0x60: {  	_ =	shalt  }
0x61: {  	_ =	shalt  }
0x62: {  	_ =	shalt  }
0x63: {  	_ =	shalt  }
0x64: {  	_ =	shalt  }
0x65: {  	_ =	shalt  }
0x66: {  	_ =	shalt  }
0x67: {  	_ =	shalt  }
0x68: {  	_ =	shalt  }
0x69: {  	_ =	shalt  }
0x6a: {  	_ =	shalt  }
0x6b: {  	_ =	shalt  }
0x6c: {  	_ =	shalt  }
0x6d: {  	_ =	shalt  }
0x6e: {  	_ =	shalt  }
0x6f: {  	_ =	shalt  }
0x70: {  	_ =	shalt  }
0x71: {  	_ =	shalt  }
0x72: {  	_ =	shalt  }
0x73: {  	_ =	shalt  }
0x74: {  	_ =	shalt  }
0x75: {  	_ =	shalt  }
0x76: {  	_ =	shalt  }
0x77: {  	_ =	shalt  }
0x78: {  	_ =	shalt  }
0x79: {  	_ =	shalt  }
0x7a: {  	_ =	shalt  }
0x7b: {  	_ =	shalt  }
0x7c: {  	_ =	shalt  }
0x7d: {  	_ =	shalt  }
0x7e: {  	_ =	shalt  }
0x7f: {  	_ =	shalt  }
0x80: {  	_ =	shalt  }
0x81: {  	_ =	shalt  }
0x82: {  	_ =	shalt  }
0x83: {  	_ =	shalt  }
0x84: {  	_ =	shalt  }
0x85: {  	_ =	shalt  }
0x86: {  	_ =	shalt  }
0x87: {  	_ =	shalt  }
.Lfunc_end0:
.L_simem_size_0:
called_computation_lowered:
.L_overlay_start_0:
0x88: {  	s0 =	sld [smem:$0x3FD9]  }
0x89: {  	s1 =	sld [smem:$0x3FFE];
	_ =	sdelay $0x3  }
0x8a: {  	s0 =	sadd.s32 s1, s0  }
0x8b: {  	[smem:$0x3FBF] =	sst s0  }
0x8c: {  	_ = 	snop  }
0x8d: {  	s0 =	sld [smem:$0x3FD0];
	_ =	sdelay $0x2  }
0x8e: {  	s13 =	simm.s32 $0xB;
	s2 =	simm.s32 $0x10  }
0x8f: {  	[smem:s2], [sflag:s13] =	dma.local [hbm:s0], $0x1  }
0x90: {  	_ =	swait.eq [sflag:s13], $0x1  }
0x91: {  	[sflag:s13] =	ssyncset.done $0x0  }
0x92: {  	[sflag:s13] =	ssyncadd.s32 $0xFFFFFFFF  }
0x93: {  	s14 =	sld [smem:$0x12];
	(tm) =	ssettm $0x1  }
0x94: {  	s15 =	sld [smem:$0x3FFB];
	_ =	sdelay $0x3  }
0x95: {  	_ =	strace s15  }
0x96: {  	s1 =	sld [smem:$0x3FFC];
	_ =	sdelay $0x3  }
0x97: {  	_ =	strace s1  }
0x98: {  	s1 =	sld [smem:$0x3FFD];
	_ =	sdelay $0x3  }
0x99: {  	_ =	strace s1  }
0x9a: {  	_ =	strace $0x8FFFFFFF  }
0x9b: {  	s16 =	sld [smem:$0x3FDB];
	_ =	sdelay $0x1  }
0x9c: {  	s17 =	simm.s32 $_scs_section_size  }
0x9d: {  	s3 =	simm.s32 $_size__tile_overlayer_lowered;
	s4 =	simm.s32 $_tile_overlayer_lowered  }
0x9e: {  	s20 =	simm.s32 $0x1BFF;
	s19 =	sshll.u32 s4, $0x1;
	s1 =	sadd.s32 s17, s16  }
0x9f: {  	s5 =	simm.s32 $0x0;
	s18 =	sshll.u32 s3, $0x1;
	s3 =	sadd.s32 s19, s1  }
0xa0: {  	[timem:s5], [sflag:s20] =	dma.local [hbm:s3], s18  }
0xa1: {  	_ =	swait.ge [sflag:s20], s18  }
0xa2: {  	s2 =	ssub.s32 $0x0, s18;
	[sflag:s20] =	ssyncset.done $0x0  }
0xa3: {  	[sflag:s20] =	ssyncadd.s32 s2;
	_ =	sdelay $0x1  }
0xa4: {  	s21 =	simm.s32 $0x1B8B  }
0xa5: {  	_ =	swait.ge [sflag:s21], $0x1  }
0xa6: {  	[sflag:s21] =	ssyncset.done $0x0  }
0xa7: {  	s23 =	simm.s32 $0x1B8E;
	s22 =	sld [smem:$0x3FFE];
	[sflag:s21] =	ssyncadd.s32 $0xFFFFFFFF  }
0xa8: {  	s24 =	simm.s32 $execute0_lowered;
	[smem:$0x3FD2] =	sst s23  }
0xa9: {  	s3 =	sshll.u32 s24, $0x1;
	_ =	strace $0x80000049;
	[dreg:$0x1] =	wrdreg $0xFFFFFFFF  }
0xaa: {  	s25 =	simm.s32 $_size_execute0_lowered;
	s1 =	sadd.s32 s1, s3;
	[dreg:$0x0] =	wrdreg $0x0  }
0xab: {  	s3 =	sshll.u32 s25, $0x1;
	[dreg:$0x2] =	wrdreg s1  }
0xac: {  	[dreg:$0x3] =	wrdreg s3  }
0xad: {  	[dreg:$0x4] =	wrdreg $0xC0  }
0xae: {  	_ =	task [dreg:s5], $0x5FFFF  }
0xaf: {  	[dreg:$0x1] =	wrdreg $0xFFFFFFFF  }
0xb0: {  	[dreg:$0x0] =	wrdreg $0x60  }
0xb1: {  	[dreg:$0x2] =	wrdreg s22  }
0xb2: {  	[dreg:$0x3] =	wrdreg s14  }
0xb3: {  	[dreg:$0x4] =	wrdreg $0x9  }
0xb4: {  	_ =	task.clear_ibuf [dreg:s5], $0x5FFFF;
	_ =	strace $0x90000049  }
0xb5: {  	s26 =	simm.s32 $0x9;
	_ =	strace $0x8000004B  }
0xb6: {  	_ =	swait.ge [sflag:s26], $0x1  }
0xb7: {  	[sflag:s26] =	ssyncadd.s32 $0xFFFFFFFF  }
0xb8: {  	_ =	strace $0x9000004B  }
0xb9: {  	_ =	sfence  }
0xba: {  	s28 =	sld [smem:$0x0];
	_ =	sdelay $0x1  }
0xbb: {  	s29 =	srdreg.scid  }
0xbc: {  	s30 =	sshll.u32 s29, $0xD;
	s31 =	sshrl.u32 s29, $0x2  }
0xbd: {  	s2 =	sand.u32 $0x4000, s30;
	s1 =	sand.u32 $0x1, s29;
	s0 =	sadd.s32 s31, s28  }
0xbe: {  	s1 =	sor.u32 s2, s1;
	s0 =	sshll.u32 s0, $0x11  }
0xbf: {  	s0 =	sor.u32 s0, s1  }
0xc0: {  	s0 =	sadd.s32 $0x8F2B, s0  }
0xc1: {  	[sflag:s0] =	ssyncadd.remote.s32 $0x1  }
0xc2: {  	_ =	sfence.sel $0xFFFF  }
0xc3: {  	[dreg:$0x0] =	wrdreg $0xFFFFFFFF;
	(pc) =	sbr.abs _section_cstart, $3  }
0xc4: {  	[dreg:$0x1] =	wrdreg $0xFFFFFFFF  }
0xc5: {  	_ =	task.clear_ibuf [dreg:s5], $0x2FFFF;
	_ =	strace $0x9FFFFFFF  }
0xc6: {  	(tm) =	ssettm $0x7FFFFFFF  }
0xc7: {  	_ =	shalt  }
tec
execute0_lowered:
.L_overlay_start_1:
0x0: {  	(tag) =	ssettag $0x1  }
0x1: {  	s0 =	stileid.u32  }
0x2: {  	s1 =	smin.u32 s0, $0x9  }
0x3: {  	s1 =	sadd.s32 s0, s1  }
0x4: {  	s2 =	simm.s32 $0x320;
	p0 =	slt.u32 s0, $0x9;
	s1 =	smul.u32 $0x190, s1  }
0x5: {  	s2 =	simm.s32 @!p0 $0x190  }
0x6: {  	s2 =	sadd.s32 s2, s1  }
0x7: {  	s3 =	smin.u32 s2, $0x2710  }
0x8: {  	s7 =	ssub.s32 s3, s1  }
0x9: {  	p0 =	sgt.s32 s7, $0x0  }
0xa: {  	s7 =	simm.s32 @!p0 $0x0  }
0xb: {  	s31 =	sand.u32 $0xFFF0, s7  }
0xc: {  	s2 =	sshrl.u32 s31, $0x4  }
0xd: {  	s9 =	rddreg [dreg:$0x0];
	s2 =	smul.u32 $0xA3E, s2  }
0xe: {  	s4 =	rddreg [dreg:$0x1];
	s6 =	simm.s32 $0x1  }
0xf: {  	s11 =	simm.s32 $0x3;
	s13 =	simm.s32 $0x0;
	s8 =	sshrl.u32 s2, $0x10  }
0x10: {  	s12 =	simm.s32 $0x0;
	s5 =	sadd.s32 $0xEA00, s9;
	s10 =	smul.u32 $0x190, s8  }
.Ltmp0:
0x11: {  	s9 =	sadd.s32 $0x35C00, s9;
	s2 =	rddreg [dreg:$0x2];
	(pc) =	sbr.rel .LBB2_1-.Ltmp0, $4  }
0x12: {  	_ =	strace $0x8000004A;
	p0 =	sne.s32 s7, s10;
	s10 =	simm.s32 $0x1  }
0x13: {  	[sflag:s6] =	ssyncpa.u1 $0x0;
	s7 =	simm.s32 $0x2;
	s10 =	simm.s32 @!p0 $0x0  }
0x14: {  	[sflag:s7] =	ssyncpa.u1 $0x0;
	p0 =	por $0x0, $0x0;
	s8 =	sadd.s32 s8, s10  }
0x15: {  	vm0 =	vmmov $0xff;
	vm1 =	vcmask $0x3F20;
	[sflag:s11] =	ssyncpa.u1 $0x0;
	s11 =	smov.u32 s1;
	s10 =	sadd.s32 $0x1, s8  }
.LBB2_6:
0x16: {  	[hbm:s17] =	stream.linear.scatter [tilespmem:s14], [sflag:$0x3], $0x400, $0x38;
	[tilespmem:$0x19320] =	vst v63  }
.LBB2_7:
0x17: {  	s13 =	sadd.s32 $0x190, s11  }
0x18: {  	s15 =	smov.u32 s1;
	p2 =	slt.s32 s13, s3  }
0x19: {  	s15 =	smov.u32 @p2 s13;
	p2 =	sne.s32 s12, s10  }
.Ltmp1:
0x1a: {  	p1 =	slt.u32 s12, $0x2;
	(pc) =	sbr.rel @!p2 .LBB2_8-.Ltmp1, $4  }
0x1b: {  	s14 =	simm.s32 @!p1 $0x3  }
0x1c: {  	s16 =	sadd.s32 $0x1, s12;
	_ =	swait.ge @!p1 [sflag:s14], $0xC800  }
0x1d: {  	p0 =	por !p0, !p0;
	s13 =	smov.u32 s11;
	[sflag:s14] =	ssyncset.done @!p1 $0x0  }
0x1e: {  	s12 =	smov.u32 s16;
	s11 =	smov.u32 s15;
	[sflag:s14] =	ssyncadd.s32 @!p1 $0xFFFF3800  }
.LBB2_1:
0x1f: {  	p1 =	sge.u32 s12, s8  }
0x20: {  	s14 =	sxor.u32 @!p1 $0xFFFFFFFF, s12  }
0x21: {  	s14 =	sand.u32 @!p1 $0x1, s14  }
0x22: {  	s14 =	smul.u32 @!p1 $0x640, s14  }
0x23: {  	s31 =	sadd.s32 $0xFFFFFFFF, s12;
	s15 =	sshrl.u32 @!p1 s11, $0x3  }
0x24: {  	s16 =	sand.u32 @!p1 $0x7, s11;
	s15 =	sadd.s32 @!p1 s4, s15;
	s14 =	sshrl.u32 @!p1 s14, $0x2  }
0x25: {  	[tilespmem:s14], [sflag:$0x2] =	stream.linear.gather @!p1 [hbm4b:s15+s16], $0x190, $0x38;
	[tilespmem:$0x19320] =	vst v63  }
0x26: {  	p1 =	sge.u32 s31, s8  }
.Ltmp2:
0x27: {  	_ = 	snop;
	(pc) =	sbr.rel @p1 .LBB2_7-.Ltmp2, $1  }
0x28: {  	_ =	sdelay $0x3  }
0x29: {  	s14 =	simm.s32 $0x1  }
0x2a: {  	s14 =	simm.s32 @!p0 $0x0  }
0x2b: {  	s15 =	smul.u32 $0x640, s14  }
0x2c: {  	_ =	swait.ge [sflag:s7], $0x190  }
0x2d: {  	[sflag:s7] =	ssyncset.done $0x0;
	s16 =	sshrl.u32 s15, $0x2  }
0x2e: {  	[sflag:s7] =	ssyncadd.s32 $0xFFFFFE70;
	s15 =	sadd.s32 $0x0, s16  }
0x2f: {  	v0 =	vld.msk [tilespmem:s15+$0x0 ss:$0x1], $0xffff;
	_ =	sdelay $0x4  }
0x30: {  	vm2 =	vgt.s32 v0, $0x0  }
0x31: {  	v0 =	vnsel vm2, $0x0, v0  }
0x32: {  	v0 =	vmin.u32 v0, $0x270F  }
0x33: {  	v0 =	vshll.u32 v0, $0x4  }
0x34: {  	s14 =	smul.u32 $0x32000, s14;
	_ =	sdelay $0x1  }
0x35: {  	s14 =	sshrl.u32 s14, $0x2  }
0x36: {  	s14 =	sor.u32 $0x320, s14  }
0x37: {  	[tilespmem:s14], [sflag:$0x1] =	stream.indirect_vreg.gather [hbm:s5], $0x80, v0, vm0, $0x38;
	[tilespmem:$0x19320] =	vst v63  }
0x38: {  	s17 =	sadd.s32 $0x10, s16;
	s15 =	sadd.s32 $0x400, s14  }
0x39: {  	[tilespmem:s15], [sflag:$0x1] =	stream.indirect_vreg.gather [hbm:s5], $0x80, v0, vm1, $0x38;
	[tilespmem:$0x19320] =	vst v63  }
0x3a: {  	s18 =	simm.s32 $0x80;
	v0 =	vld.msk [tilespmem:s17+$0x0 ss:$0x1], $0xffff;
	s17 =	smov.u32 s14  }
.LBB2_3:
0x3b: {  	p1 =	sne.s32 s18, $0x600;
	_ =	sdelay $0x4  }
0x3c: {  	vm2 =	vgt.s32 v0, $0x0  }
0x3d: {  	v0 =	vnsel vm2, $0x0, v0  }
0x3e: {  	v0 =	vmin.u32 v0, $0x270F  }
0x3f: {  	v0 =	vshll.u32 v0, $0x4;
	_ =	sdelay $0x3  }
.Ltmp3:
0x40: {  	s19 =	sshra.s32 s18, $0x2;
	s17 =	sadd.s32 $0x800, s17;
	(pc) =	sbr.rel @p1 .LBB2_3-.Ltmp3, $4  }
0x41: {  	[tilespmem:s17], [sflag:$0x1] =	stream.indirect_vreg.gather [hbm:s5], $0x80, v0, vm0, $0x38;
	[tilespmem:$0x19320] =	vst v63  }
0x42: {  	s19 =	sadd.s32 s19, s16;
	s20 =	sadd.s32 $0x400, s17  }
0x43: {  	[tilespmem:s20], [sflag:$0x1] =	stream.indirect_vreg.gather [hbm:s5], $0x80, v0, vm1, $0x38;
	[tilespmem:$0x19320] =	vst v63  }
0x44: {  	s18 =	sadd.s32 $0x40, s18;
	v0 =	vld.msk [tilespmem:s19+$0x0 ss:$0x1], $0xffff  }
0x45: {  	_ =	sdelay $0x3  }
0x46: {  	vm2 =	vgt.s32 v0, $0x0  }
0x47: {  	v0 =	vnsel vm2, $0x0, v0  }
0x48: {  	v0 =	vmin.u32 v0, $0x270F  }
0x49: {  	v0 =	vshll.u32 v0, $0x4;
	_ =	sdelay $0x3  }
0x4a: {  	s16 =	sadd.s32 $0x800, s17  }
0x4b: {  	[tilespmem:s16], [sflag:$0x1] =	stream.indirect_vreg.gather [hbm:s5], $0x80, v0, vm0, $0x38;
	[tilespmem:$0x19320] =	vst v63  }
0x4c: {  	s16 =	sadd.s32 $0x400, s16  }
0x4d: {  	[tilespmem:s16], [sflag:$0x1] =	stream.indirect_vreg.gather [hbm:s5], $0x80, v0, vm1, $0x38;
	[tilespmem:$0x19320] =	vst v63  }
0x4e: {  	s13 =	sshll.u32 s13, $0x4;
	_ =	swait.ge [sflag:s6], $0xC800  }
0x4f: {  	s13 =	sadd.s32 s13, s9;
	[sflag:s6] =	ssyncset.done $0x0  }
0x50: {  	s17 =	sadd.s32 $0x0, s13;
	s16 =	simm.s32 $0x80;
	[sflag:s6] =	ssyncadd.s32 $0xFFFF3800  }
.LBB2_5:
0x51: {  	[hbm:s17] =	stream.linear.scatter [tilespmem:s14], [sflag:$0x3], $0x400, $0x38;
	[tilespmem:$0x19320] =	vst v63  }
0x52: {  	s17 =	smov.u32 s16;
	s14 =	smov.u32 s15;
	p1 =	sne.s32 s16, $0x1880  }
.Ltmp4:
0x53: {  	s16 =	sadd.s32 $0x80, s16;
	(pc) =	sbr.rel @p1 .LBB2_5-.Ltmp4, $2  }
0x54: {  	_ =	sdelay $0x2  }
0x55: {  	s15 =	sadd.s32 $0x400, s15;
	s17 =	sadd.s32 s17, s13  }
.Ltmp5:
0x56: {  	_ = 	snop;
	(pc) =	sbr.rel .LBB2_6-.Ltmp5, $1  }
0x57: {  	_ =	sdelay $0x3  }
.LBB2_8:
0x58: {  	_ =	sfence.sel $0x180000  }
0x59: {  	s1 =	simm.s32 $0x2;
	[bflag:$0x0] =	sbarrier.arrive $0xFFFF  }
0x5a: {  	s30 =	simm.s32 $0x3;
	[sflag:s1] =	ssyncpa.u1 $0x1  }
0x5b: {  	s31 =	simm.s32 $0x1;
	[sflag:s30] =	ssyncpa.u1 $0x1  }
0x5c: {  	[sflag:s31] =	ssyncpa.u1 $0x1  }
0x5d: {  	p0 =	sne.s32 s0, $0x0;
	_ =	strace $0x9000004A  }
0x5e: {  	s0 =	sadd.s32 @!p0 $0x100000, s2;
	[bflag:$0x2] =	sbarrier.arrive $0xFFFF  }
0x5f: {  	[sflag:s0] =	ssyncadd.tile.s32 @!p0 $0x1;
	_ =	shalt  }
.Lfunc_end2:
_tile_overlayer_lowered:
.L_overlay_start_2:
0x60: {  	(tag) =	ssettag $0x2  }
0x61: {  	s0 =	rddreg [dreg:$0x0];
	s2 =	stileid.u32  }
0x62: {  	s1 =	rddreg [dreg:$0x1];
	p0 =	sne.s32 s2, $0x0  }
0x63: {  	s3 =	rddreg [dreg:$0x2];
	[bflag:$0x3] =	sbarrier.arrive $0xFFFF;
	s2 =	simm.s32 @!p0 $0x1C01  }
0x64: {  	[timem:s3], [sflag:s2] =	dma.local @!p0 [hbm:s0], s1  }
0x65: {  	s0 =	simm.s32 @!p0 $0x1  }
0x66: {  	_ =	swait.ge @!p0 [sflag:s0], s1  }
0x67: {  	s1 =	ssub.s32 @!p0 $0x0, s1;
	[sflag:s0] =	ssyncset.done @!p0 $0x0  }
0x68: {  	[sflag:s0] =	ssyncadd.s32 @!p0 s1  }
0x69: {  	[bflag:$0x3] =	sbarrier.arrive $0xFFFF  }
0x6a: {  	_ =	shalt  }

// kernel: kernel.11.cloned.1.call-start
scs
__scs_entry_jumppad:
0x0: {  	(pc) =	sbr.rel $0x88, $3  }
0x1: {  	(tag) =	ssettag $0x0;
	lr =	simm.s32 $0x1  }
0x2: {  	[smem:$0x3F98] =	sst lr;
	_ =	strace $0xD0000000  }
0x3: {  	_ = 	snop  }
0x4: {  	_ = 	snop  }
0x5: {  	_ = 	snop  }
0x6: {  	_ = 	snop  }
0x7: {  	_ = 	snop  }
__scs_overlays_trampoline_lowered:
0x8: {  	[smem:$0x3FA7] =	sst s0  }
0x9: {  	[smem:$0x3FA8] =	sst s1  }
0xa: {  	[smem:$0x3FA9] =	sst s2  }
0xb: {  	[smem:$0x3FAA] =	sst s3  }
0xc: {  	[smem:$0x3FAB] =	sst s4  }
0xd: {  	[smem:$0x3FAC] =	sst s5  }
0xe: {  	[smem:$0x3FAD] =	sst s6  }
0xf: {  	[smem:$0x3FAE] =	sst s7  }
0x10: {  	[smem:$0x3FAF] =	sst s8  }
0x11: {  	[smem:$0x3FB0] =	sst s9;
	s0 =	simm.s32 @!p0 $0x0  }
0x12: {  	s1 =	sld [smem:$0x3F96];
	s0 =	simm.s32 @p0 $0x1  }
0x13: {  	[smem:$0x3FB1] =	sst s0;
	s0 =	simm.s32 @!p1 $0x0  }
0x14: {  	s2 =	sld [smem:$0x3F95];
	s0 =	simm.s32 @p1 $0x1  }
0x15: {  	[smem:$0x3FB2] =	sst s0;
	s0 =	simm.s32 @!p2 $0x0  }
0x16: {  	s3 =	sld [smem:$0x3FDB];
	s0 =	simm.s32 @p2 $0x1  }
0x17: {  	s4 =	simm.s32 $0x1BF5;
	[smem:$0x3FB4] =	sst s0  }
0x18: {  	s0 =	sld [smem:$0x3F97];
	_ =	swait.ge [sflag:s4], $0x0  }
0x19: {  	s7 =	sld [smem:$0x3F98]  }
0x1a: {  	s8 =	sadd.s32 $0xFFFFE003, lr  }
0x1b: {  	s9 =	sadd.s32 $0xFFFFFEF7, lr;
	s5 =	simm.s32 $0xFFFFFFFF;
	p2 =	slt.u32 s8, $0xFFFFF086  }
0x1c: {  	p1 =	slt.u32 s9, $0xF7A;
	s5 =	simm.s32 @!p2 $0x0  }
0x1d: {  	s5 =	simm.s32 @p1 $0x1;
	p0 =	seq.s32 s7, s2  }
0x1e: {  	s7 =	smul.u32 @!p0 $0xF7A, s2;
	p2 =	seq.s32 @!p0 s5, $0x0  }
0x1f: {  	s9 =	smul.u32 $0xF7A, s1;
	s8 =	simm.s32 @!p0 $0x1BF5;
	p2 =	por !p2, p0  }
0x20: {  	[sflag:s8] =	ssyncset.s32 @!p0 $0xFFFFF086;
	s6 =	sadd.s32 @!p0 s3, s7;
	s7 =	simm.s32 @!p0 $0x108  }
0x21: {  	s3 =	sadd.s32 s3, s9;
	s6 =	sadd.s32 @!p0 $0x88, s6;
	s7 =	simm.s32 @p2 $0x1082  }
0x22: {  	[simem:s7], [sflag:s8] =	dma.local @!p0 [hbm:s6], $0xF7A  }
0x23: {  	s9 =	sor.u32 $0xD0000000, s2;
	s6 =	simm.s32 $0x108;
	_ =	swait.ge @!p0 [sflag:s8], $0x0  }
0x24: {  	s3 =	sadd.s32 $0x88, s3;
	s6 =	simm.s32 @!p1 $0x1082;
	[sflag:s4] =	ssyncset.s32 $0xFFFFF086  }
0x25: {  	[simem:s6], [sflag:s4] =	dma.local [hbm:s3], $0xF7A  }
0x26: {  	[smem:$0x3F98] =	sst s1;
	(tag) =	ssettag s2;
	_ =	strace s9  }
0x27: {  	s1 =	sld [smem:$0x3FA8]  }
0x28: {  	s2 =	sld [smem:$0x3FA9]  }
0x29: {  	s4 =	sld [smem:$0x3FAB]  }
0x2a: {  	p0 =	seq.s32 s5, $0x0;
	s5 =	sld [smem:$0x3FAC]  }
0x2b: {  	s6 =	sld [smem:$0x3FAD]  }
0x2c: {  	s7 =	sld [smem:$0x3FAE]  }
0x2d: {  	s3 =	simm.s32 $0x108;
	s8 =	sld [smem:$0x3FAF]  }
0x2e: {  	s3 =	simm.s32 @!p0 $0x1082;
	s9 =	sld [smem:$0x3FB0]  }
0x2f: {  	lr =	sadd.s32 s0, s3;
	s0 =	sld [smem:$0x3FA7]  }
0x30: {  	s3 =	sld [smem:$0x3FAA]  }
0x31: {  	[smem:$0x3FB3] =	sst s10  }
0x32: {  	s10 =	sld [smem:$0x3FB1];
	_ =	sdelay $0x3  }
0x33: {  	p0 =	seq.s32 s10, $0x1;
	s10 =	sld [smem:$0x3FB3];
	_ =	sdelay $0x3  }
0x34: {  	[smem:$0x3FB3] =	sst s10  }
0x35: {  	s10 =	sld [smem:$0x3FB2];
	_ =	sdelay $0x3  }
0x36: {  	p1 =	seq.s32 s10, $0x1;
	s10 =	sld [smem:$0x3FB3];
	_ =	sdelay $0x3  }
0x37: {  	[smem:$0x3FB3] =	sst s10  }
0x38: {  	s10 =	sld [smem:$0x3FB4]  }
0x39: {  	_ = 	snop;
	(pc) =	sbr.ind lr, $3  }
0x3a: {  	_ = 	snop  }
0x3b: {  	_ = 	snop  }
0x3c: {  	p2 =	seq.s32 s10, $0x1;
	s10 =	sld [smem:$0x3FB3]  }
0x3d: {  	_ =	shalt  }
0x3e: {  	_ =	shalt  }
0x3f: {  	_ =	shalt  }
0x40: {  	_ =	shalt  }
0x41: {  	_ =	shalt  }
0x42: {  	_ =	shalt  }
0x43: {  	_ =	shalt  }
0x44: {  	_ =	shalt  }
0x45: {  	_ =	shalt  }
0x46: {  	_ =	shalt  }
0x47: {  	_ =	shalt  }
0x48: {  	_ =	shalt  }
0x49: {  	_ =	shalt  }
0x4a: {  	_ =	shalt  }
0x4b: {  	_ =	shalt  }
0x4c: {  	_ =	shalt  }
0x4d: {  	_ =	shalt  }
0x4e: {  	_ =	shalt  }
0x4f: {  	_ =	shalt  }
0x50: {  	_ =	shalt  }
0x51: {  	_ =	shalt  }
0x52: {  	_ =	shalt  }
0x53: {  	_ =	shalt  }
0x54: {  	_ =	shalt  }
0x55: {  	_ =	shalt  }
0x56: {  	_ =	shalt  }
0x57: {  	_ =	shalt  }
0x58: {  	_ =	shalt  }
0x59: {  	_ =	shalt  }
0x5a: {  	_ =	shalt  }
0x5b: {  	_ =	shalt  }
0x5c: {  	_ =	shalt  }
0x5d: {  	_ =	shalt  }
0x5e: {  	_ =	shalt  }
0x5f: {  	_ =	shalt  }
0x60: {  	_ =	shalt  }
0x61: {  	_ =	shalt  }
0x62: {  	_ =	shalt  }
0x63: {  	_ =	shalt  }
0x64: {  	_ =	shalt  }
0x65: {  	_ =	shalt  }
0x66: {  	_ =	shalt  }
0x67: {  	_ =	shalt  }
0x68: {  	_ =	shalt  }
0x69: {  	_ =	shalt  }
0x6a: {  	_ =	shalt  }
0x6b: {  	_ =	shalt  }
0x6c: {  	_ =	shalt  }
0x6d: {  	_ =	shalt  }
0x6e: {  	_ =	shalt  }
0x6f: {  	_ =	shalt  }
0x70: {  	_ =	shalt  }
0x71: {  	_ =	shalt  }
0x72: {  	_ =	shalt  }
0x73: {  	_ =	shalt  }
0x74: {  	_ =	shalt  }
0x75: {  	_ =	shalt  }
0x76: {  	_ =	shalt  }
0x77: {  	_ =	shalt  }
0x78: {  	_ =	shalt  }
0x79: {  	_ =	shalt  }
0x7a: {  	_ =	shalt  }
0x7b: {  	_ =	shalt  }
0x7c: {  	_ =	shalt  }
0x7d: {  	_ =	shalt  }
0x7e: {  	_ =	shalt  }
0x7f: {  	_ =	shalt  }
0x80: {  	_ =	shalt  }
0x81: {  	_ =	shalt  }
0x82: {  	_ =	shalt  }
0x83: {  	_ =	shalt  }
0x84: {  	_ =	shalt  }
0x85: {  	_ =	shalt  }
0x86: {  	_ =	shalt  }
0x87: {  	_ =	shalt  }
.Lfunc_end0:
.L_simem_size_0:
called_computation.1_lowered:
.L_overlay_start_0:
0x88: {  	s2 =	sld [smem:$0x3FD9]  }
0x89: {  	s3 =	sld [smem:$0x3FFE];
	_ =	sdelay $0x1  }
0x8a: {  	s1 =	srdreg.scid  }
0x8b: {  	s0 =	sand.u32 $0x1, s1  }
0x8c: {  	s16 =	sshll.u32 s0, $0xA;
	s2 =	sadd.s32 s3, s2  }
0x8d: {  	s2 =	sadd.s32 s2, s16  }
0x8e: {  	[smem:$0x3FBF] =	sst s2  }
0x8f: {  	_ = 	snop  }
0x90: {  	(tm) =	ssettm $0x1  }
0x91: {  	s17 =	sld [smem:$0x3FFB];
	_ =	sdelay $0x3  }
0x92: {  	_ =	strace s17  }
0x93: {  	s2 =	sld [smem:$0x3FFC];
	_ =	sdelay $0x3  }
0x94: {  	_ =	strace s2  }
0x95: {  	s2 =	sld [smem:$0x3FFD];
	_ =	sdelay $0x3  }
0x96: {  	_ =	strace s2  }
0x97: {  	_ =	strace $0x8FFFFFFF  }
0x98: {  	s18 =	sld [smem:$0x3FDB];
	_ =	sdelay $0x1  }
0x99: {  	s19 =	simm.s32 $_scs_section_size  }
0x9a: {  	s4 =	simm.s32 $_size__tile_overlayer_lowered;
	s5 =	simm.s32 $_tile_overlayer_lowered  }
0x9b: {  	s22 =	simm.s32 $0x1BFF;
	s21 =	sshll.u32 s5, $0x1;
	s2 =	sadd.s32 s19, s18  }
0x9c: {  	s6 =	simm.s32 $0x0;
	s20 =	sshll.u32 s4, $0x1;
	s4 =	sadd.s32 s21, s2  }
0x9d: {  	[timem:s6], [sflag:s22] =	dma.local [hbm:s4], s20  }
0x9e: {  	_ =	swait.ge [sflag:s22], s20  }
0x9f: {  	s3 =	ssub.s32 $0x0, s20;
	[sflag:s22] =	ssyncset.done $0x0  }
0xa0: {  	[sflag:s22] =	ssyncadd.s32 s3;
	_ =	sdelay $0x1  }
0xa1: {  	s23 =	simm.s32 $0x1B8B  }
0xa2: {  	_ =	swait.ge [sflag:s23], $0x1  }
0xa3: {  	[sflag:s23] =	ssyncset.done $0x0  }
0xa4: {  	s25 =	simm.s32 $0x1B8E;
	s24 =	sld [smem:$0x3FFE];
	[sflag:s23] =	ssyncadd.s32 $0xFFFFFFFF  }
0xa5: {  	s26 =	simm.s32 $execute0_lowered;
	[smem:$0x3FD2] =	sst s25  }
0xa6: {  	s4 =	sshll.u32 s26, $0x1;
	_ =	strace $0x80000046;
	[dreg:$0x1] =	wrdreg $0xFFFFFFFF  }
0xa7: {  	s28 =	simm.s32 $_size_execute0_lowered;
	s2 =	sadd.s32 s2, s4;
	[dreg:$0x0] =	wrdreg $0x0  }
0xa8: {  	s4 =	sshll.u32 s28, $0x1;
	[dreg:$0x2] =	wrdreg s2  }
0xa9: {  	[dreg:$0x3] =	wrdreg s4  }
0xaa: {  	[dreg:$0x4] =	wrdreg $0xC0  }
0xab: {  	_ =	task [dreg:s6], $0x5FFFF  }
0xac: {  	[dreg:$0x1] =	wrdreg $0xFFFFFFFF  }
0xad: {  	[dreg:$0x0] =	wrdreg $0x60  }
0xae: {  	[dreg:$0x2] =	wrdreg s24  }
0xaf: {  	[dreg:$0x3] =	wrdreg $0x55000  }
0xb0: {  	[dreg:$0x4] =	wrdreg $0x9  }
0xb1: {  	_ =	task.clear_ibuf [dreg:s6], $0x5FFFF;
	_ =	strace $0x90000046  }
0xb2: {  	s29 =	simm.s32 $0x9;
	_ =	strace $0x80000048  }
0xb3: {  	_ =	swait.ge [sflag:s29], $0x1  }
0xb4: {  	[sflag:s29] =	ssyncadd.s32 $0xFFFFFFFF  }
0xb5: {  	_ =	strace $0x90000048  }
0xb6: {  	_ =	sfence  }
0xb7: {  	s30 =	sld [smem:$0x0];
	_ =	sdelay $0x2  }
0xb8: {  	s31 =	sshll.u32 s1, $0xD;
	s1 =	sshrl.u32 s1, $0x2  }
0xb9: {  	s3 =	sand.u32 $0x4000, s31;
	s1 =	sadd.s32 s1, s30  }
0xba: {  	s0 =	sor.u32 s3, s0;
	s1 =	sshll.u32 s1, $0x11  }
0xbb: {  	s0 =	sor.u32 s1, s0  }
0xbc: {  	s0 =	sadd.s32 $0x8F2B, s0  }
0xbd: {  	[sflag:s0] =	ssyncadd.remote.s32 $0x1  }
0xbe: {  	_ =	sfence.sel $0xFFFF  }
0xbf: {  	[dreg:$0x0] =	wrdreg $0xFFFFFFFF;
	(pc) =	sbr.abs _section_cstart, $3  }
0xc0: {  	[dreg:$0x1] =	wrdreg $0xFFFFFFFF  }
0xc1: {  	_ =	task.clear_ibuf [dreg:s6], $0x2FFFF;
	_ =	strace $0x9FFFFFFF  }
0xc2: {  	(tm) =	ssettm $0x7FFFFFFF  }
0xc3: {  	_ =	shalt  }
tec
execute0_lowered:
.L_overlay_start_1:
0x0: {  	(tag) =	ssettag $0x1  }
0x1: {  	s1 =	srdreg.scid  }
0x2: {  	s1 =	sand.u32 $0x1, s1  }
0x3: {  	p0 =	seq.s32 s1, $0x1  }
.Ltmp0:
0x4: {  	_ = 	snop;
	(pc) =	sbr.rel @p0 .LBB2_4-.Ltmp0, $4  }
0x5: {  	s6 =	rddreg [dreg:$0x0]  }
0x6: {  	s2 =	rddreg [dreg:$0x1];
	s8 =	simm.s32 $0x0  }
0x7: {  	[smem:$0x7FF] =	sst s8  }
0x8: {  	s0 =	rddreg [dreg:$0x2];
	_ =	strace $0x80000047;
	s1 =	stileid.u32  }
0x9: {  	s9 =	smul.u32 $0x1400, s1;
	_ =	sdelay $0x1  }
0xa: {  	s4 =	sshll.u32 s1, $0x6;
	s3 =	sadd.s32 s9, s2  }
0xb: {  	s5 =	sadd.s32 $0xBC00, s6;
	s4 =	sor.u32 $0x1C01, s4;
	s7 =	sshrl.u32 s3, $0x3  }
0xc: {  	[spmem:s7], [sflag:s4] =	dma.local [hbm:s5], $0x280  }
0xd: {  	s5 =	simm.s32 $0x1  }
0xe: {  	_ =	swait.ge [sflag:s5], $0x280  }
0xf: {  	[sflag:s5] =	ssyncset.done $0x0  }
0x10: {  	s10 =	sadd.s32 $0xC000, s6;
	s7 =	simm.s32 $0x5100;
	[sflag:s5] =	ssyncadd.s32 $0xFFFFFD80  }
0x11: {  	[tilespmem:s7], [sflag:$0x1] =	stream.linear.gather [hbm4b:s10+s8], $0x400, $0x38;
	[tilespmem:$0x6900] =	vst v63  }
0x12: {  	s29 =	smul.u32 $0xA20, s1;
	_ =	swait.ge [sflag:s5], $0x400  }
0x13: {  	s11 =	sadd.s32 $0x1A00, s6;
	[sflag:s5] =	ssyncset.done $0x0  }
0x14: {  	s10 =	sadd.s32 s11, s29;
	[sflag:s5] =	ssyncadd.s32 $0xFFFFFC00  }
0x15: {  	[tilespmem:s8], [sflag:$0x1] =	stream.linear.gather [hbm4b:s10+s8], $0x5100, $0x38;
	[tilespmem:$0x6900] =	vst v63  }
0x16: {  	_ =	swait.ge [sflag:s5], $0x5100  }
0x17: {  	[sflag:s5] =	ssyncset.done $0x0  }
0x18: {  	s31 =	simm.s32 $0x0;
	s30 =	sshrl.u32 s9, $0x3;
	[sflag:s5] =	ssyncadd.s32 $0xFFFFAF00  }
0x19: {  	s9 =	simm.s32 $0x80;
	s11 =	simm.s32 $0x200;
	[bflag:$0x0] =	sbarrier.arrive $0xFFFF  }
0x1a: {  	[spmem:s2] =	stream.indirect.scatter.add.f32 [tilespmem:s7], [sflag:$0x1], $0x8, s31, s9, $0xb8;
	[tilespmem:$0x6900] =	vst v63  }
0x1b: {  	s8 =	sadd.s32 s30, s6;
	s6 =	sadd.s32 $0xE780, s6;
	_ =	swait.ge [sflag:s5], $0x400  }
0x1c: {  	s10 =	sadd.s32 $0x12C00, s2;
	s8 =	sadd.s32 $0xC200, s8;
	[sflag:s5] =	ssyncset.done $0x0  }
.LBB2_2:
0x1d: {  	s12 =	sshra.s32 s11, $0x2;
	[sflag:s5] =	ssyncadd.s32 $0xFFFFFC00;
	p0 =	sne.s32 s11, $0x14200  }
0x1e: {  	[spmem:s2] =	stream.indirect.scatter.add.f32 [tilespmem:s7], [sflag:$0x1], $0x8, s12, s9, $0xb8;
	[tilespmem:$0x6900] =	vst v63  }
.Ltmp1:
0x1f: {  	_ = 	snop;
	(pc) =	sbr.rel @p0 .LBB2_2-.Ltmp1, $4  }
0x20: {  	_ = 	snop  }
0x21: {  	s11 =	sadd.s32 $0x200, s11  }
0x22: {  	_ =	swait.ge [sflag:s5], $0x400  }
0x23: {  	[sflag:s5] =	ssyncset.done $0x0  }
0x24: {  	[sflag:s5] =	ssyncadd.s32 $0xFFFFFC00;
	p0 =	seq.s32 s1, $0xF  }
0x25: {  	[bflag:$0x0] =	sbarrier.arrive $0xFFFF;
	s2 =	sshrl.u32 @p0 s10, $0x3  }
0x26: {  	[hbm:s6], [sflag:s4] =	dma.local @p0 [spmem:s2], $0x190  }
0x27: {  	s2 =	simm.s32 @p0 $0x1  }
0x28: {  	_ =	swait.ge @p0 [sflag:s2], $0x190  }
0x29: {  	[sflag:s2] =	ssyncset.done @p0 $0x0  }
0x2a: {  	[sflag:s2] =	ssyncadd.s32 @p0 $0xFFFFFE70;
	s2 =	sshrl.u32 @!p0 s3, $0x3  }
0x2b: {  	[hbm:s8], [sflag:s4] =	dma.local @!p0 [spmem:s2], $0x280  }
0x2c: {  	s2 =	simm.s32 @!p0 $0x1  }
0x2d: {  	_ =	swait.ge @!p0 [sflag:s2], $0x280  }
0x2e: {  	[sflag:s2] =	ssyncset.done @!p0 $0x0  }
0x2f: {  	[sflag:s2] =	ssyncadd.s32 @!p0 $0xFFFFFD80  }
.LBB2_4:
0x30: {  	_ =	sfence.sel $0x180000  }
0x31: {  	[bflag:$0x0] =	sbarrier.arrive $0xFFFF  }
0x32: {  	p0 =	sne.s32 s1, $0x0;
	_ =	strace $0x90000047  }
0x33: {  	s0 =	sadd.s32 @!p0 $0x100000, s0;
	[bflag:$0x2] =	sbarrier.arrive $0xFFFF  }
0x34: {  	[sflag:s0] =	ssyncadd.tile.s32 @!p0 $0x1;
	_ =	shalt  }
.Lfunc_end2:
_tile_overlayer_lowered:
.L_overlay_start_2:
0x35: {  	(tag) =	ssettag $0x2  }
0x36: {  	s0 =	rddreg [dreg:$0x0];
	s2 =	stileid.u32  }
0x37: {  	s1 =	rddreg [dreg:$0x1];
	p0 =	sne.s32 s2, $0x0  }
0x38: {  	s3 =	rddreg [dreg:$0x2];
	[bflag:$0x3] =	sbarrier.arrive $0xFFFF;
	s2 =	simm.s32 @!p0 $0x1C01  }
0x39: {  	[timem:s3], [sflag:s2] =	dma.local @!p0 [hbm:s0], s1  }
0x3a: {  	s0 =	simm.s32 @!p0 $0x1  }
0x3b: {  	_ =	swait.ge @!p0 [sflag:s0], s1  }
0x3c: {  	s1 =	ssub.s32 @!p0 $0x0, s1;
	[sflag:s0] =	ssyncset.done @!p0 $0x0  }
0x3d: {  	[sflag:s0] =	ssyncadd.s32 @!p0 s1  }
0x3e: {  	[bflag:$0x3] =	sbarrier.arrive $0xFFFF  }
0x3f: {  	_ =	shalt  }

// kernel: kernel.14.cloned.1.call-start
scs
__scs_entry_jumppad:
0x0: {  	(pc) =	sbr.rel $0x88, $3  }
0x1: {  	(tag) =	ssettag $0x0;
	lr =	simm.s32 $0x1  }
0x2: {  	[smem:$0x3F98] =	sst lr;
	_ =	strace $0xD0000000  }
0x3: {  	_ = 	snop  }
0x4: {  	_ = 	snop  }
0x5: {  	_ = 	snop  }
0x6: {  	_ = 	snop  }
0x7: {  	_ = 	snop  }
__scs_overlays_trampoline_lowered:
0x8: {  	[smem:$0x3FA7] =	sst s0  }
0x9: {  	[smem:$0x3FA8] =	sst s1  }
0xa: {  	[smem:$0x3FA9] =	sst s2  }
0xb: {  	[smem:$0x3FAA] =	sst s3  }
0xc: {  	[smem:$0x3FAB] =	sst s4  }
0xd: {  	[smem:$0x3FAC] =	sst s5  }
0xe: {  	[smem:$0x3FAD] =	sst s6  }
0xf: {  	[smem:$0x3FAE] =	sst s7  }
0x10: {  	[smem:$0x3FAF] =	sst s8  }
0x11: {  	[smem:$0x3FB0] =	sst s9;
	s0 =	simm.s32 @!p0 $0x0  }
0x12: {  	s1 =	sld [smem:$0x3F96];
	s0 =	simm.s32 @p0 $0x1  }
0x13: {  	[smem:$0x3FB1] =	sst s0;
	s0 =	simm.s32 @!p1 $0x0  }
0x14: {  	s2 =	sld [smem:$0x3F95];
	s0 =	simm.s32 @p1 $0x1  }
0x15: {  	[smem:$0x3FB2] =	sst s0;
	s0 =	simm.s32 @!p2 $0x0  }
0x16: {  	s3 =	sld [smem:$0x3FDB];
	s0 =	simm.s32 @p2 $0x1  }
0x17: {  	s4 =	simm.s32 $0x1BF5;
	[smem:$0x3FB4] =	sst s0  }
0x18: {  	s0 =	sld [smem:$0x3F97];
	_ =	swait.ge [sflag:s4], $0x0  }
0x19: {  	s7 =	sld [smem:$0x3F98]  }
0x1a: {  	s8 =	sadd.s32 $0xFFFFE003, lr  }
0x1b: {  	s9 =	sadd.s32 $0xFFFFFEF7, lr;
	s5 =	simm.s32 $0xFFFFFFFF;
	p2 =	slt.u32 s8, $0xFFFFF086  }
0x1c: {  	p1 =	slt.u32 s9, $0xF7A;
	s5 =	simm.s32 @!p2 $0x0  }
0x1d: {  	s5 =	simm.s32 @p1 $0x1;
	p0 =	seq.s32 s7, s2  }
0x1e: {  	s7 =	smul.u32 @!p0 $0xF7A, s2;
	p2 =	seq.s32 @!p0 s5, $0x0  }
0x1f: {  	s9 =	smul.u32 $0xF7A, s1;
	s8 =	simm.s32 @!p0 $0x1BF5;
	p2 =	por !p2, p0  }
0x20: {  	[sflag:s8] =	ssyncset.s32 @!p0 $0xFFFFF086;
	s6 =	sadd.s32 @!p0 s3, s7;
	s7 =	simm.s32 @!p0 $0x108  }
0x21: {  	s3 =	sadd.s32 s3, s9;
	s6 =	sadd.s32 @!p0 $0x88, s6;
	s7 =	simm.s32 @p2 $0x1082  }
0x22: {  	[simem:s7], [sflag:s8] =	dma.local @!p0 [hbm:s6], $0xF7A  }
0x23: {  	s9 =	sor.u32 $0xD0000000, s2;
	s6 =	simm.s32 $0x108;
	_ =	swait.ge @!p0 [sflag:s8], $0x0  }
0x24: {  	s3 =	sadd.s32 $0x88, s3;
	s6 =	simm.s32 @!p1 $0x1082;
	[sflag:s4] =	ssyncset.s32 $0xFFFFF086  }
0x25: {  	[simem:s6], [sflag:s4] =	dma.local [hbm:s3], $0xF7A  }
0x26: {  	[smem:$0x3F98] =	sst s1;
	(tag) =	ssettag s2;
	_ =	strace s9  }
0x27: {  	s1 =	sld [smem:$0x3FA8]  }
0x28: {  	s2 =	sld [smem:$0x3FA9]  }
0x29: {  	s4 =	sld [smem:$0x3FAB]  }
0x2a: {  	p0 =	seq.s32 s5, $0x0;
	s5 =	sld [smem:$0x3FAC]  }
0x2b: {  	s6 =	sld [smem:$0x3FAD]  }
0x2c: {  	s7 =	sld [smem:$0x3FAE]  }
0x2d: {  	s3 =	simm.s32 $0x108;
	s8 =	sld [smem:$0x3FAF]  }
0x2e: {  	s3 =	simm.s32 @!p0 $0x1082;
	s9 =	sld [smem:$0x3FB0]  }
0x2f: {  	lr =	sadd.s32 s0, s3;
	s0 =	sld [smem:$0x3FA7]  }
0x30: {  	s3 =	sld [smem:$0x3FAA]  }
0x31: {  	[smem:$0x3FB3] =	sst s10  }
0x32: {  	s10 =	sld [smem:$0x3FB1];
	_ =	sdelay $0x3  }
0x33: {  	p0 =	seq.s32 s10, $0x1;
	s10 =	sld [smem:$0x3FB3];
	_ =	sdelay $0x3  }
0x34: {  	[smem:$0x3FB3] =	sst s10  }
0x35: {  	s10 =	sld [smem:$0x3FB2];
	_ =	sdelay $0x3  }
0x36: {  	p1 =	seq.s32 s10, $0x1;
	s10 =	sld [smem:$0x3FB3];
	_ =	sdelay $0x3  }
0x37: {  	[smem:$0x3FB3] =	sst s10  }
0x38: {  	s10 =	sld [smem:$0x3FB4]  }
0x39: {  	_ = 	snop;
	(pc) =	sbr.ind lr, $3  }
0x3a: {  	_ = 	snop  }
0x3b: {  	_ = 	snop  }
0x3c: {  	p2 =	seq.s32 s10, $0x1;
	s10 =	sld [smem:$0x3FB3]  }
0x3d: {  	_ =	shalt  }
0x3e: {  	_ =	shalt  }
0x3f: {  	_ =	shalt  }
0x40: {  	_ =	shalt  }
0x41: {  	_ =	shalt  }
0x42: {  	_ =	shalt  }
0x43: {  	_ =	shalt  }
0x44: {  	_ =	shalt  }
0x45: {  	_ =	shalt  }
0x46: {  	_ =	shalt  }
0x47: {  	_ =	shalt  }
0x48: {  	_ =	shalt  }
0x49: {  	_ =	shalt  }
0x4a: {  	_ =	shalt  }
0x4b: {  	_ =	shalt  }
0x4c: {  	_ =	shalt  }
0x4d: {  	_ =	shalt  }
0x4e: {  	_ =	shalt  }
0x4f: {  	_ =	shalt  }
0x50: {  	_ =	shalt  }
0x51: {  	_ =	shalt  }
0x52: {  	_ =	shalt  }
0x53: {  	_ =	shalt  }
0x54: {  	_ =	shalt  }
0x55: {  	_ =	shalt  }
0x56: {  	_ =	shalt  }
0x57: {  	_ =	shalt  }
0x58: {  	_ =	shalt  }
0x59: {  	_ =	shalt  }
0x5a: {  	_ =	shalt  }
0x5b: {  	_ =	shalt  }
0x5c: {  	_ =	shalt  }
0x5d: {  	_ =	shalt  }
0x5e: {  	_ =	shalt  }
0x5f: {  	_ =	shalt  }
0x60: {  	_ =	shalt  }
0x61: {  	_ =	shalt  }
0x62: {  	_ =	shalt  }
0x63: {  	_ =	shalt  }
0x64: {  	_ =	shalt  }
0x65: {  	_ =	shalt  }
0x66: {  	_ =	shalt  }
0x67: {  	_ =	shalt  }
0x68: {  	_ =	shalt  }
0x69: {  	_ =	shalt  }
0x6a: {  	_ =	shalt  }
0x6b: {  	_ =	shalt  }
0x6c: {  	_ =	shalt  }
0x6d: {  	_ =	shalt  }
0x6e: {  	_ =	shalt  }
0x6f: {  	_ =	shalt  }
0x70: {  	_ =	shalt  }
0x71: {  	_ =	shalt  }
0x72: {  	_ =	shalt  }
0x73: {  	_ =	shalt  }
0x74: {  	_ =	shalt  }
0x75: {  	_ =	shalt  }
0x76: {  	_ =	shalt  }
0x77: {  	_ =	shalt  }
0x78: {  	_ =	shalt  }
0x79: {  	_ =	shalt  }
0x7a: {  	_ =	shalt  }
0x7b: {  	_ =	shalt  }
0x7c: {  	_ =	shalt  }
0x7d: {  	_ =	shalt  }
0x7e: {  	_ =	shalt  }
0x7f: {  	_ =	shalt  }
0x80: {  	_ =	shalt  }
0x81: {  	_ =	shalt  }
0x82: {  	_ =	shalt  }
0x83: {  	_ =	shalt  }
0x84: {  	_ =	shalt  }
0x85: {  	_ =	shalt  }
0x86: {  	_ =	shalt  }
0x87: {  	_ =	shalt  }
.Lfunc_end0:
.L_simem_size_0:
called_computation.2_lowered:
.L_overlay_start_0:
0x88: {  	s2 =	sld [smem:$0x3FD9]  }
0x89: {  	s3 =	sld [smem:$0x3FFE];
	_ =	sdelay $0x1  }
0x8a: {  	s1 =	srdreg.scid  }
0x8b: {  	s0 =	sand.u32 $0x1, s1  }
0x8c: {  	s15 =	sshll.u32 s0, $0xA;
	s2 =	sadd.s32 s3, s2  }
0x8d: {  	s2 =	sadd.s32 s2, s15  }
0x8e: {  	[smem:$0x3FBF] =	sst s2  }
0x8f: {  	_ = 	snop  }
0x90: {  	s2 =	sld [smem:$0x3FD0];
	_ =	sdelay $0x2  }
0x91: {  	s16 =	simm.s32 $0xB;
	s4 =	simm.s32 $0x10  }
0x92: {  	[smem:s4], [sflag:s16] =	dma.local [hbm:s2], $0x1  }
0x93: {  	_ =	swait.eq [sflag:s16], $0x1  }
0x94: {  	[sflag:s16] =	ssyncset.done $0x0  }
0x95: {  	[sflag:s16] =	ssyncadd.s32 $0xFFFFFFFF  }
0x96: {  	s17 =	sld [smem:$0x10];
	(tm) =	ssettm $0x1  }
0x97: {  	s18 =	sld [smem:$0x3FFB];
	_ =	sdelay $0x3  }
0x98: {  	_ =	strace s18  }
0x99: {  	s2 =	sld [smem:$0x3FFC];
	_ =	sdelay $0x3  }
0x9a: {  	_ =	strace s2  }
0x9b: {  	s2 =	sld [smem:$0x3FFD];
	_ =	sdelay $0x3  }
0x9c: {  	_ =	strace s2  }
0x9d: {  	_ =	strace $0x8FFFFFFF  }
0x9e: {  	s19 =	sld [smem:$0x3FDB];
	_ =	sdelay $0x1  }
0x9f: {  	s20 =	simm.s32 $_scs_section_size  }
0xa0: {  	s5 =	simm.s32 $_size__tile_overlayer_lowered;
	s6 =	simm.s32 $_tile_overlayer_lowered  }
0xa1: {  	s7 =	simm.s32 $0x1BFF;
	s21 =	sshll.u32 s6, $0x1;
	s4 =	sadd.s32 s20, s19  }
0xa2: {  	s22 =	simm.s32 $0x0;
	s5 =	sshll.u32 s5, $0x1;
	s6 =	sadd.s32 s21, s4  }
0xa3: {  	[timem:s22], [sflag:s7] =	dma.local [hbm:s6], s5  }
0xa4: {  	_ =	swait.ge [sflag:s7], s5  }
0xa5: {  	s5 =	ssub.s32 $0x0, s5;
	[sflag:s7] =	ssyncset.done $0x0  }
0xa6: {  	[sflag:s7] =	ssyncadd.s32 s5;
	_ =	sdelay $0x1  }
0xa7: {  	s23 =	simm.s32 $0x1B8B  }
0xa8: {  	_ =	swait.ge [sflag:s23], $0x1  }
0xa9: {  	[sflag:s23] =	ssyncset.done $0x0  }
0xaa: {  	[sflag:s23] =	ssyncadd.s32 $0xFFFFFFFF  }
0xab: {  	s5 =	sld [smem:$0x0]  }
0xac: {  	s6 =	sand.u32 $0xFFFFFFFE, s1  }
0xad: {  	p0 =	sne.s32 s1, s6  }
0xae: {  	s6 =	sshll.u32 @p0 s6, $0xE  }
0xaf: {  	s6 =	sadd.s32 @p0 $0x11B8D, s6;
	s7 =	sshll.u32 @p0 s5, $0x11  }
0xb0: {  	s6 =	sor.u32 @p0 s7, s6  }
0xb1: {  	[sflag:s6] =	ssyncadd.remote.s32 @p0 $0x1;
	_ =	sdelay $0x1  }
0xb2: {  	s6 =	simm.s32 @p0 $0x1B8D  }
0xb3: {  	_ =	swait.eq @p0 [sflag:s6], $0x1  }
0xb4: {  	[sflag:s6] =	ssyncadd.s32 @p0 $0xFFFFFFFF  }
0xb5: {  	s7 =	sshll.u32 @!p0 s1, $0xE  }
0xb6: {  	s7 =	sor.u32 @!p0 $0x4000, s7;
	s6 =	simm.s32 @!p0 $0x1B8D  }
0xb7: {  	s5 =	sshll.u32 @!p0 s5, $0x11;
	s7 =	sadd.s32 @!p0 $0x11B8D, s7;
	_ =	swait.eq @!p0 [sflag:s6], $0x1  }
0xb8: {  	s5 =	sor.u32 @!p0 s5, s7;
	[sflag:s6] =	ssyncadd.s32 @!p0 $0xFFFFFFFF  }
0xb9: {  	s25 =	simm.s32 $0x1B8E;
	s24 =	sld [smem:$0x3FFE];
	[sflag:s5] =	ssyncadd.remote.s32 @!p0 $0x1  }
0xba: {  	s26 =	simm.s32 $execute0_lowered;
	[smem:$0x3FD2] =	sst s25  }
0xbb: {  	s6 =	sshll.u32 s26, $0x1;
	_ =	strace $0x8000004F;
	[dreg:$0x1] =	wrdreg $0xFFFFFFFF  }
0xbc: {  	s28 =	simm.s32 $_size_execute0_lowered;
	s4 =	sadd.s32 s4, s6;
	[dreg:$0x0] =	wrdreg $0x0  }
0xbd: {  	s6 =	sshll.u32 s28, $0x1;
	[dreg:$0x2] =	wrdreg s4  }
0xbe: {  	[dreg:$0x3] =	wrdreg s6  }
0xbf: {  	[dreg:$0x4] =	wrdreg $0xC0  }
0xc0: {  	_ =	task [dreg:s22], $0x5FFFF  }
0xc1: {  	[dreg:$0x1] =	wrdreg $0xFFFFFFFF  }
0xc2: {  	[dreg:$0x0] =	wrdreg $0x60  }
0xc3: {  	[dreg:$0x2] =	wrdreg s17  }
0xc4: {  	[dreg:$0x3] =	wrdreg s24  }
0xc5: {  	[dreg:$0x4] =	wrdreg $0xE2000  }
0xc6: {  	[dreg:$0x5] =	wrdreg $0x9  }
0xc7: {  	_ =	task.clear_ibuf [dreg:s22], $0x6FFFF;
	_ =	strace $0x9000004F  }
0xc8: {  	s29 =	simm.s32 $0x9;
	_ =	strace $0x80000051  }
0xc9: {  	_ =	swait.ge [sflag:s29], $0x1  }
0xca: {  	[sflag:s29] =	ssyncadd.s32 $0xFFFFFFFF  }
0xcb: {  	_ =	strace $0x90000051  }
0xcc: {  	_ =	sfence  }
0xcd: {  	s30 =	sld [smem:$0x0];
	_ =	sdelay $0x2  }
0xce: {  	s31 =	sshll.u32 s1, $0xD;
	s1 =	sshrl.u32 s1, $0x2  }
0xcf: {  	s4 =	sand.u32 $0x4000, s31;
	s1 =	sadd.s32 s1, s30  }
0xd0: {  	s0 =	sor.u32 s4, s0;
	s1 =	sshll.u32 s1, $0x11  }
0xd1: {  	s0 =	sor.u32 s1, s0  }
0xd2: {  	s0 =	sadd.s32 $0x8F2B, s0  }
0xd3: {  	[sflag:s0] =	ssyncadd.remote.s32 $0x1  }
0xd4: {  	_ =	sfence.sel $0xFFFF  }
0xd5: {  	[dreg:$0x0] =	wrdreg $0xFFFFFFFF;
	(pc) =	sbr.abs _section_cstart, $3  }
0xd6: {  	[dreg:$0x1] =	wrdreg $0xFFFFFFFF  }
0xd7: {  	_ =	task.clear_ibuf [dreg:s22], $0x2FFFF;
	_ =	strace $0x9FFFFFFF  }
0xd8: {  	(tm) =	ssettm $0x7FFFFFFF  }
0xd9: {  	_ =	shalt  }
tec
execute0_lowered:
.L_overlay_start_1:
0x0: {  	(tag) =	ssettag $0x1  }
0x1: {  	s0 =	rddreg [dreg:$0x0]  }
0x2: {  	s14 =	rddreg [dreg:$0x1]  }
0x3: {  	s3 =	rddreg [dreg:$0x2]  }
0x4: {  	s4 =	simm.s32 $0x0;
	s1 =	stileid.u32;
	s6 =	srdreg.scid  }
0x5: {  	s19 =	simm.s32 $0x3;
	s20 =	simm.s32 $0x5100;
	s21 =	simm.s32 $0x80  }
0x6: {  	s22 =	simm.s32 $0xA200;
	s24 =	simm.s32 $0x1;
	s25 =	simm.s32 $0x2  }
0x7: {  	s26 =	simm.s32 $0xA100;
	s28 =	simm.s32 $0xA180;
	s29 =	simm.s32 $0x0  }
0x8: {  	[smem:$0x7FF] =	sst s4;
	s17 =	smul.u32 $0xA20, s1;
	s5 =	sadd.s32 $0xBF800, s14  }
0x9: {  	s7 =	smul.u32 $0xA000, s1;
	s15 =	sadd.s32 $0x8E200, s14;
	s18 =	sadd.s32 $0x5CE00, s14  }
0xa: {  	s23 =	sand.u32 $0x1, s6;
	s6 =	sadd.s32 $0xBC00, s14;
	s31 =	sshll.u32 s1, $0x6  }
0xb: {  	s11 =	sadd.s32 $0xE5E00, s14;
	s12 =	sadd.s32 $0x96000, s3;
	_ =	strace $0x80000050  }
0xc: {  	s10 =	ssub.s32 $0x2, s23;
	p0 =	seq.s32 s23, $0x0;
	p4 =	sne.s32 s23, $0x0  }
0xd: {  	s23 =	simm.s32 $0xC200;
	s9 =	sadd.s32 s17, s14;
	s8 =	sshrl.u32 s7, $0x3  }
0xe: {  	s30 =	sshrl.u32 s10, $0x1;
	s7 =	sadd.s32 s7, s3;
	s18 =	smov.u32 @p0 s15  }
0xf: {  	s15 =	smov.u32 s5;
	p2 =	seq.s32 @p4 s1, $0xF;
	p5 =	seq.s32 @!p4 s1, $0xF  }
0x10: {  	s13 =	sadd.s32 s8, s14;
	s16 =	ssub.s32 s10, s30;
	s8 =	sor.u32 $0x1C03, s31  }
0x11: {  	s9 =	sadd.s32 $0x1A00, s9;
	s14 =	sadd.s32 $0xF9800, s14;
	s17 =	sadd.s32 s18, s17  }
0x12: {  	s15 =	smov.u32 @p0 s0;
	s18 =	sshrl.u32 s7, $0x3;
	p1 =	por !p2, !p4  }
0x13: {  	p2 =	por p2, !p4;
	p3 =	por !p5, p4;
	p4 =	por p5, p4  }
0x14: {  	s10 =	sadd.s32 $0xD3200, s13;
	s13 =	sadd.s32 $0xE6C00, s13;
	s16 =	smax.u32 s16, $0x1  }
.LBB2_1:
0x15: {  	[spmem:s18], [sflag:s8] =	dma.local [hbm:s6], $0x1400  }
0x16: {  	_ =	swait.ge [sflag:s19], $0x1400  }
0x17: {  	[sflag:s19] =	ssyncset.done $0x0  }
0x18: {  	[sflag:s19] =	ssyncadd.s32 $0xFFFFEC00  }
0x19: {  	[tilespmem:s20], [sflag:$0x3] =	stream.linear.gather [hbm4b:s9+s4], $0x5100, $0x38;
	[tilespmem:$0x18200] =	vst v63  }
0x1a: {  	_ =	swait.ge [sflag:s19], $0x5100  }
0x1b: {  	[sflag:s19] =	ssyncset.done $0x0  }
0x1c: {  	[sflag:s19] =	ssyncadd.s32 $0xFFFFAF00  }
0x1d: {  	[tilespmem:s4], [sflag:$0x3] =	stream.linear.gather [hbm4b:s17+s4], $0x5100, $0x38;
	[tilespmem:$0x18200] =	vst v63  }
0x1e: {  	_ =	swait.ge [sflag:s19], $0x5100  }
0x1f: {  	[sflag:s19] =	ssyncset.done $0x0  }
0x20: {  	[sflag:s19] =	ssyncadd.s32 $0xFFFFAF00  }
0x21: {  	[bflag:$0x0] =	sbarrier.arrive $0xFFFF  }
0x22: {  	[tilespmem:s22], [sflag:$0x1] =	stream.indirect.gather [hbm4b:s15+s21], $0x40, s4, s21, $0xb8;
	[tilespmem:$0x18200] =	vst v63  }
0x23: {  	s30 =	simm.s32 $0x80  }
0x24: {  	[tilespmem:s23], [sflag:$0x2] =	stream.indirect.gather [hbm4b:s15+s21], $0x40, s30, s21, $0xb8;
	[tilespmem:$0x18200] =	vst v63  }
0x25: {  	_ =	swait.ge [sflag:s24], $0x2000  }
0x26: {  	[sflag:s24] =	ssyncset.done $0x0  }
0x27: {  	s30 =	simm.s32 $0x5100;
	[sflag:s24] =	ssyncadd.s32 $0xFFFFE000  }
0x28: {  	[spmem:s3] =	stream.indirect.scatter.add.f32 [tilespmem:s22], [sflag:$0x3], $0x40, s30, s21, $0xb8;
	[tilespmem:$0x18200] =	vst v63  }
0x29: {  	_ =	swait.ge [sflag:s19], $0x2000  }
0x2a: {  	[sflag:s19] =	ssyncset.done $0x0  }
0x2b: {  	s30 =	simm.s32 $0x100;
	[sflag:s19] =	ssyncadd.s32 $0xFFFFE000  }
0x2c: {  	[tilespmem:s22], [sflag:$0x1] =	stream.indirect.gather [hbm4b:s15+s21], $0x40, s30, s21, $0xb8;
	[tilespmem:$0x18200] =	vst v63  }
0x2d: {  	_ =	swait.ge [sflag:s25], $0x2000  }
0x2e: {  	[sflag:s25] =	ssyncset.done $0x0  }
0x2f: {  	s30 =	simm.s32 $0x5180;
	[sflag:s25] =	ssyncadd.s32 $0xFFFFE000  }
0x30: {  	[spmem:s3] =	stream.indirect.scatter.add.f32 [tilespmem:s23], [sflag:$0x3], $0x40, s30, s21, $0xb8;
	[tilespmem:$0x18200] =	vst v63  }
0x31: {  	_ =	swait.ge [sflag:s19], $0x2000  }
0x32: {  	s31 =	simm.s32 $0x800;
	s30 =	simm.s32 $0x100;
	[sflag:s19] =	ssyncset.done $0x0  }
.LBB2_2:
0x33: {  	s0 =	sadd.s32 $0x80, s30  }
0x34: {  	[sflag:s19] =	ssyncadd.s32 $0xFFFFE000;
	s2 =	smov.u32 s31;
	s1 =	sadd.s32 $0x400, s31  }
0x35: {  	[tilespmem:s23], [sflag:$0x2] =	stream.indirect.gather [hbm4b:s15+s21], $0x40, s0, s21, $0xb8;
	[tilespmem:$0x18200] =	vst v63  }
0x36: {  	p5 =	sne.s32 s31, $0x13C00;
	_ =	swait.ge [sflag:s24], $0x2000  }
0x37: {  	[sflag:s24] =	ssyncset.done $0x0  }
0x38: {  	s0 =	sadd.s32 $0x5100, s30;
	[sflag:s24] =	ssyncadd.s32 $0xFFFFE000  }
0x39: {  	[spmem:s3] =	stream.indirect.scatter.add.f32 [tilespmem:s22], [sflag:$0x3], $0x40, s0, s21, $0xb8;
	[tilespmem:$0x18200] =	vst v63  }
0x3a: {  	_ =	swait.ge [sflag:s19], $0x2000  }
0x3b: {  	[sflag:s19] =	ssyncset.done $0x0  }
0x3c: {  	s0 =	sadd.s32 $0x100, s30;
	[sflag:s19] =	ssyncadd.s32 $0xFFFFE000  }
0x3d: {  	[tilespmem:s22], [sflag:$0x1] =	stream.indirect.gather [hbm4b:s15+s21], $0x40, s0, s21, $0xb8;
	[tilespmem:$0x18200] =	vst v63  }
0x3e: {  	_ =	swait.ge [sflag:s25], $0x2000  }
.Ltmp0:
0x3f: {  	[sflag:s25] =	ssyncset.done $0x0;
	(pc) =	sbr.rel @p5 .LBB2_2-.Ltmp0, $4  }
0x40: {  	s0 =	sadd.s32 $0x5180, s30;
	[sflag:s25] =	ssyncadd.s32 $0xFFFFE000  }
0x41: {  	[spmem:s3] =	stream.indirect.scatter.add.f32 [tilespmem:s23], [sflag:$0x3], $0x40, s0, s21, $0xb8;
	[tilespmem:$0x18200] =	vst v63  }
0x42: {  	_ =	swait.ge [sflag:s19], $0x2000  }
0x43: {  	s31 =	smov.u32 s1;
	s30 =	sshra.s32 s2, $0x2;
	[sflag:s19] =	ssyncset.done $0x0  }
0x44: {  	s0 =	sadd.s32 $0x80, s30;
	[sflag:s19] =	ssyncadd.s32 $0xFFFFE000  }
0x45: {  	[tilespmem:s23], [sflag:$0x2] =	stream.indirect.gather [hbm4b:s15+s21], $0x40, s0, s21, $0xb8;
	[tilespmem:$0x18200] =	vst v63  }
0x46: {  	_ =	swait.ge [sflag:s24], $0x2000  }
0x47: {  	[sflag:s24] =	ssyncset.done $0x0  }
0x48: {  	s1 =	sadd.s32 $0x5100, s30;
	[sflag:s24] =	ssyncadd.s32 $0xFFFFE000  }
0x49: {  	[spmem:s3] =	stream.indirect.scatter.add.f32 [tilespmem:s22], [sflag:$0x3], $0x40, s1, s21, $0xb8;
	[tilespmem:$0x18200] =	vst v63  }
0x4a: {  	_ =	swait.ge [sflag:s19], $0x2000  }
0x4b: {  	[sflag:s19] =	ssyncset.done $0x0  }
0x4c: {  	s2 =	sadd.s32 $0x100, s30;
	[sflag:s19] =	ssyncadd.s32 $0xFFFFE000  }
0x4d: {  	[tilespmem:s22], [sflag:$0x1] =	stream.indirect.gather [hbm4b:s15+s21], $0x40, s2, s21, $0xb8;
	[tilespmem:$0x18200] =	vst v63  }
0x4e: {  	_ =	swait.ge [sflag:s25], $0x2000  }
0x4f: {  	[sflag:s25] =	ssyncset.done $0x0  }
0x50: {  	s31 =	sadd.s32 $0x5180, s30;
	[sflag:s25] =	ssyncadd.s32 $0xFFFFE000  }
0x51: {  	[spmem:s3] =	stream.indirect.scatter.add.f32 [tilespmem:s23], [sflag:$0x3], $0x40, s31, s21, $0xb8;
	[tilespmem:$0x18200] =	vst v63  }
0x52: {  	_ =	swait.ge [sflag:s19], $0x2000  }
0x53: {  	[sflag:s19] =	ssyncset.done $0x0  }
0x54: {  	s0 =	simm.s32 @p0 $0x80;
	[sflag:s19] =	ssyncadd.s32 $0xFFFFE000  }
0x55: {  	s1 =	simm.s32 @p0 $0x5080;
	s2 =	simm.s32 @p0 $0xC200;
	s30 =	rddreg [dreg:$0x0]  }
0x56: {  	[tilespmem:s2], [sflag:$0x2] =	stream.indirect.gather @p0 [hbm4b:s30+s0], $0x40, s1, s0, $0xb8;
	[tilespmem:$0x18200] =	vst v63  }
0x57: {  	s0 =	simm.s32 @!p0 $0x80;
	s1 =	simm.s32 @!p0 $0x5080;
	s2 =	simm.s32 @!p0 $0xC200  }
0x58: {  	[tilespmem:s2], [sflag:$0x2] =	stream.indirect.gather @!p0 [hbm4b:s5+s0], $0x40, s1, s0, $0xb8;
	[tilespmem:$0x18200] =	vst v63  }
0x59: {  	_ =	swait.ge [sflag:s24], $0x2000  }
0x5a: {  	[sflag:s24] =	ssyncset.done $0x0  }
0x5b: {  	[sflag:s24] =	ssyncadd.s32 $0xFFFFE000  }
0x5c: {  	[spmem:s3] =	stream.indirect.scatter.add.f32 [tilespmem:s22], [sflag:$0x3], $0x40, s26, s21, $0xb8;
	[tilespmem:$0x18200] =	vst v63  }
0x5d: {  	_ =	swait.ge [sflag:s19], $0x2000  }
0x5e: {  	[sflag:s19] =	ssyncset.done $0x0  }
0x5f: {  	[sflag:s19] =	ssyncadd.s32 $0xFFFFE000  }
0x60: {  	_ =	swait.ge [sflag:s25], $0x2000  }
0x61: {  	[sflag:s25] =	ssyncset.done $0x0  }
0x62: {  	[sflag:s25] =	ssyncadd.s32 $0xFFFFE000  }
0x63: {  	[spmem:s3] =	stream.indirect.scatter.add.f32 [tilespmem:s23], [sflag:$0x3], $0x40, s28, s21, $0xb8;
	[tilespmem:$0x18200] =	vst v63  }
0x64: {  	_ =	swait.ge [sflag:s19], $0x2000  }
0x65: {  	[sflag:s19] =	ssyncset.done $0x0  }
0x66: {  	[sflag:s19] =	ssyncadd.s32 $0xFFFFE000  }
0x67: {  	s0 =	sshrl.u32 @!p1 s12, $0x3;
	[bflag:$0x0] =	sbarrier.arrive $0xFFFF  }
0x68: {  	[hbm:s11], [sflag:s8] =	dma.local @!p1 [spmem:s0], $0xC80  }
0x69: {  	s0 =	simm.s32 @!p1 $0x3  }
0x6a: {  	_ =	swait.ge @!p1 [sflag:s0], $0xC80  }
0x6b: {  	[sflag:s0] =	ssyncset.done @!p1 $0x0  }
0x6c: {  	[sflag:s0] =	ssyncadd.s32 @!p1 $0xFFFFF380;
	s0 =	sshrl.u32 @!p2 s7, $0x3  }
0x6d: {  	[hbm:s10], [sflag:s8] =	dma.local @!p2 [spmem:s0], $0x1400  }
0x6e: {  	s0 =	simm.s32 @!p2 $0x3  }
0x6f: {  	_ =	swait.ge @!p2 [sflag:s0], $0x1400  }
0x70: {  	[sflag:s0] =	ssyncset.done @!p2 $0x0  }
0x71: {  	[sflag:s0] =	ssyncadd.s32 @!p2 $0xFFFFEC00;
	s0 =	sshrl.u32 @!p3 s12, $0x3  }
0x72: {  	[hbm:s14], [sflag:s8] =	dma.local @!p3 [spmem:s0], $0xC80  }
0x73: {  	s0 =	simm.s32 @!p3 $0x3  }
0x74: {  	_ =	swait.ge @!p3 [sflag:s0], $0xC80  }
0x75: {  	s29 =	sadd.s32 $0x1, s29;
	[sflag:s0] =	ssyncset.done @!p3 $0x0  }
0x76: {  	p5 =	sne.s32 s29, s16;
	[sflag:s0] =	ssyncadd.s32 @!p3 $0xFFFFF380;
	s0 =	sshrl.u32 @!p4 s7, $0x3  }
0x77: {  	[hbm:s13], [sflag:s8] =	dma.local @!p4 [spmem:s0], $0x1400  }
.Ltmp1:
0x78: {  	_ = 	snop;
	(pc) =	sbr.rel @p5 .LBB2_1-.Ltmp1, $4  }
0x79: {  	s0 =	simm.s32 @!p4 $0x3  }
0x7a: {  	_ =	swait.ge @!p4 [sflag:s0], $0x1400  }
0x7b: {  	[sflag:s0] =	ssyncset.done @!p4 $0x0  }
0x7c: {  	[sflag:s0] =	ssyncadd.s32 @!p4 $0xFFFFEC00  }
0x7d: {  	_ =	sfence.sel $0x180000  }
0x7e: {  	[bflag:$0x0] =	sbarrier.arrive $0xFFFF  }
0x7f: {  	_ =	strace $0x90000050  }
0x80: {  	s0 =	stileid.u32;
	[bflag:$0x2] =	sbarrier.arrive $0xFFFF  }
0x81: {  	p0 =	sne.s32 s0, $0x0;
	s0 =	rddreg [dreg:$0x3]  }
0x82: {  	s0 =	sadd.s32 @!p0 $0x100000, s0  }
0x83: {  	[sflag:s0] =	ssyncadd.tile.s32 @!p0 $0x1;
	_ =	shalt  }
.Lfunc_end2:
_tile_overlayer_lowered:
.L_overlay_start_2:
0x84: {  	(tag) =	ssettag $0x2  }
0x85: {  	s0 =	rddreg [dreg:$0x0];
	s2 =	stileid.u32  }
0x86: {  	s1 =	rddreg [dreg:$0x1];
	p0 =	sne.s32 s2, $0x0  }
0x87: {  	s3 =	rddreg [dreg:$0x2];
	[bflag:$0x3] =	sbarrier.arrive $0xFFFF;
	s2 =	simm.s32 @!p0 $0x1C03  }
0x88: {  	[timem:s3], [sflag:s2] =	dma.local @!p0 [hbm:s0], s1  }
0x89: {  	s0 =	simm.s32 @!p0 $0x3  }
0x8a: {  	_ =	swait.ge @!p0 [sflag:s0], s1  }
0x8b: {  	s1 =	ssub.s32 @!p0 $0x0, s1;
	[sflag:s0] =	ssyncset.done @!p0 $0x0  }
0x8c: {  	[sflag:s0] =	ssyncadd.s32 @!p0 s1  }
0x8d: {  	[bflag:$0x3] =	sbarrier.arrive $0xFFFF  }
0x8e: {  	_ =	shalt  }

// kernel: kernel.17.cloned.1.call-start
scs
__scs_entry_jumppad:
0x0: {  	(pc) =	sbr.rel $0x88, $3  }
0x1: {  	(tag) =	ssettag $0x0;
	lr =	simm.s32 $0x1  }
0x2: {  	[smem:$0x3F98] =	sst lr;
	_ =	strace $0xD0000000  }
0x3: {  	_ = 	snop  }
0x4: {  	_ = 	snop  }
0x5: {  	_ = 	snop  }
0x6: {  	_ = 	snop  }
0x7: {  	_ = 	snop  }
__scs_overlays_trampoline_lowered:
0x8: {  	[smem:$0x3FA7] =	sst s0  }
0x9: {  	[smem:$0x3FA8] =	sst s1  }
0xa: {  	[smem:$0x3FA9] =	sst s2  }
0xb: {  	[smem:$0x3FAA] =	sst s3  }
0xc: {  	[smem:$0x3FAB] =	sst s4  }
0xd: {  	[smem:$0x3FAC] =	sst s5  }
0xe: {  	[smem:$0x3FAD] =	sst s6  }
0xf: {  	[smem:$0x3FAE] =	sst s7  }
0x10: {  	[smem:$0x3FAF] =	sst s8  }
0x11: {  	[smem:$0x3FB0] =	sst s9;
	s0 =	simm.s32 @!p0 $0x0  }
0x12: {  	s1 =	sld [smem:$0x3F96];
	s0 =	simm.s32 @p0 $0x1  }
0x13: {  	[smem:$0x3FB1] =	sst s0;
	s0 =	simm.s32 @!p1 $0x0  }
0x14: {  	s2 =	sld [smem:$0x3F95];
	s0 =	simm.s32 @p1 $0x1  }
0x15: {  	[smem:$0x3FB2] =	sst s0;
	s0 =	simm.s32 @!p2 $0x0  }
0x16: {  	s3 =	sld [smem:$0x3FDB];
	s0 =	simm.s32 @p2 $0x1  }
0x17: {  	s4 =	simm.s32 $0x1BF5;
	[smem:$0x3FB4] =	sst s0  }
0x18: {  	s0 =	sld [smem:$0x3F97];
	_ =	swait.ge [sflag:s4], $0x0  }
0x19: {  	s7 =	sld [smem:$0x3F98]  }
0x1a: {  	s8 =	sadd.s32 $0xFFFFE003, lr  }
0x1b: {  	s9 =	sadd.s32 $0xFFFFFEF7, lr;
	s5 =	simm.s32 $0xFFFFFFFF;
	p2 =	slt.u32 s8, $0xFFFFF086  }
0x1c: {  	p1 =	slt.u32 s9, $0xF7A;
	s5 =	simm.s32 @!p2 $0x0  }
0x1d: {  	s5 =	simm.s32 @p1 $0x1;
	p0 =	seq.s32 s7, s2  }
0x1e: {  	s7 =	smul.u32 @!p0 $0xF7A, s2;
	p2 =	seq.s32 @!p0 s5, $0x0  }
0x1f: {  	s9 =	smul.u32 $0xF7A, s1;
	s8 =	simm.s32 @!p0 $0x1BF5;
	p2 =	por !p2, p0  }
0x20: {  	[sflag:s8] =	ssyncset.s32 @!p0 $0xFFFFF086;
	s6 =	sadd.s32 @!p0 s3, s7;
	s7 =	simm.s32 @!p0 $0x108  }
0x21: {  	s3 =	sadd.s32 s3, s9;
	s6 =	sadd.s32 @!p0 $0x88, s6;
	s7 =	simm.s32 @p2 $0x1082  }
0x22: {  	[simem:s7], [sflag:s8] =	dma.local @!p0 [hbm:s6], $0xF7A  }
0x23: {  	s9 =	sor.u32 $0xD0000000, s2;
	s6 =	simm.s32 $0x108;
	_ =	swait.ge @!p0 [sflag:s8], $0x0  }
0x24: {  	s3 =	sadd.s32 $0x88, s3;
	s6 =	simm.s32 @!p1 $0x1082;
	[sflag:s4] =	ssyncset.s32 $0xFFFFF086  }
0x25: {  	[simem:s6], [sflag:s4] =	dma.local [hbm:s3], $0xF7A  }
0x26: {  	[smem:$0x3F98] =	sst s1;
	(tag) =	ssettag s2;
	_ =	strace s9  }
0x27: {  	s1 =	sld [smem:$0x3FA8]  }
0x28: {  	s2 =	sld [smem:$0x3FA9]  }
0x29: {  	s4 =	sld [smem:$0x3FAB]  }
0x2a: {  	p0 =	seq.s32 s5, $0x0;
	s5 =	sld [smem:$0x3FAC]  }
0x2b: {  	s6 =	sld [smem:$0x3FAD]  }
0x2c: {  	s7 =	sld [smem:$0x3FAE]  }
0x2d: {  	s3 =	simm.s32 $0x108;
	s8 =	sld [smem:$0x3FAF]  }
0x2e: {  	s3 =	simm.s32 @!p0 $0x1082;
	s9 =	sld [smem:$0x3FB0]  }
0x2f: {  	lr =	sadd.s32 s0, s3;
	s0 =	sld [smem:$0x3FA7]  }
0x30: {  	s3 =	sld [smem:$0x3FAA]  }
0x31: {  	[smem:$0x3FB3] =	sst s10  }
0x32: {  	s10 =	sld [smem:$0x3FB1];
	_ =	sdelay $0x3  }
0x33: {  	p0 =	seq.s32 s10, $0x1;
	s10 =	sld [smem:$0x3FB3];
	_ =	sdelay $0x3  }
0x34: {  	[smem:$0x3FB3] =	sst s10  }
0x35: {  	s10 =	sld [smem:$0x3FB2];
	_ =	sdelay $0x3  }
0x36: {  	p1 =	seq.s32 s10, $0x1;
	s10 =	sld [smem:$0x3FB3];
	_ =	sdelay $0x3  }
0x37: {  	[smem:$0x3FB3] =	sst s10  }
0x38: {  	s10 =	sld [smem:$0x3FB4]  }
0x39: {  	_ = 	snop;
	(pc) =	sbr.ind lr, $3  }
0x3a: {  	_ = 	snop  }
0x3b: {  	_ = 	snop  }
0x3c: {  	p2 =	seq.s32 s10, $0x1;
	s10 =	sld [smem:$0x3FB3]  }
0x3d: {  	_ =	shalt  }
0x3e: {  	_ =	shalt  }
0x3f: {  	_ =	shalt  }
0x40: {  	_ =	shalt  }
0x41: {  	_ =	shalt  }
0x42: {  	_ =	shalt  }
0x43: {  	_ =	shalt  }
0x44: {  	_ =	shalt  }
0x45: {  	_ =	shalt  }
0x46: {  	_ =	shalt  }
0x47: {  	_ =	shalt  }
0x48: {  	_ =	shalt  }
0x49: {  	_ =	shalt  }
0x4a: {  	_ =	shalt  }
0x4b: {  	_ =	shalt  }
0x4c: {  	_ =	shalt  }
0x4d: {  	_ =	shalt  }
0x4e: {  	_ =	shalt  }
0x4f: {  	_ =	shalt  }
0x50: {  	_ =	shalt  }
0x51: {  	_ =	shalt  }
0x52: {  	_ =	shalt  }
0x53: {  	_ =	shalt  }
0x54: {  	_ =	shalt  }
0x55: {  	_ =	shalt  }
0x56: {  	_ =	shalt  }
0x57: {  	_ =	shalt  }
0x58: {  	_ =	shalt  }
0x59: {  	_ =	shalt  }
0x5a: {  	_ =	shalt  }
0x5b: {  	_ =	shalt  }
0x5c: {  	_ =	shalt  }
0x5d: {  	_ =	shalt  }
0x5e: {  	_ =	shalt  }
0x5f: {  	_ =	shalt  }
0x60: {  	_ =	shalt  }
0x61: {  	_ =	shalt  }
0x62: {  	_ =	shalt  }
0x63: {  	_ =	shalt  }
0x64: {  	_ =	shalt  }
0x65: {  	_ =	shalt  }
0x66: {  	_ =	shalt  }
0x67: {  	_ =	shalt  }
0x68: {  	_ =	shalt  }
0x69: {  	_ =	shalt  }
0x6a: {  	_ =	shalt  }
0x6b: {  	_ =	shalt  }
0x6c: {  	_ =	shalt  }
0x6d: {  	_ =	shalt  }
0x6e: {  	_ =	shalt  }
0x6f: {  	_ =	shalt  }
0x70: {  	_ =	shalt  }
0x71: {  	_ =	shalt  }
0x72: {  	_ =	shalt  }
0x73: {  	_ =	shalt  }
0x74: {  	_ =	shalt  }
0x75: {  	_ =	shalt  }
0x76: {  	_ =	shalt  }
0x77: {  	_ =	shalt  }
0x78: {  	_ =	shalt  }
0x79: {  	_ =	shalt  }
0x7a: {  	_ =	shalt  }
0x7b: {  	_ =	shalt  }
0x7c: {  	_ =	shalt  }
0x7d: {  	_ =	shalt  }
0x7e: {  	_ =	shalt  }
0x7f: {  	_ =	shalt  }
0x80: {  	_ =	shalt  }
0x81: {  	_ =	shalt  }
0x82: {  	_ =	shalt  }
0x83: {  	_ =	shalt  }
0x84: {  	_ =	shalt  }
0x85: {  	_ =	shalt  }
0x86: {  	_ =	shalt  }
0x87: {  	_ =	shalt  }
.Lfunc_end0:
.L_simem_size_0:
called_computation.3_lowered:
.L_overlay_start_0:
0x88: {  	s2 =	sld [smem:$0x3FD9]  }
0x89: {  	s3 =	sld [smem:$0x3FFE];
	_ =	sdelay $0x1  }
0x8a: {  	s1 =	srdreg.scid  }
0x8b: {  	s0 =	sand.u32 $0x1, s1  }
0x8c: {  	s16 =	sshll.u32 s0, $0xA;
	s2 =	sadd.s32 s3, s2  }
0x8d: {  	s2 =	sadd.s32 s2, s16  }
0x8e: {  	[smem:$0x3FBF] =	sst s2  }
0x8f: {  	_ = 	snop  }
0x90: {  	(tm) =	ssettm $0x1  }
0x91: {  	s17 =	sld [smem:$0x3FFB];
	_ =	sdelay $0x3  }
0x92: {  	_ =	strace s17  }
0x93: {  	s2 =	sld [smem:$0x3FFC];
	_ =	sdelay $0x3  }
0x94: {  	_ =	strace s2  }
0x95: {  	s2 =	sld [smem:$0x3FFD];
	_ =	sdelay $0x3  }
0x96: {  	_ =	strace s2  }
0x97: {  	_ =	strace $0x8FFFFFFF  }
0x98: {  	s18 =	sld [smem:$0x3FDB];
	_ =	sdelay $0x1  }
0x99: {  	s19 =	simm.s32 $_scs_section_size  }
0x9a: {  	s4 =	simm.s32 $_size__tile_overlayer_lowered;
	s5 =	simm.s32 $_tile_overlayer_lowered  }
0x9b: {  	s22 =	simm.s32 $0x1BFF;
	s21 =	sshll.u32 s5, $0x1;
	s2 =	sadd.s32 s19, s18  }
0x9c: {  	s6 =	simm.s32 $0x0;
	s20 =	sshll.u32 s4, $0x1;
	s4 =	sadd.s32 s21, s2  }
0x9d: {  	[timem:s6], [sflag:s22] =	dma.local [hbm:s4], s20  }
0x9e: {  	_ =	swait.ge [sflag:s22], s20  }
0x9f: {  	s3 =	ssub.s32 $0x0, s20;
	[sflag:s22] =	ssyncset.done $0x0  }
0xa0: {  	[sflag:s22] =	ssyncadd.s32 s3;
	_ =	sdelay $0x1  }
0xa1: {  	s23 =	simm.s32 $0x1B8B  }
0xa2: {  	_ =	swait.ge [sflag:s23], $0x1  }
0xa3: {  	[sflag:s23] =	ssyncset.done $0x0  }
0xa4: {  	s25 =	simm.s32 $0x1B8E;
	s24 =	sld [smem:$0x3FFE];
	[sflag:s23] =	ssyncadd.s32 $0xFFFFFFFF  }
0xa5: {  	s26 =	simm.s32 $execute0_lowered;
	[smem:$0x3FD2] =	sst s25  }
0xa6: {  	s4 =	sshll.u32 s26, $0x1;
	_ =	strace $0x8000004C;
	[dreg:$0x1] =	wrdreg $0xFFFFFFFF  }
0xa7: {  	s28 =	simm.s32 $_size_execute0_lowered;
	s2 =	sadd.s32 s2, s4;
	[dreg:$0x0] =	wrdreg $0x0  }
0xa8: {  	s4 =	sshll.u32 s28, $0x1;
	[dreg:$0x2] =	wrdreg s2  }
0xa9: {  	[dreg:$0x3] =	wrdreg s4  }
0xaa: {  	[dreg:$0x4] =	wrdreg $0xC0  }
0xab: {  	_ =	task [dreg:s6], $0x5FFFF  }
0xac: {  	[dreg:$0x1] =	wrdreg $0xFFFFFFFF  }
0xad: {  	[dreg:$0x0] =	wrdreg $0x60  }
0xae: {  	[dreg:$0x2] =	wrdreg s24  }
0xaf: {  	[dreg:$0x3] =	wrdreg $0xE2000  }
0xb0: {  	[dreg:$0x4] =	wrdreg $0xA  }
0xb1: {  	_ =	task.clear_ibuf [dreg:s6], $0x5FFFF;
	_ =	strace $0x9000004C  }
0xb2: {  	s29 =	simm.s32 $0xA;
	_ =	strace $0x8000004E  }
0xb3: {  	_ =	swait.ge [sflag:s29], $0x1  }
0xb4: {  	[sflag:s29] =	ssyncadd.s32 $0xFFFFFFFF  }
0xb5: {  	_ =	strace $0x9000004E  }
0xb6: {  	_ =	sfence  }
0xb7: {  	s30 =	sld [smem:$0x0];
	_ =	sdelay $0x2  }
0xb8: {  	s31 =	sshll.u32 s1, $0xD;
	s1 =	sshrl.u32 s1, $0x2  }
0xb9: {  	s3 =	sand.u32 $0x4000, s31;
	s1 =	sadd.s32 s1, s30  }
0xba: {  	s0 =	sor.u32 s3, s0;
	s1 =	sshll.u32 s1, $0x11  }
0xbb: {  	s0 =	sor.u32 s1, s0  }
0xbc: {  	s0 =	sadd.s32 $0x8F2B, s0  }
0xbd: {  	[sflag:s0] =	ssyncadd.remote.s32 $0x1  }
0xbe: {  	_ =	sfence.sel $0xFFFF  }
0xbf: {  	[dreg:$0x0] =	wrdreg $0xFFFFFFFF;
	(pc) =	sbr.abs _section_cstart, $3  }
0xc0: {  	[dreg:$0x1] =	wrdreg $0xFFFFFFFF  }
0xc1: {  	_ =	task.clear_ibuf [dreg:s6], $0x2FFFF;
	_ =	strace $0x9FFFFFFF  }
0xc2: {  	(tm) =	ssettm $0x7FFFFFFF  }
0xc3: {  	_ =	shalt  }
tec
execute0_lowered:
.L_overlay_start_1:
0x0: {  	(tag) =	ssettag $0x1  }
0x1: {  	s14 =	rddreg [dreg:$0x0]  }
0x2: {  	s2 =	rddreg [dreg:$0x1]  }
0x3: {  	s3 =	simm.s32 $0x0;
	s0 =	stileid.u32;
	s6 =	srdreg.scid  }
0x4: {  	s19 =	simm.s32 $0x3;
	s21 =	simm.s32 $0x80;
	s22 =	simm.s32 $0xA200  }
0x5: {  	s24 =	simm.s32 $0x1;
	s25 =	simm.s32 $0x2;
	s26 =	simm.s32 $0xA100  }
0x6: {  	s28 =	simm.s32 $0xA180;
	s29 =	simm.s32 $0x0;
	[smem:$0x7FF] =	sst s3  }
0x7: {  	s4 =	sadd.s32 $0x67000, s14;
	s17 =	smul.u32 $0xA20, s0;
	s5 =	sadd.s32 $0x35C00, s14  }
0x8: {  	s7 =	smul.u32 $0xA000, s0;
	s15 =	sadd.s32 $0x8E200, s14;
	s18 =	sadd.s32 $0x5CE00, s14  }
0x9: {  	s23 =	sand.u32 $0x1, s6;
	s6 =	sadd.s32 $0xBC00, s14;
	s31 =	sshll.u32 s0, $0x6  }
0xa: {  	s11 =	sadd.s32 $0xAB000, s14;
	s12 =	sadd.s32 $0x96000, s2;
	_ =	strace $0x8000004D  }
0xb: {  	s10 =	ssub.s32 $0x2, s23;
	p0 =	seq.s32 s23, $0x0;
	p4 =	sne.s32 s23, $0x0  }
0xc: {  	s23 =	simm.s32 $0xC200;
	s9 =	sadd.s32 s17, s14;
	s8 =	sshrl.u32 s7, $0x3  }
0xd: {  	s30 =	sshrl.u32 s10, $0x1;
	s7 =	sadd.s32 s7, s2;
	s18 =	smov.u32 @p0 s15  }
0xe: {  	s15 =	smov.u32 s5;
	p2 =	seq.s32 @p4 s0, $0xF;
	p5 =	seq.s32 @!p4 s0, $0xF  }
0xf: {  	s13 =	sadd.s32 s8, s14;
	s16 =	ssub.s32 s10, s30;
	s8 =	sor.u32 $0x1C03, s31  }
0x10: {  	s9 =	sadd.s32 $0x1A00, s9;
	s14 =	sadd.s32 $0xBEA00, s14;
	s17 =	sadd.s32 s18, s17  }
0x11: {  	s15 =	smov.u32 @p0 s4;
	s18 =	sshrl.u32 s7, $0x3;
	p1 =	por !p2, !p4  }
0x12: {  	p2 =	por p2, !p4;
	p3 =	por !p5, p4;
	p4 =	por p5, p4  }
0x13: {  	s10 =	sadd.s32 $0x98400, s13;
	s13 =	sadd.s32 $0xABE00, s13;
	s16 =	smax.u32 s16, $0x1  }
.LBB2_1:
0x14: {  	[spmem:s18], [sflag:s8] =	dma.local [hbm:s6], $0x1400  }
0x15: {  	_ =	swait.ge [sflag:s19], $0x1400  }
0x16: {  	[sflag:s19] =	ssyncset.done $0x0  }
0x17: {  	s0 =	simm.s32 $0x5100;
	[sflag:s19] =	ssyncadd.s32 $0xFFFFEC00  }
0x18: {  	[tilespmem:s0], [sflag:$0x3] =	stream.linear.gather [hbm4b:s9+s3], $0x5100, $0x38;
	[tilespmem:$0x18200] =	vst v63  }
0x19: {  	_ =	swait.ge [sflag:s19], $0x5100  }
0x1a: {  	[sflag:s19] =	ssyncset.done $0x0  }
0x1b: {  	[sflag:s19] =	ssyncadd.s32 $0xFFFFAF00  }
0x1c: {  	[tilespmem:s3], [sflag:$0x3] =	stream.linear.gather [hbm4b:s17+s3], $0x5100, $0x38;
	[tilespmem:$0x18200] =	vst v63  }
0x1d: {  	_ =	swait.ge [sflag:s19], $0x5100  }
0x1e: {  	[sflag:s19] =	ssyncset.done $0x0  }
0x1f: {  	[sflag:s19] =	ssyncadd.s32 $0xFFFFAF00  }
0x20: {  	[bflag:$0x0] =	sbarrier.arrive $0xFFFF  }
0x21: {  	[tilespmem:s22], [sflag:$0x1] =	stream.indirect.gather [hbm4b:s15+s21], $0x40, s3, s21, $0xb8;
	[tilespmem:$0x18200] =	vst v63  }
0x22: {  	s30 =	simm.s32 $0x80  }
0x23: {  	[tilespmem:s23], [sflag:$0x2] =	stream.indirect.gather [hbm4b:s15+s21], $0x40, s30, s21, $0xb8;
	[tilespmem:$0x18200] =	vst v63  }
0x24: {  	_ =	swait.ge [sflag:s24], $0x2000  }
0x25: {  	[sflag:s24] =	ssyncset.done $0x0  }
0x26: {  	s30 =	simm.s32 $0x5100;
	[sflag:s24] =	ssyncadd.s32 $0xFFFFE000  }
0x27: {  	[spmem:s2] =	stream.indirect.scatter.add.f32 [tilespmem:s22], [sflag:$0x3], $0x40, s30, s21, $0xb8;
	[tilespmem:$0x18200] =	vst v63  }
0x28: {  	_ =	swait.ge [sflag:s19], $0x2000  }
0x29: {  	[sflag:s19] =	ssyncset.done $0x0  }
0x2a: {  	s30 =	simm.s32 $0x100;
	[sflag:s19] =	ssyncadd.s32 $0xFFFFE000  }
0x2b: {  	[tilespmem:s22], [sflag:$0x1] =	stream.indirect.gather [hbm4b:s15+s21], $0x40, s30, s21, $0xb8;
	[tilespmem:$0x18200] =	vst v63  }
0x2c: {  	_ =	swait.ge [sflag:s25], $0x2000  }
0x2d: {  	[sflag:s25] =	ssyncset.done $0x0  }
0x2e: {  	s30 =	simm.s32 $0x5180;
	[sflag:s25] =	ssyncadd.s32 $0xFFFFE000  }
0x2f: {  	[spmem:s2] =	stream.indirect.scatter.add.f32 [tilespmem:s23], [sflag:$0x3], $0x40, s30, s21, $0xb8;
	[tilespmem:$0x18200] =	vst v63  }
0x30: {  	_ =	swait.ge [sflag:s19], $0x2000  }
0x31: {  	s31 =	simm.s32 $0x800;
	s30 =	simm.s32 $0x100;
	[sflag:s19] =	ssyncset.done $0x0  }
.LBB2_2:
0x32: {  	s0 =	sadd.s32 $0x80, s30  }
0x33: {  	[sflag:s19] =	ssyncadd.s32 $0xFFFFE000;
	s1 =	smov.u32 s31;
	s20 =	sadd.s32 $0x400, s31  }
0x34: {  	[tilespmem:s23], [sflag:$0x2] =	stream.indirect.gather [hbm4b:s15+s21], $0x40, s0, s21, $0xb8;
	[tilespmem:$0x18200] =	vst v63  }
0x35: {  	p5 =	sne.s32 s31, $0x13C00;
	_ =	swait.ge [sflag:s24], $0x2000  }
0x36: {  	[sflag:s24] =	ssyncset.done $0x0  }
0x37: {  	s0 =	sadd.s32 $0x5100, s30;
	[sflag:s24] =	ssyncadd.s32 $0xFFFFE000  }
0x38: {  	[spmem:s2] =	stream.indirect.scatter.add.f32 [tilespmem:s22], [sflag:$0x3], $0x40, s0, s21, $0xb8;
	[tilespmem:$0x18200] =	vst v63  }
0x39: {  	_ =	swait.ge [sflag:s19], $0x2000  }
0x3a: {  	[sflag:s19] =	ssyncset.done $0x0  }
0x3b: {  	s0 =	sadd.s32 $0x100, s30;
	[sflag:s19] =	ssyncadd.s32 $0xFFFFE000  }
0x3c: {  	[tilespmem:s22], [sflag:$0x1] =	stream.indirect.gather [hbm4b:s15+s21], $0x40, s0, s21, $0xb8;
	[tilespmem:$0x18200] =	vst v63  }
0x3d: {  	_ =	swait.ge [sflag:s25], $0x2000  }
.Ltmp0:
0x3e: {  	[sflag:s25] =	ssyncset.done $0x0;
	(pc) =	sbr.rel @p5 .LBB2_2-.Ltmp0, $4  }
0x3f: {  	s0 =	sadd.s32 $0x5180, s30;
	[sflag:s25] =	ssyncadd.s32 $0xFFFFE000  }
0x40: {  	[spmem:s2] =	stream.indirect.scatter.add.f32 [tilespmem:s23], [sflag:$0x3], $0x40, s0, s21, $0xb8;
	[tilespmem:$0x18200] =	vst v63  }
0x41: {  	_ =	swait.ge [sflag:s19], $0x2000  }
0x42: {  	s31 =	smov.u32 s20;
	s30 =	sshra.s32 s1, $0x2;
	[sflag:s19] =	ssyncset.done $0x0  }
0x43: {  	s0 =	sadd.s32 $0x80, s30;
	[sflag:s19] =	ssyncadd.s32 $0xFFFFE000  }
0x44: {  	[tilespmem:s23], [sflag:$0x2] =	stream.indirect.gather [hbm4b:s15+s21], $0x40, s0, s21, $0xb8;
	[tilespmem:$0x18200] =	vst v63  }
0x45: {  	_ =	swait.ge [sflag:s24], $0x2000  }
0x46: {  	[sflag:s24] =	ssyncset.done $0x0  }
0x47: {  	s1 =	sadd.s32 $0x5100, s30;
	[sflag:s24] =	ssyncadd.s32 $0xFFFFE000  }
0x48: {  	[spmem:s2] =	stream.indirect.scatter.add.f32 [tilespmem:s22], [sflag:$0x3], $0x40, s1, s21, $0xb8;
	[tilespmem:$0x18200] =	vst v63  }
0x49: {  	_ =	swait.ge [sflag:s19], $0x2000  }
0x4a: {  	[sflag:s19] =	ssyncset.done $0x0  }
0x4b: {  	s20 =	sadd.s32 $0x100, s30;
	[sflag:s19] =	ssyncadd.s32 $0xFFFFE000  }
0x4c: {  	[tilespmem:s22], [sflag:$0x1] =	stream.indirect.gather [hbm4b:s15+s21], $0x40, s20, s21, $0xb8;
	[tilespmem:$0x18200] =	vst v63  }
0x4d: {  	_ =	swait.ge [sflag:s25], $0x2000  }
0x4e: {  	[sflag:s25] =	ssyncset.done $0x0  }
0x4f: {  	s31 =	sadd.s32 $0x5180, s30;
	[sflag:s25] =	ssyncadd.s32 $0xFFFFE000  }
0x50: {  	[spmem:s2] =	stream.indirect.scatter.add.f32 [tilespmem:s23], [sflag:$0x3], $0x40, s31, s21, $0xb8;
	[tilespmem:$0x18200] =	vst v63  }
0x51: {  	_ =	swait.ge [sflag:s19], $0x2000  }
0x52: {  	s0 =	simm.s32 @p0 $0x80;
	[sflag:s19] =	ssyncset.done $0x0  }
0x53: {  	s1 =	simm.s32 @p0 $0x5080;
	s20 =	simm.s32 @p0 $0xC200;
	[sflag:s19] =	ssyncadd.s32 $0xFFFFE000  }
0x54: {  	[tilespmem:s20], [sflag:$0x2] =	stream.indirect.gather @p0 [hbm4b:s4+s0], $0x40, s1, s0, $0xb8;
	[tilespmem:$0x18200] =	vst v63  }
0x55: {  	s0 =	simm.s32 @!p0 $0x80;
	s1 =	simm.s32 @!p0 $0x5080;
	s20 =	simm.s32 @!p0 $0xC200  }
0x56: {  	[tilespmem:s20], [sflag:$0x2] =	stream.indirect.gather @!p0 [hbm4b:s5+s0], $0x40, s1, s0, $0xb8;
	[tilespmem:$0x18200] =	vst v63  }
0x57: {  	_ =	swait.ge [sflag:s24], $0x2000  }
0x58: {  	[sflag:s24] =	ssyncset.done $0x0  }
0x59: {  	[sflag:s24] =	ssyncadd.s32 $0xFFFFE000  }
0x5a: {  	[spmem:s2] =	stream.indirect.scatter.add.f32 [tilespmem:s22], [sflag:$0x3], $0x40, s26, s21, $0xb8;
	[tilespmem:$0x18200] =	vst v63  }
0x5b: {  	_ =	swait.ge [sflag:s19], $0x2000  }
0x5c: {  	[sflag:s19] =	ssyncset.done $0x0  }
0x5d: {  	[sflag:s19] =	ssyncadd.s32 $0xFFFFE000  }
0x5e: {  	_ =	swait.ge [sflag:s25], $0x2000  }
0x5f: {  	[sflag:s25] =	ssyncset.done $0x0  }
0x60: {  	[sflag:s25] =	ssyncadd.s32 $0xFFFFE000  }
0x61: {  	[spmem:s2] =	stream.indirect.scatter.add.f32 [tilespmem:s23], [sflag:$0x3], $0x40, s28, s21, $0xb8;
	[tilespmem:$0x18200] =	vst v63  }
0x62: {  	_ =	swait.ge [sflag:s19], $0x2000  }
0x63: {  	[sflag:s19] =	ssyncset.done $0x0  }
0x64: {  	[sflag:s19] =	ssyncadd.s32 $0xFFFFE000  }
0x65: {  	s0 =	sshrl.u32 @!p1 s12, $0x3;
	[bflag:$0x0] =	sbarrier.arrive $0xFFFF  }
0x66: {  	[hbm:s11], [sflag:s8] =	dma.local @!p1 [spmem:s0], $0xC80  }
0x67: {  	s0 =	simm.s32 @!p1 $0x3  }
0x68: {  	_ =	swait.ge @!p1 [sflag:s0], $0xC80  }
0x69: {  	[sflag:s0] =	ssyncset.done @!p1 $0x0  }
0x6a: {  	[sflag:s0] =	ssyncadd.s32 @!p1 $0xFFFFF380;
	s0 =	sshrl.u32 @!p2 s7, $0x3  }
0x6b: {  	[hbm:s10], [sflag:s8] =	dma.local @!p2 [spmem:s0], $0x1400  }
0x6c: {  	s0 =	simm.s32 @!p2 $0x3  }
0x6d: {  	_ =	swait.ge @!p2 [sflag:s0], $0x1400  }
0x6e: {  	[sflag:s0] =	ssyncset.done @!p2 $0x0  }
0x6f: {  	[sflag:s0] =	ssyncadd.s32 @!p2 $0xFFFFEC00;
	s0 =	sshrl.u32 @!p3 s12, $0x3  }
0x70: {  	[hbm:s14], [sflag:s8] =	dma.local @!p3 [spmem:s0], $0xC80  }
0x71: {  	s0 =	simm.s32 @!p3 $0x3  }
0x72: {  	_ =	swait.ge @!p3 [sflag:s0], $0xC80  }
0x73: {  	s29 =	sadd.s32 $0x1, s29;
	[sflag:s0] =	ssyncset.done @!p3 $0x0  }
0x74: {  	p5 =	sne.s32 s29, s16;
	[sflag:s0] =	ssyncadd.s32 @!p3 $0xFFFFF380;
	s0 =	sshrl.u32 @!p4 s7, $0x3  }
0x75: {  	[hbm:s13], [sflag:s8] =	dma.local @!p4 [spmem:s0], $0x1400  }
.Ltmp1:
0x76: {  	_ = 	snop;
	(pc) =	sbr.rel @p5 .LBB2_1-.Ltmp1, $4  }
0x77: {  	s0 =	simm.s32 @!p4 $0x3  }
0x78: {  	_ =	swait.ge @!p4 [sflag:s0], $0x1400  }
0x79: {  	[sflag:s0] =	ssyncset.done @!p4 $0x0  }
0x7a: {  	[sflag:s0] =	ssyncadd.s32 @!p4 $0xFFFFEC00  }
0x7b: {  	_ =	sfence.sel $0x180000  }
0x7c: {  	[bflag:$0x0] =	sbarrier.arrive $0xFFFF  }
0x7d: {  	_ =	strace $0x9000004D  }
0x7e: {  	s0 =	stileid.u32;
	[bflag:$0x2] =	sbarrier.arrive $0xFFFF  }
0x7f: {  	p0 =	sne.s32 s0, $0x0;
	s0 =	rddreg [dreg:$0x2]  }
0x80: {  	s0 =	sadd.s32 @!p0 $0x100000, s0  }
0x81: {  	[sflag:s0] =	ssyncadd.tile.s32 @!p0 $0x1;
	_ =	shalt  }
.Lfunc_end2:
_tile_overlayer_lowered:
.L_overlay_start_2:
0x82: {  	(tag) =	ssettag $0x2  }
0x83: {  	s0 =	rddreg [dreg:$0x0];
	s2 =	stileid.u32  }
0x84: {  	s1 =	rddreg [dreg:$0x1];
	p0 =	sne.s32 s2, $0x0  }
0x85: {  	s3 =	rddreg [dreg:$0x2];
	[bflag:$0x3] =	sbarrier.arrive $0xFFFF;
	s2 =	simm.s32 @!p0 $0x1C03  }
0x86: {  	[timem:s3], [sflag:s2] =	dma.local @!p0 [hbm:s0], s1  }
0x87: {  	s0 =	simm.s32 @!p0 $0x3  }
0x88: {  	_ =	swait.ge @!p0 [sflag:s0], s1  }
0x89: {  	s1 =	ssub.s32 @!p0 $0x0, s1;
	[sflag:s0] =	ssyncset.done @!p0 $0x0  }
0x8a: {  	[sflag:s0] =	ssyncadd.s32 @!p0 s1  }
0x8b: {  	[bflag:$0x3] =	sbarrier.arrive $0xFFFF  }
0x8c: {  	_ =	shalt  }

// kernel: kernel.20.cloned.1.call-start
scs
__scs_entry_jumppad:
0x0: {  	(pc) =	sbr.rel $0x88, $3  }
0x1: {  	(tag) =	ssettag $0x0;
	lr =	simm.s32 $0x1  }
0x2: {  	[smem:$0x3F98] =	sst lr;
	_ =	strace $0xD0000000  }
0x3: {  	_ = 	snop  }
0x4: {  	_ = 	snop  }
0x5: {  	_ = 	snop  }
0x6: {  	_ = 	snop  }
0x7: {  	_ = 	snop  }
__scs_overlays_trampoline_lowered:
0x8: {  	[smem:$0x3FA7] =	sst s0  }
0x9: {  	[smem:$0x3FA8] =	sst s1  }
0xa: {  	[smem:$0x3FA9] =	sst s2  }
0xb: {  	[smem:$0x3FAA] =	sst s3  }
0xc: {  	[smem:$0x3FAB] =	sst s4  }
0xd: {  	[smem:$0x3FAC] =	sst s5  }
0xe: {  	[smem:$0x3FAD] =	sst s6  }
0xf: {  	[smem:$0x3FAE] =	sst s7  }
0x10: {  	[smem:$0x3FAF] =	sst s8  }
0x11: {  	[smem:$0x3FB0] =	sst s9;
	s0 =	simm.s32 @!p0 $0x0  }
0x12: {  	s1 =	sld [smem:$0x3F96];
	s0 =	simm.s32 @p0 $0x1  }
0x13: {  	[smem:$0x3FB1] =	sst s0;
	s0 =	simm.s32 @!p1 $0x0  }
0x14: {  	s2 =	sld [smem:$0x3F95];
	s0 =	simm.s32 @p1 $0x1  }
0x15: {  	[smem:$0x3FB2] =	sst s0;
	s0 =	simm.s32 @!p2 $0x0  }
0x16: {  	s3 =	sld [smem:$0x3FDB];
	s0 =	simm.s32 @p2 $0x1  }
0x17: {  	s4 =	simm.s32 $0x1BF5;
	[smem:$0x3FB4] =	sst s0  }
0x18: {  	s0 =	sld [smem:$0x3F97];
	_ =	swait.ge [sflag:s4], $0x0  }
0x19: {  	s7 =	sld [smem:$0x3F98]  }
0x1a: {  	s8 =	sadd.s32 $0xFFFFE003, lr  }
0x1b: {  	s9 =	sadd.s32 $0xFFFFFEF7, lr;
	s5 =	simm.s32 $0xFFFFFFFF;
	p2 =	slt.u32 s8, $0xFFFFF086  }
0x1c: {  	p1 =	slt.u32 s9, $0xF7A;
	s5 =	simm.s32 @!p2 $0x0  }
0x1d: {  	s5 =	simm.s32 @p1 $0x1;
	p0 =	seq.s32 s7, s2  }
0x1e: {  	s7 =	smul.u32 @!p0 $0xF7A, s2;
	p2 =	seq.s32 @!p0 s5, $0x0  }
0x1f: {  	s9 =	smul.u32 $0xF7A, s1;
	s8 =	simm.s32 @!p0 $0x1BF5;
	p2 =	por !p2, p0  }
0x20: {  	[sflag:s8] =	ssyncset.s32 @!p0 $0xFFFFF086;
	s6 =	sadd.s32 @!p0 s3, s7;
	s7 =	simm.s32 @!p0 $0x108  }
0x21: {  	s3 =	sadd.s32 s3, s9;
	s6 =	sadd.s32 @!p0 $0x88, s6;
	s7 =	simm.s32 @p2 $0x1082  }
0x22: {  	[simem:s7], [sflag:s8] =	dma.local @!p0 [hbm:s6], $0xF7A  }
0x23: {  	s9 =	sor.u32 $0xD0000000, s2;
	s6 =	simm.s32 $0x108;
	_ =	swait.ge @!p0 [sflag:s8], $0x0  }
0x24: {  	s3 =	sadd.s32 $0x88, s3;
	s6 =	simm.s32 @!p1 $0x1082;
	[sflag:s4] =	ssyncset.s32 $0xFFFFF086  }
0x25: {  	[simem:s6], [sflag:s4] =	dma.local [hbm:s3], $0xF7A  }
0x26: {  	[smem:$0x3F98] =	sst s1;
	(tag) =	ssettag s2;
	_ =	strace s9  }
0x27: {  	s1 =	sld [smem:$0x3FA8]  }
0x28: {  	s2 =	sld [smem:$0x3FA9]  }
0x29: {  	s4 =	sld [smem:$0x3FAB]  }
0x2a: {  	p0 =	seq.s32 s5, $0x0;
	s5 =	sld [smem:$0x3FAC]  }
0x2b: {  	s6 =	sld [smem:$0x3FAD]  }
0x2c: {  	s7 =	sld [smem:$0x3FAE]  }
0x2d: {  	s3 =	simm.s32 $0x108;
	s8 =	sld [smem:$0x3FAF]  }
0x2e: {  	s3 =	simm.s32 @!p0 $0x1082;
	s9 =	sld [smem:$0x3FB0]  }
0x2f: {  	lr =	sadd.s32 s0, s3;
	s0 =	sld [smem:$0x3FA7]  }
0x30: {  	s3 =	sld [smem:$0x3FAA]  }
0x31: {  	[smem:$0x3FB3] =	sst s10  }
0x32: {  	s10 =	sld [smem:$0x3FB1];
	_ =	sdelay $0x3  }
0x33: {  	p0 =	seq.s32 s10, $0x1;
	s10 =	sld [smem:$0x3FB3];
	_ =	sdelay $0x3  }
0x34: {  	[smem:$0x3FB3] =	sst s10  }
0x35: {  	s10 =	sld [smem:$0x3FB2];
	_ =	sdelay $0x3  }
0x36: {  	p1 =	seq.s32 s10, $0x1;
	s10 =	sld [smem:$0x3FB3];
	_ =	sdelay $0x3  }
0x37: {  	[smem:$0x3FB3] =	sst s10  }
0x38: {  	s10 =	sld [smem:$0x3FB4]  }
0x39: {  	_ = 	snop;
	(pc) =	sbr.ind lr, $3  }
0x3a: {  	_ = 	snop  }
0x3b: {  	_ = 	snop  }
0x3c: {  	p2 =	seq.s32 s10, $0x1;
	s10 =	sld [smem:$0x3FB3]  }
0x3d: {  	_ =	shalt  }
0x3e: {  	_ =	shalt  }
0x3f: {  	_ =	shalt  }
0x40: {  	_ =	shalt  }
0x41: {  	_ =	shalt  }
0x42: {  	_ =	shalt  }
0x43: {  	_ =	shalt  }
0x44: {  	_ =	shalt  }
0x45: {  	_ =	shalt  }
0x46: {  	_ =	shalt  }
0x47: {  	_ =	shalt  }
0x48: {  	_ =	shalt  }
0x49: {  	_ =	shalt  }
0x4a: {  	_ =	shalt  }
0x4b: {  	_ =	shalt  }
0x4c: {  	_ =	shalt  }
0x4d: {  	_ =	shalt  }
0x4e: {  	_ =	shalt  }
0x4f: {  	_ =	shalt  }
0x50: {  	_ =	shalt  }
0x51: {  	_ =	shalt  }
0x52: {  	_ =	shalt  }
0x53: {  	_ =	shalt  }
0x54: {  	_ =	shalt  }
0x55: {  	_ =	shalt  }
0x56: {  	_ =	shalt  }
0x57: {  	_ =	shalt  }
0x58: {  	_ =	shalt  }
0x59: {  	_ =	shalt  }
0x5a: {  	_ =	shalt  }
0x5b: {  	_ =	shalt  }
0x5c: {  	_ =	shalt  }
0x5d: {  	_ =	shalt  }
0x5e: {  	_ =	shalt  }
0x5f: {  	_ =	shalt  }
0x60: {  	_ =	shalt  }
0x61: {  	_ =	shalt  }
0x62: {  	_ =	shalt  }
0x63: {  	_ =	shalt  }
0x64: {  	_ =	shalt  }
0x65: {  	_ =	shalt  }
0x66: {  	_ =	shalt  }
0x67: {  	_ =	shalt  }
0x68: {  	_ =	shalt  }
0x69: {  	_ =	shalt  }
0x6a: {  	_ =	shalt  }
0x6b: {  	_ =	shalt  }
0x6c: {  	_ =	shalt  }
0x6d: {  	_ =	shalt  }
0x6e: {  	_ =	shalt  }
0x6f: {  	_ =	shalt  }
0x70: {  	_ =	shalt  }
0x71: {  	_ =	shalt  }
0x72: {  	_ =	shalt  }
0x73: {  	_ =	shalt  }
0x74: {  	_ =	shalt  }
0x75: {  	_ =	shalt  }
0x76: {  	_ =	shalt  }
0x77: {  	_ =	shalt  }
0x78: {  	_ =	shalt  }
0x79: {  	_ =	shalt  }
0x7a: {  	_ =	shalt  }
0x7b: {  	_ =	shalt  }
0x7c: {  	_ =	shalt  }
0x7d: {  	_ =	shalt  }
0x7e: {  	_ =	shalt  }
0x7f: {  	_ =	shalt  }
0x80: {  	_ =	shalt  }
0x81: {  	_ =	shalt  }
0x82: {  	_ =	shalt  }
0x83: {  	_ =	shalt  }
0x84: {  	_ =	shalt  }
0x85: {  	_ =	shalt  }
0x86: {  	_ =	shalt  }
0x87: {  	_ =	shalt  }
.Lfunc_end0:
.L_simem_size_0:
called_computation.4_lowered:
.L_overlay_start_0:
0x88: {  	s2 =	sld [smem:$0x3FD9]  }
0x89: {  	s3 =	sld [smem:$0x3FFE];
	_ =	sdelay $0x1  }
0x8a: {  	s1 =	srdreg.scid  }
0x8b: {  	s0 =	sand.u32 $0x1, s1  }
0x8c: {  	s14 =	sshll.u32 s0, $0xA;
	s2 =	sadd.s32 s3, s2  }
0x8d: {  	s2 =	sadd.s32 s2, s14  }
0x8e: {  	[smem:$0x3FBF] =	sst s2  }
0x8f: {  	_ = 	snop  }
0x90: {  	s2 =	sld [smem:$0x3FD0];
	_ =	sdelay $0x2  }
0x91: {  	s15 =	simm.s32 $0xB;
	s4 =	simm.s32 $0x10  }
0x92: {  	[smem:s4], [sflag:s15] =	dma.local [hbm:s2], $0x1  }
0x93: {  	_ =	swait.eq [sflag:s15], $0x1  }
0x94: {  	[sflag:s15] =	ssyncset.done $0x0  }
0x95: {  	[sflag:s15] =	ssyncadd.s32 $0xFFFFFFFF  }
0x96: {  	s16 =	sld [smem:$0x10];
	(tm) =	ssettm $0x1  }
0x97: {  	s17 =	sld [smem:$0x3FFB];
	_ =	sdelay $0x3  }
0x98: {  	_ =	strace s17  }
0x99: {  	s3 =	sld [smem:$0x3FFC];
	_ =	sdelay $0x3  }
0x9a: {  	_ =	strace s3  }
0x9b: {  	s3 =	sld [smem:$0x3FFD];
	_ =	sdelay $0x3  }
0x9c: {  	_ =	strace s3  }
0x9d: {  	_ =	strace $0x8FFFFFFF  }
0x9e: {  	s18 =	sld [smem:$0x3FDB];
	_ =	sdelay $0x1  }
0x9f: {  	s19 =	simm.s32 $_scs_section_size  }
0xa0: {  	s5 =	simm.s32 $_size__tile_overlayer_lowered;
	s6 =	simm.s32 $_tile_overlayer_lowered  }
0xa1: {  	s22 =	simm.s32 $0x1BFF;
	s21 =	sshll.u32 s6, $0x1;
	s3 =	sadd.s32 s19, s18  }
0xa2: {  	s7 =	simm.s32 $0x0;
	s20 =	sshll.u32 s5, $0x1;
	s5 =	sadd.s32 s21, s3  }
0xa3: {  	[timem:s7], [sflag:s22] =	dma.local [hbm:s5], s20  }
0xa4: {  	_ =	swait.ge [sflag:s22], s20  }
0xa5: {  	s4 =	ssub.s32 $0x0, s20;
	[sflag:s22] =	ssyncset.done $0x0  }
0xa6: {  	[sflag:s22] =	ssyncadd.s32 s4;
	_ =	sdelay $0x1  }
0xa7: {  	s23 =	simm.s32 $0x1B8B  }
0xa8: {  	_ =	swait.ge [sflag:s23], $0x1  }
0xa9: {  	[sflag:s23] =	ssyncset.done $0x0  }
0xaa: {  	s25 =	simm.s32 $0x1B8E;
	s24 =	sld [smem:$0x3FFE];
	[sflag:s23] =	ssyncadd.s32 $0xFFFFFFFF  }
0xab: {  	s26 =	simm.s32 $execute0_lowered;
	[smem:$0x3FD2] =	sst s25  }
0xac: {  	s5 =	sshll.u32 s26, $0x1;
	_ =	strace $0x80000052;
	[dreg:$0x1] =	wrdreg $0xFFFFFFFF  }
0xad: {  	s28 =	simm.s32 $_size_execute0_lowered;
	s3 =	sadd.s32 s3, s5;
	[dreg:$0x0] =	wrdreg $0x0  }
0xae: {  	s5 =	sshll.u32 s28, $0x1;
	[dreg:$0x2] =	wrdreg s3  }
0xaf: {  	[dreg:$0x3] =	wrdreg s5  }
0xb0: {  	[dreg:$0x4] =	wrdreg $0xC0  }
0xb1: {  	_ =	task [dreg:s7], $0x5FFFF  }
0xb2: {  	[dreg:$0x1] =	wrdreg $0xFFFFFFFF  }
0xb3: {  	[dreg:$0x0] =	wrdreg $0x60  }
0xb4: {  	[dreg:$0x2] =	wrdreg s16  }
0xb5: {  	[dreg:$0x3] =	wrdreg s24  }
0xb6: {  	[dreg:$0x4] =	wrdreg $0xE2000  }
0xb7: {  	[dreg:$0x5] =	wrdreg $0x9  }
0xb8: {  	_ =	task.clear_ibuf [dreg:s7], $0x6FFFF;
	_ =	strace $0x90000052  }
0xb9: {  	s29 =	simm.s32 $0x9;
	_ =	strace $0x80000054  }
0xba: {  	_ =	swait.ge [sflag:s29], $0x1  }
0xbb: {  	[sflag:s29] =	ssyncadd.s32 $0xFFFFFFFF  }
0xbc: {  	_ =	strace $0x90000054  }
0xbd: {  	_ =	sfence  }
0xbe: {  	s30 =	sld [smem:$0x0];
	_ =	sdelay $0x2  }
0xbf: {  	s31 =	sshll.u32 s1, $0xD;
	s1 =	sshrl.u32 s1, $0x2  }
0xc0: {  	s3 =	sand.u32 $0x4000, s31;
	s1 =	sadd.s32 s1, s30  }
0xc1: {  	s0 =	sor.u32 s3, s0;
	s1 =	sshll.u32 s1, $0x11  }
0xc2: {  	s0 =	sor.u32 s1, s0  }
0xc3: {  	s0 =	sadd.s32 $0x8F2B, s0  }
0xc4: {  	[sflag:s0] =	ssyncadd.remote.s32 $0x1  }
0xc5: {  	_ =	sfence.sel $0xFFFF  }
0xc6: {  	[dreg:$0x0] =	wrdreg $0xFFFFFFFF;
	(pc) =	sbr.abs _section_cstart, $3  }
0xc7: {  	[dreg:$0x1] =	wrdreg $0xFFFFFFFF  }
0xc8: {  	_ =	task.clear_ibuf [dreg:s7], $0x2FFFF;
	_ =	strace $0x9FFFFFFF  }
0xc9: {  	(tm) =	ssettm $0x7FFFFFFF  }
tec
execute0_lowered:
.L_overlay_start_1:
0x0: {  	(tag) =	ssettag $0x1  }
0x1: {  	s0 =	rddreg [dreg:$0x0]  }
0x2: {  	s16 =	rddreg [dreg:$0x1]  }
0x3: {  	s3 =	rddreg [dreg:$0x2]  }
0x4: {  	s4 =	simm.s32 $0x0;
	s1 =	stileid.u32;
	s5 =	srdreg.scid  }
0x5: {  	s19 =	simm.s32 $0x3;
	s20 =	simm.s32 $0x5100;
	s21 =	simm.s32 $0x80  }
0x6: {  	s22 =	simm.s32 $0xA200;
	s24 =	simm.s32 $0x1;
	s25 =	simm.s32 $0x2  }
0x7: {  	s26 =	simm.s32 $0xA100;
	s28 =	simm.s32 $0xA180;
	s6 =	smul.u32 $0xA20, s1  }
0x8: {  	s29 =	simm.s32 $0x0;
	[smem:$0x7FF] =	sst s4;
	s7 =	smul.u32 $0xA000, s1  }
0x9: {  	s23 =	sand.u32 $0x1, s5;
	s5 =	sadd.s32 $0x35C00, s16;
	s31 =	sshll.u32 s1, $0x6  }
0xa: {  	s12 =	sadd.s32 $0x5C200, s16;
	s13 =	sadd.s32 $0x96000, s3;
	_ =	strace $0x80000053  }
0xb: {  	s8 =	ssub.s32 $0x2, s23;
	p0 =	seq.s32 s23, $0x0;
	s15 =	smov.u32 s5  }
0xc: {  	p4 =	sne.s32 s23, $0x0;
	s23 =	simm.s32 $0xC200;
	s10 =	sadd.s32 s6, s16  }
0xd: {  	s6 =	sadd.s32 $0xBC00, s16;
	s9 =	sshrl.u32 s7, $0x3;
	s11 =	sshrl.u32 s8, $0x1  }
0xe: {  	s7 =	sadd.s32 s7, s3;
	s15 =	smov.u32 @p0 s0;
	p2 =	seq.s32 @p4 s1, $0xF  }
0xf: {  	p5 =	seq.s32 @!p4 s1, $0xF;
	s14 =	sadd.s32 s9, s16;
	s17 =	ssub.s32 s8, s11  }
0x10: {  	s8 =	sor.u32 $0x1C03, s31;
	s9 =	sadd.s32 $0x1A00, s10;
	s10 =	sadd.s32 $0x8E200, s10  }
0x11: {  	s16 =	sadd.s32 $0x6FC00, s16;
	s18 =	sshrl.u32 s7, $0x3;
	p1 =	por !p2, !p4  }
0x12: {  	p2 =	por p2, !p4;
	p3 =	por !p5, p4;
	p4 =	por p5, p4  }
0x13: {  	s11 =	sadd.s32 $0x49600, s14;
	s14 =	sadd.s32 $0x5D000, s14;
	s17 =	smax.u32 s17, $0x1  }
.LBB2_1:
0x14: {  	[spmem:s18], [sflag:s8] =	dma.local [hbm:s6], $0x1400  }
0x15: {  	_ =	swait.ge [sflag:s19], $0x1400  }
0x16: {  	[sflag:s19] =	ssyncset.done $0x0  }
0x17: {  	[sflag:s19] =	ssyncadd.s32 $0xFFFFEC00  }
0x18: {  	[tilespmem:s20], [sflag:$0x3] =	stream.linear.gather [hbm4b:s9+s4], $0x5100, $0x38;
	[tilespmem:$0x18200] =	vst v63  }
0x19: {  	_ =	swait.ge [sflag:s19], $0x5100  }
0x1a: {  	[sflag:s19] =	ssyncset.done $0x0  }
0x1b: {  	[sflag:s19] =	ssyncadd.s32 $0xFFFFAF00  }
0x1c: {  	[tilespmem:s4], [sflag:$0x3] =	stream.linear.gather [hbm4b:s10+s4], $0x5100, $0x38;
	[tilespmem:$0x18200] =	vst v63  }
0x1d: {  	_ =	swait.ge [sflag:s19], $0x5100  }
0x1e: {  	[sflag:s19] =	ssyncset.done $0x0  }
0x1f: {  	[sflag:s19] =	ssyncadd.s32 $0xFFFFAF00  }
0x20: {  	[bflag:$0x0] =	sbarrier.arrive $0xFFFF  }
0x21: {  	[tilespmem:s22], [sflag:$0x1] =	stream.indirect.gather [hbm4b:s15+s21], $0x40, s4, s21, $0xb8;
	[tilespmem:$0x18200] =	vst v63  }
0x22: {  	s30 =	simm.s32 $0x80  }
0x23: {  	[tilespmem:s23], [sflag:$0x2] =	stream.indirect.gather [hbm4b:s15+s21], $0x40, s30, s21, $0xb8;
	[tilespmem:$0x18200] =	vst v63  }
0x24: {  	_ =	swait.ge [sflag:s24], $0x2000  }
0x25: {  	[sflag:s24] =	ssyncset.done $0x0  }
0x26: {  	s30 =	simm.s32 $0x5100;
	[sflag:s24] =	ssyncadd.s32 $0xFFFFE000  }
0x27: {  	[spmem:s3] =	stream.indirect.scatter.add.f32 [tilespmem:s22], [sflag:$0x3], $0x40, s30, s21, $0xb8;
	[tilespmem:$0x18200] =	vst v63  }
0x28: {  	_ =	swait.ge [sflag:s19], $0x2000  }
0x29: {  	[sflag:s19] =	ssyncset.done $0x0  }
0x2a: {  	s30 =	simm.s32 $0x100;
	[sflag:s19] =	ssyncadd.s32 $0xFFFFE000  }
0x2b: {  	[tilespmem:s22], [sflag:$0x1] =	stream.indirect.gather [hbm4b:s15+s21], $0x40, s30, s21, $0xb8;
	[tilespmem:$0x18200] =	vst v63  }
0x2c: {  	_ =	swait.ge [sflag:s25], $0x2000  }
0x2d: {  	[sflag:s25] =	ssyncset.done $0x0  }
0x2e: {  	s30 =	simm.s32 $0x5180;
	[sflag:s25] =	ssyncadd.s32 $0xFFFFE000  }
0x2f: {  	[spmem:s3] =	stream.indirect.scatter.add.f32 [tilespmem:s23], [sflag:$0x3], $0x40, s30, s21, $0xb8;
	[tilespmem:$0x18200] =	vst v63  }
0x30: {  	_ =	swait.ge [sflag:s19], $0x2000  }
0x31: {  	s31 =	simm.s32 $0x800;
	s30 =	simm.s32 $0x100;
	[sflag:s19] =	ssyncset.done $0x0  }
.LBB2_2:
0x32: {  	s0 =	sadd.s32 $0x80, s30  }
0x33: {  	[sflag:s19] =	ssyncadd.s32 $0xFFFFE000;
	s2 =	smov.u32 s31;
	s1 =	sadd.s32 $0x400, s31  }
0x34: {  	[tilespmem:s23], [sflag:$0x2] =	stream.indirect.gather [hbm4b:s15+s21], $0x40, s0, s21, $0xb8;
	[tilespmem:$0x18200] =	vst v63  }
0x35: {  	p5 =	sne.s32 s31, $0x13C00;
	_ =	swait.ge [sflag:s24], $0x2000  }
0x36: {  	[sflag:s24] =	ssyncset.done $0x0  }
0x37: {  	s0 =	sadd.s32 $0x5100, s30;
	[sflag:s24] =	ssyncadd.s32 $0xFFFFE000  }
0x38: {  	[spmem:s3] =	stream.indirect.scatter.add.f32 [tilespmem:s22], [sflag:$0x3], $0x40, s0, s21, $0xb8;
	[tilespmem:$0x18200] =	vst v63  }
0x39: {  	_ =	swait.ge [sflag:s19], $0x2000  }
0x3a: {  	[sflag:s19] =	ssyncset.done $0x0  }
0x3b: {  	s0 =	sadd.s32 $0x100, s30;
	[sflag:s19] =	ssyncadd.s32 $0xFFFFE000  }
0x3c: {  	[tilespmem:s22], [sflag:$0x1] =	stream.indirect.gather [hbm4b:s15+s21], $0x40, s0, s21, $0xb8;
	[tilespmem:$0x18200] =	vst v63  }
0x3d: {  	_ =	swait.ge [sflag:s25], $0x2000  }
.Ltmp0:
0x3e: {  	[sflag:s25] =	ssyncset.done $0x0;
	(pc) =	sbr.rel @p5 .LBB2_2-.Ltmp0, $4  }
0x3f: {  	s0 =	sadd.s32 $0x5180, s30;
	[sflag:s25] =	ssyncadd.s32 $0xFFFFE000  }
0x40: {  	[spmem:s3] =	stream.indirect.scatter.add.f32 [tilespmem:s23], [sflag:$0x3], $0x40, s0, s21, $0xb8;
	[tilespmem:$0x18200] =	vst v63  }
0x41: {  	_ =	swait.ge [sflag:s19], $0x2000  }
0x42: {  	s31 =	smov.u32 s1;
	s30 =	sshra.s32 s2, $0x2;
	[sflag:s19] =	ssyncset.done $0x0  }
0x43: {  	s0 =	sadd.s32 $0x80, s30;
	[sflag:s19] =	ssyncadd.s32 $0xFFFFE000  }
0x44: {  	[tilespmem:s23], [sflag:$0x2] =	stream.indirect.gather [hbm4b:s15+s21], $0x40, s0, s21, $0xb8;
	[tilespmem:$0x18200] =	vst v63  }
0x45: {  	_ =	swait.ge [sflag:s24], $0x2000  }
0x46: {  	[sflag:s24] =	ssyncset.done $0x0  }
0x47: {  	s1 =	sadd.s32 $0x5100, s30;
	[sflag:s24] =	ssyncadd.s32 $0xFFFFE000  }
0x48: {  	[spmem:s3] =	stream.indirect.scatter.add.f32 [tilespmem:s22], [sflag:$0x3], $0x40, s1, s21, $0xb8;
	[tilespmem:$0x18200] =	vst v63  }
0x49: {  	_ =	swait.ge [sflag:s19], $0x2000  }
0x4a: {  	[sflag:s19] =	ssyncset.done $0x0  }
0x4b: {  	s2 =	sadd.s32 $0x100, s30;
	[sflag:s19] =	ssyncadd.s32 $0xFFFFE000  }
0x4c: {  	[tilespmem:s22], [sflag:$0x1] =	stream.indirect.gather [hbm4b:s15+s21], $0x40, s2, s21, $0xb8;
	[tilespmem:$0x18200] =	vst v63  }
0x4d: {  	_ =	swait.ge [sflag:s25], $0x2000  }
0x4e: {  	[sflag:s25] =	ssyncset.done $0x0  }
0x4f: {  	s31 =	sadd.s32 $0x5180, s30;
	[sflag:s25] =	ssyncadd.s32 $0xFFFFE000  }
0x50: {  	[spmem:s3] =	stream.indirect.scatter.add.f32 [tilespmem:s23], [sflag:$0x3], $0x40, s31, s21, $0xb8;
	[tilespmem:$0x18200] =	vst v63  }
0x51: {  	_ =	swait.ge [sflag:s19], $0x2000  }
0x52: {  	[sflag:s19] =	ssyncset.done $0x0  }
0x53: {  	s0 =	simm.s32 @p0 $0x80;
	[sflag:s19] =	ssyncadd.s32 $0xFFFFE000  }
0x54: {  	s1 =	simm.s32 @p0 $0x5080;
	s2 =	simm.s32 @p0 $0xC200;
	s30 =	rddreg [dreg:$0x0]  }
0x55: {  	[tilespmem:s2], [sflag:$0x2] =	stream.indirect.gather @p0 [hbm4b:s30+s0], $0x40, s1, s0, $0xb8;
	[tilespmem:$0x18200] =	vst v63  }
0x56: {  	s0 =	simm.s32 @!p0 $0x80;
	s1 =	simm.s32 @!p0 $0x5080;
	s2 =	simm.s32 @!p0 $0xC200  }
0x57: {  	[tilespmem:s2], [sflag:$0x2] =	stream.indirect.gather @!p0 [hbm4b:s5+s0], $0x40, s1, s0, $0xb8;
	[tilespmem:$0x18200] =	vst v63  }
0x58: {  	_ =	swait.ge [sflag:s24], $0x2000  }
0x59: {  	[sflag:s24] =	ssyncset.done $0x0  }
0x5a: {  	[sflag:s24] =	ssyncadd.s32 $0xFFFFE000  }
0x5b: {  	[spmem:s3] =	stream.indirect.scatter.add.f32 [tilespmem:s22], [sflag:$0x3], $0x40, s26, s21, $0xb8;
	[tilespmem:$0x18200] =	vst v63  }
0x5c: {  	_ =	swait.ge [sflag:s19], $0x2000  }
0x5d: {  	[sflag:s19] =	ssyncset.done $0x0  }
0x5e: {  	[sflag:s19] =	ssyncadd.s32 $0xFFFFE000  }
0x5f: {  	_ =	swait.ge [sflag:s25], $0x2000  }
0x60: {  	[sflag:s25] =	ssyncset.done $0x0  }
0x61: {  	[sflag:s25] =	ssyncadd.s32 $0xFFFFE000  }
0x62: {  	[spmem:s3] =	stream.indirect.scatter.add.f32 [tilespmem:s23], [sflag:$0x3], $0x40, s28, s21, $0xb8;
	[tilespmem:$0x18200] =	vst v63  }
0x63: {  	_ =	swait.ge [sflag:s19], $0x2000  }
0x64: {  	[sflag:s19] =	ssyncset.done $0x0  }
0x65: {  	[sflag:s19] =	ssyncadd.s32 $0xFFFFE000  }
0x66: {  	s0 =	sshrl.u32 @!p1 s13, $0x3;
	[bflag:$0x0] =	sbarrier.arrive $0xFFFF  }
0x67: {  	[hbm:s12], [sflag:s8] =	dma.local @!p1 [spmem:s0], $0xC80  }
0x68: {  	s0 =	simm.s32 @!p1 $0x3  }
0x69: {  	_ =	swait.ge @!p1 [sflag:s0], $0xC80  }
0x6a: {  	[sflag:s0] =	ssyncset.done @!p1 $0x0  }
0x6b: {  	[sflag:s0] =	ssyncadd.s32 @!p1 $0xFFFFF380;
	s0 =	sshrl.u32 @!p2 s7, $0x3  }
0x6c: {  	[hbm:s11], [sflag:s8] =	dma.local @!p2 [spmem:s0], $0x1400  }
0x6d: {  	s0 =	simm.s32 @!p2 $0x3  }
0x6e: {  	_ =	swait.ge @!p2 [sflag:s0], $0x1400  }
0x6f: {  	[sflag:s0] =	ssyncset.done @!p2 $0x0  }
0x70: {  	[sflag:s0] =	ssyncadd.s32 @!p2 $0xFFFFEC00;
	s0 =	sshrl.u32 @!p3 s13, $0x3  }
0x71: {  	[hbm:s16], [sflag:s8] =	dma.local @!p3 [spmem:s0], $0xC80  }
0x72: {  	s0 =	simm.s32 @!p3 $0x3  }
0x73: {  	_ =	swait.ge @!p3 [sflag:s0], $0xC80  }
0x74: {  	s29 =	sadd.s32 $0x1, s29;
	[sflag:s0] =	ssyncset.done @!p3 $0x0  }
0x75: {  	p5 =	sne.s32 s29, s17;
	[sflag:s0] =	ssyncadd.s32 @!p3 $0xFFFFF380;
	s0 =	sshrl.u32 @!p4 s7, $0x3  }
0x76: {  	[hbm:s14], [sflag:s8] =	dma.local @!p4 [spmem:s0], $0x1400  }
.Ltmp1:
0x77: {  	_ = 	snop;
	(pc) =	sbr.rel @p5 .LBB2_1-.Ltmp1, $4  }
0x78: {  	s0 =	simm.s32 @!p4 $0x3  }
0x79: {  	_ =	swait.ge @!p4 [sflag:s0], $0x1400  }
0x7a: {  	[sflag:s0] =	ssyncset.done @!p4 $0x0  }
0x7b: {  	[sflag:s0] =	ssyncadd.s32 @!p4 $0xFFFFEC00  }
0x7c: {  	_ =	sfence.sel $0x180000  }
0x7d: {  	[bflag:$0x0] =	sbarrier.arrive $0xFFFF  }
0x7e: {  	_ =	strace $0x90000053  }
0x7f: {  	s0 =	stileid.u32;
	[bflag:$0x2] =	sbarrier.arrive $0xFFFF  }
0x80: {  	p0 =	sne.s32 s0, $0x0;
	s0 =	rddreg [dreg:$0x3]  }
0x81: {  	s0 =	sadd.s32 @!p0 $0x100000, s0  }
0x82: {  	[sflag:s0] =	ssyncadd.tile.s32 @!p0 $0x1;
	_ =	shalt  }
.Lfunc_end2:
_tile_overlayer_lowered:
.L_overlay_start_2:
0x83: {  	(tag) =	ssettag $0x2  }
0x84: {  	s0 =	rddreg [dreg:$0x0];
	s2 =	stileid.u32  }
0x85: {  	s1 =	rddreg [dreg:$0x1];
	p0 =	sne.s32 s2, $0x0  }
0x86: {  	s3 =	rddreg [dreg:$0x2];
	[bflag:$0x3] =	sbarrier.arrive $0xFFFF;
	s2 =	simm.s32 @!p0 $0x1C03  }
0x87: {  	[timem:s3], [sflag:s2] =	dma.local @!p0 [hbm:s0], s1  }
0x88: {  	s0 =	simm.s32 @!p0 $0x3  }
0x89: {  	_ =	swait.ge @!p0 [sflag:s0], s1  }
0x8a: {  	s1 =	ssub.s32 @!p0 $0x0, s1;
	[sflag:s0] =	ssyncset.done @!p0 $0x0  }
0x8b: {  	[sflag:s0] =	ssyncadd.s32 @!p0 s1  }
0x8c: {  	[bflag:$0x3] =	sbarrier.arrive $0xFFFF  }
0x8d: {  	_ =	shalt  }

</sc_bundles>
